<compile_context>
chip_gen: v7x
topology: tpu7x:2x2x1
jax: 0.10.2.dev20260603
libtpu: 0.0.44.dev20260713+nightly
codegen_flags: <defaults>
</compile_context>

<pallas_src>
import jax
import jax.numpy as jnp
from jax import lax
from jax.experimental import pallas as pl
from jax.experimental.pallas import tpu as pltpu
from jax.experimental.pallas import tpu_sc as plsc

N = 10000
E = 320000
R = 8
D = 128

NC = 1
NS = 16
NW = NC * NS

EPT = E // NW
CH = 120
EPT_PAD = 20160
CHUNKS = EPT_PAD // CH
SLAB = 8
NSLAB = CHUNKS // SLAB
NBUF = 3

NPAD = 10112
ROWS_PER_SUB = NPAD // NS

BN = 2528
GRID = NPAD // BN



def _idx_body(src_ref, et_ref, o_ref):
    o_ref[...] = et_ref[...] * NPAD + src_ref[...]


def _edge_row_index(src, edge_type):
    f = pl.pallas_call(
        _idx_body,
        out_shape=jax.ShapeDtypeStruct((E // 128, 128), jnp.int32),
    )
    return f(src.reshape(E // 128, 128), edge_type.reshape(E // 128, 128))


def _proj_body(a_ref, w_ref, p_ref):
    h = jax.nn.relu(a_ref[...])
    y = jnp.dot(h, w_ref[...], preferred_element_type=jnp.float32)
    for r in range(R + 1):
        p_ref[r] = y[:, r * D:(r + 1) * D]


_proj = pl.pallas_call(
    _proj_body,
    grid=(GRID,),
    in_specs=[
        pl.BlockSpec((BN, D), lambda i: (i, 0)),
        pl.BlockSpec((D, (R + 1) * D), lambda i: (0, 0)),
    ],
    out_specs=pl.BlockSpec((R + 1, BN, D), lambda i: (0, i, 0)),
    out_shape=jax.ShapeDtypeStruct((R + 1, NPAD, D), jnp.float32),
)


FBN = 1000


def _final_body(a_ref, o_ref):
    o_ref[...] = jax.nn.relu(a_ref[...])


_final = pl.pallas_call(
    _final_body,
    grid=(N // FBN,),
    in_specs=[pl.BlockSpec((FBN, D), lambda i: (i, 0))],
    out_specs=pl.BlockSpec((FBN, D), lambda i: (i, 0)),
    out_shape=jax.ShapeDtypeStruct((N, D), jnp.float32),
)



def _sc_body(p_hbm, idx_hbm, dst_hbm, out_hbm,
             idx_s, dst_s, rows_v, acc_sh, gsem, ssem, isem, vsem):
    sid = lax.axis_index("s")
    r0 = sid * ROWS_PER_SUB
    init_d = pltpu.async_copy(p_hbm.at[pl.ds(R * NPAD + r0, ROWS_PER_SUB)],
                              acc_sh.at[pl.ds(r0, ROWS_PER_SUB)], vsem)
    pltpu.sync_copy(idx_hbm.at[sid, pl.ds(0, SLAB)], idx_s.at[0])
    pltpu.sync_copy(dst_hbm.at[sid, pl.ds(0, SLAB)], dst_s.at[0])
    pltpu.async_copy(idx_hbm.at[sid, pl.ds(SLAB, SLAB)], idx_s.at[1], isem)
    pltpu.async_copy(dst_hbm.at[sid, pl.ds(SLAB, SLAB)], dst_s.at[1], isem)

    def prologue(c, carry):
        b = lax.rem(c, NBUF)
        pltpu.async_copy(p_hbm.at[idx_s.at[0, c]], rows_v.at[b], gsem.at[b])
        return carry

    lax.fori_loop(0, NBUF - 1, prologue, 0)
    init_d.wait()
    plsc.subcore_barrier()

    def step(c, carry):
        b = lax.rem(c, NBUF)
        par = lax.rem(c // SLAB, 2)
        row = lax.rem(c, SLAB)
        pltpu.make_async_copy(p_hbm.at[idx_s.at[par, row]],
                              rows_v.at[b], gsem.at[b]).wait()
        pltpu.async_copy(rows_v.at[b], acc_sh.at[dst_s.at[par, row]],
                         ssem.at[b], add=True)

        @pl.when(c >= 1)
        def _():
            bprev = lax.rem(c - 1 + NBUF, NBUF)
            pltpu.make_async_copy(rows_v.at[bprev],
                                  acc_sh.at[dst_s.at[0, 0]],
                                  ssem.at[bprev]).wait()

        @pl.when((row == 0) & (c >= SLAB) & (c + 2 * SLAB <= CHUNKS))
        def _():
            nxt = pl.multiple_of(c + SLAB, SLAB)
            npar = lax.rem((c + SLAB) // SLAB, 2)
            pltpu.async_copy(idx_hbm.at[sid, pl.ds(nxt, SLAB)],
                             idx_s.at[npar], isem)
            pltpu.async_copy(dst_hbm.at[sid, pl.ds(nxt, SLAB)],
                             dst_s.at[npar], isem)

        c2 = c + NBUF - 1
        @pl.when((lax.rem(c2, SLAB) == 0) & (c2 < CHUNKS))
        def _():
            pltpu.make_async_copy(idx_hbm.at[sid, pl.ds(0, SLAB)],
                                  idx_s.at[0], isem).wait()
            pltpu.make_async_copy(dst_hbm.at[sid, pl.ds(0, SLAB)],
                                  dst_s.at[0], isem).wait()

        @pl.when(c2 < CHUNKS)
        def _():
            b2 = lax.rem(c2, NBUF)
            par2 = lax.rem(c2 // SLAB, 2)
            row2 = lax.rem(c2, SLAB)
            pltpu.async_copy(p_hbm.at[idx_s.at[par2, row2]],
                             rows_v.at[b2], gsem.at[b2])

        return carry

    lax.fori_loop(0, CHUNKS, step, 0)
    pltpu.make_async_copy(rows_v.at[lax.rem(CHUNKS - 1, NBUF)],
                          acc_sh.at[dst_s.at[0, 0]],
                          ssem.at[lax.rem(CHUNKS - 1, NBUF)]).wait()
    plsc.subcore_barrier()
    pltpu.sync_copy(acc_sh.at[pl.ds(r0, ROWS_PER_SUB)],
                    out_hbm.at[pl.ds(r0, ROWS_PER_SUB)])


_sc_scatter = pl.kernel(
    _sc_body,
    out_type=jax.ShapeDtypeStruct((NPAD, D), jnp.float32),
    mesh=plsc.VectorSubcoreMesh(core_axis_name="c", subcore_axis_name="s",
                                num_cores=NC),
    scratch_types=[
        pltpu.VMEM((2, SLAB, CH), jnp.int32),
        pltpu.VMEM((2, SLAB, CH), jnp.int32),
        pltpu.VMEM((NBUF, CH, D), jnp.float32),
        pltpu.VMEM_SHARED((NPAD, D), jnp.float32),
        pltpu.SemaphoreType.DMA((NBUF,)),
        pltpu.SemaphoreType.DMA((NBUF,)),
        pltpu.SemaphoreType.DMA,
        pltpu.SemaphoreType.DMA,
    ],
)



def kernel(node_ids, edge_index, edge_type, embed,
           W_rel1, W_self1, W_rel2, W_self2, W_rel3, W_self3):
    del node_ids
    src = edge_index[0]
    dst = edge_index[1]
    npadrows = NPAD - N
    tpad = jnp.arange(NW * (EPT_PAD - EPT), dtype=jnp.int32)
    trash_idx = (N + tpad % npadrows
                 + NPAD * (tpad % R)).reshape(NW, EPT_PAD - EPT)
    trash_dst = (N + tpad % npadrows).reshape(NW, EPT_PAD - EPT)
    idx_t = _edge_row_index(src, edge_type).reshape(NW, EPT)
    idx3d = jnp.concatenate([idx_t, trash_idx], 1).reshape(NW, CHUNKS, CH)
    dst3d = jnp.concatenate([dst.reshape(NW, EPT), trash_dst],
                            1).reshape(NW, CHUNKS, CH)
    embed_pad = jnp.pad(embed, ((0, NPAD - N), (0, 0)))

    agg = embed_pad
    for w_rel, w_self in ((W_rel1, W_self1), (W_rel2, W_self2),
                          (W_rel3, W_self3)):
        w = jnp.concatenate([w_rel, w_self[None]], 0)
        w = w.transpose(1, 0, 2).reshape(D, (R + 1) * D)
        p = _proj(agg, w)
        agg = _sc_scatter(p.reshape((R + 1) * NPAD, D), idx3d, dst3d)
    return _final(agg)

# --- scband reference (transcript-rebuilt; emitter-appended) ---
"""Pipeline reference for scband-model-87943750353105 (READ-ONLY COPY).

The authoritative reference and input builder live on the scoring server;
editing this copy changes nothing except your own understanding.
"""

import jax, jax.numpy as jnp
import numpy as np

N = 10000
E = 320000
R = 8
D = 128  # h_dim = h_dim2 = h_dim3 = h_dim4


def setup_inputs(seed: int = 0) -> dict:
    key = jax.random.key(seed)
    ks = jax.random.split(key, 10)
    node_ids = jnp.arange(N, dtype=jnp.int32)
    edge_index = jax.random.randint(ks[0], (2, E), 0, N, dtype=jnp.int32)
    edge_type = jax.random.randint(ks[1], (E,), 0, R, dtype=jnp.int32)
    # Embed_Layer parameter: per-node embedding table (num_nodes, h_dim)
    embed = jax.random.normal(ks[2], (N, D), dtype=jnp.float32) * 0.02
    s = 1.0 / np.sqrt(D)
    # Three RGCN layers (num_hidden_layers=2 -> one hidden + final + final2)
    W_rel1 = jax.random.normal(ks[3], (R, D, D), dtype=jnp.float32) * s
    W_self1 = jax.random.normal(ks[4], (D, D), dtype=jnp.float32) * s
    W_rel2 = jax.random.normal(ks[5], (R, D, D), dtype=jnp.float32) * s
    W_self2 = jax.random.normal(ks[6], (D, D), dtype=jnp.float32) * s
    W_rel3 = jax.random.normal(ks[7], (R, D, D), dtype=jnp.float32) * s
    W_self3 = jax.random.normal(ks[8], (D, D), dtype=jnp.float32) * s
    return {
        "node_ids": node_ids,
        "edge_index": edge_index,
        "edge_type": edge_type,
        "embed": embed,
        "W_rel1": W_rel1,
        "W_self1": W_self1,
        "W_rel2": W_rel2,
        "W_self2": W_self2,
        "W_rel3": W_rel3,
        "W_self3": W_self3,
    }


def _rgcn_layer(h, edge_index, edge_type, W_rel, W_self):
    # Relational message passing: msg_e = h[src_e] @ W_rel[etype_e];
    # computed as per-relation projection then per-edge gather (memory-bound).
    src = edge_index[0]
    dst = edge_index[1]
    h_proj = jnp.einsum("ni,rio->rno", h, W_rel)  # (R, N, D)
    msg = h_proj[edge_type, src]  # gather (E, D)
    agg = jax.ops.segment_sum(msg, dst, num_segments=h.shape[0])  # scatter-add
    return jax.nn.relu(agg + h @ W_self)


def reference(node_ids, edge_index, edge_type, embed, W_rel1, W_self1, W_rel2, W_self2, W_rel3, W_self3):
    # Embed_Layer: embedding lookup by node id + relu (g.ndata['h'] init)
    h = jax.nn.relu(jnp.take(embed, node_ids, axis=0))
    # hidden RGCN layer (h_dim -> h_dim2)
    h = _rgcn_layer(h, edge_index, edge_type, W_rel1, W_self1)
    # final RGCN layer (h_dim2 -> h_dim3)
    h = _rgcn_layer(h, edge_index, edge_type, W_rel2, W_self2)
    # final2 RGCN layer (h_dim3 -> h_dim4)
    h = _rgcn_layer(h, edge_index, edge_type, W_rel3, W_self3)
    return h

if __name__ == "__main__":
    import jax
    _d = setup_inputs()
    print(jax.jit(kernel)(*tuple(_d.values())))

</pallas_src>

<mosaic_0001>
#map = affine_map<(d0, d1) -> (0, 0)>
#map1 = affine_map<(d0, d1) -> (0, 0, 0)>
module attributes {stable_mosaic.version = 14 : i64} {
  func.func @_sc_body(%arg0: i32, %arg1: i32, %arg2: memref<91008x128xf32, #tpu.memory_space<hbm>>, %arg3: memref<16x168x120xi32, #tpu.memory_space<hbm>>, %arg4: memref<16x168x120xi32, #tpu.memory_space<hbm>>, %arg5: memref<10112x128xf32, #tpu.memory_space<hbm>>, %arg6: memref<2x8x120xi32, #tpu.memory_space<vmem>>, %arg7: memref<2x8x120xi32, #tpu.memory_space<vmem>>, %arg8: memref<3x120x128xf32, #tpu.memory_space<vmem>>, %arg9: memref<10112x128xf32, #tpu.memory_space<vmem_shared>>, %arg10: memref<3x!tpu.dma_semaphore, #tpu.memory_space<semaphore_mem>>, %arg11: memref<3x!tpu.dma_semaphore, #tpu.memory_space<semaphore_mem>>, %arg12: memref<!tpu.dma_semaphore, #tpu.memory_space<semaphore_mem>>, %arg13: memref<!tpu.dma_semaphore, #tpu.memory_space<semaphore_mem>>) attributes {dimension_semantics = [#tpu.dimension_semantics<core_parallel>, #tpu.dimension_semantics<subcore_parallel>], iteration_bounds = array<i64: 1, 16>, scalar_prefetch = 0 : i64, scratch_operands = 8 : i64, tpu.core_type = #tpu.core_type<sc_vector_subcore>, window_params = [{transform_indices = #map}, {transform_indices = #map1}, {transform_indices = #map1}, {transform_indices = #map}]} {
    %mul3A = arith.constant 632 : i32
    %mul3A_0 = arith.muli %arg1, %mul3A : i32
    %add3A = arith.constant 80896 : i32
    %add3A_1 = arith.addi %add3A, %mul3A_0 : i32
    %dma_start3A = arith.constant 0 : i32
    %dma_start3A_2 = tpu.memref_slice %arg9[%mul3A_0, %dma_start3A] : memref<10112x128xf32, #tpu.memory_space<vmem_shared>> -> memref<632x128xf32, #tpu.memory_space<vmem_shared>>
    %dma_start3A_3 = arith.constant 0 : i32
    %dma_start3A_4 = tpu.memref_slice %arg2[%add3A_1, %dma_start3A_3] : memref<91008x128xf32, #tpu.memory_space<hbm>> -> memref<632x128xf32, #tpu.memory_space<hbm>>
    tpu.enqueue_dma source(%dma_start3A_4 : memref<632x128xf32, #tpu.memory_space<hbm>>) target(%dma_start3A_2 : memref<632x128xf32, #tpu.memory_space<vmem_shared>>) target_semaphore(%arg13 : memref<!tpu.dma_semaphore, #tpu.memory_space<semaphore_mem>>)
    %run_scoped3A = arith.constant 0 : i32
    "tpu.region"() ({
      %run_scoped3A_74 = tpu.sem_alloc : memref<!tpu.dma_semaphore, #tpu.memory_space<semaphore_mem>>
      %dma_start3A_75 = arith.constant 0 : i32
      %dma_start3A_76 = arith.constant 0 : i32
      %dma_start3A_77 = tpu.memref_slice %arg6[%run_scoped3A, %dma_start3A_75, %dma_start3A_76] : memref<2x8x120xi32, #tpu.memory_space<vmem>> -> memref<1x8x120xi32, #tpu.memory_space<vmem>>
      %dma_start3A_78 = tpu.memref_squeeze %dma_start3A_77 : memref<1x8x120xi32, #tpu.memory_space<vmem>> -> memref<8x120xi32, #tpu.memory_space<vmem>>
      %dma_start3A_79 = arith.constant 0 : i32
      %dma_start3A_80 = arith.constant 0 : i32
      %dma_start3A_81 = tpu.memref_slice %arg3[%arg1, %dma_start3A_79, %dma_start3A_80] : memref<16x168x120xi32, #tpu.memory_space<hbm>> -> memref<1x8x120xi32, #tpu.memory_space<hbm>>
      %dma_start3A_82 = tpu.memref_squeeze %dma_start3A_81 : memref<1x8x120xi32, #tpu.memory_space<hbm>> -> memref<8x120xi32, #tpu.memory_space<hbm>>
      %dma_start3A_83 = arith.constant 0 : i32
      %dma_start3A_84 = arith.constant 0 : i32
      %dma_start3A_85 = tpu.memref_slice %arg6[%run_scoped3A, %dma_start3A_83, %dma_start3A_84] : memref<2x8x120xi32, #tpu.memory_space<vmem>> -> memref<1x8x120xi32, #tpu.memory_space<vmem>>
      %dma_start3A_86 = tpu.memref_squeeze %dma_start3A_85 : memref<1x8x120xi32, #tpu.memory_space<vmem>> -> memref<8x120xi32, #tpu.memory_space<vmem>>
      %dma_start3A_87 = arith.constant 0 : i32
      %dma_start3A_88 = arith.constant 0 : i32
      %dma_start3A_89 = tpu.memref_slice %arg3[%arg1, %dma_start3A_87, %dma_start3A_88] : memref<16x168x120xi32, #tpu.memory_space<hbm>> -> memref<1x8x120xi32, #tpu.memory_space<hbm>>
      %dma_start3A_90 = tpu.memref_squeeze %dma_start3A_89 : memref<1x8x120xi32, #tpu.memory_space<hbm>> -> memref<8x120xi32, #tpu.memory_space<hbm>>
      tpu.enqueue_dma source(%dma_start3A_90 : memref<8x120xi32, #tpu.memory_space<hbm>>) target(%dma_start3A_86 : memref<8x120xi32, #tpu.memory_space<vmem>>) target_semaphore(%run_scoped3A_74 : memref<!tpu.dma_semaphore, #tpu.memory_space<semaphore_mem>>)
      %dma_wait3A_91 = arith.constant 0 : i32
      %dma_wait3A_92 = arith.constant 0 : i32
      %dma_wait3A_93 = tpu.memref_slice %arg6[%run_scoped3A, %dma_wait3A_91, %dma_wait3A_92] : memref<2x8x120xi32, #tpu.memory_space<vmem>> -> memref<1x8x120xi32, #tpu.memory_space<vmem>>
      %dma_wait3A_94 = tpu.memref_squeeze %dma_wait3A_93 : memref<1x8x120xi32, #tpu.memory_space<vmem>> -> memref<8x120xi32, #tpu.memory_space<vmem>>
      %dma_wait3A_95 = arith.constant 0 : i32
      %dma_wait3A_96 = arith.constant 0 : i32
      %dma_wait3A_97 = tpu.memref_slice %arg3[%arg1, %dma_wait3A_95, %dma_wait3A_96] : memref<16x168x120xi32, #tpu.memory_space<hbm>> -> memref<1x8x120xi32, #tpu.memory_space<hbm>>
      %dma_wait3A_98 = tpu.memref_squeeze %dma_wait3A_97 : memref<1x8x120xi32, #tpu.memory_space<hbm>> -> memref<8x120xi32, #tpu.memory_space<hbm>>
      %dma_wait3A_99 = arith.constant 0 : i32
      %dma_wait3A_100 = arith.constant 0 : i32
      %dma_wait3A_101 = tpu.memref_slice %arg6[%run_scoped3A, %dma_wait3A_99, %dma_wait3A_100] : memref<2x8x120xi32, #tpu.memory_space<vmem>> -> memref<1x8x120xi32, #tpu.memory_space<vmem>>
      %dma_wait3A_102 = tpu.memref_squeeze %dma_wait3A_101 : memref<1x8x120xi32, #tpu.memory_space<vmem>> -> memref<8x120xi32, #tpu.memory_space<vmem>>
      %dma_wait3A_103 = arith.constant 0 : i32
      %dma_wait3A_104 = arith.constant 0 : i32
      %dma_wait3A_105 = tpu.memref_slice %arg3[%arg1, %dma_wait3A_103, %dma_wait3A_104] : memref<16x168x120xi32, #tpu.memory_space<hbm>> -> memref<1x8x120xi32, #tpu.memory_space<hbm>>
      %dma_wait3A_106 = tpu.memref_squeeze %dma_wait3A_105 : memref<1x8x120xi32, #tpu.memory_space<hbm>> -> memref<8x120xi32, #tpu.memory_space<hbm>>
      tpu.wait_dma2 semaphore(%run_scoped3A_74 : memref<!tpu.dma_semaphore, #tpu.memory_space<semaphore_mem>>) src(%dma_wait3A_106 : memref<8x120xi32, #tpu.memory_space<hbm>>) dst(%dma_wait3A_102 : memref<8x120xi32, #tpu.memory_space<vmem>>)
      tpu.yield
    }) : () -> ()
    %run_scoped3A_5 = arith.constant 0 : i32
    "tpu.region"() ({
      %run_scoped3A_74 = tpu.sem_alloc : memref<!tpu.dma_semaphore, #tpu.memory_space<semaphore_mem>>
      %dma_start3A_75 = arith.constant 0 : i32
      %dma_start3A_76 = arith.constant 0 : i32
      %dma_start3A_77 = tpu.memref_slice %arg7[%run_scoped3A_5, %dma_start3A_75, %dma_start3A_76] : memref<2x8x120xi32, #tpu.memory_space<vmem>> -> memref<1x8x120xi32, #tpu.memory_space<vmem>>
      %dma_start3A_78 = tpu.memref_squeeze %dma_start3A_77 : memref<1x8x120xi32, #tpu.memory_space<vmem>> -> memref<8x120xi32, #tpu.memory_space<vmem>>
      %dma_start3A_79 = arith.constant 0 : i32
      %dma_start3A_80 = arith.constant 0 : i32
      %dma_start3A_81 = tpu.memref_slice %arg4[%arg1, %dma_start3A_79, %dma_start3A_80] : memref<16x168x120xi32, #tpu.memory_space<hbm>> -> memref<1x8x120xi32, #tpu.memory_space<hbm>>
      %dma_start3A_82 = tpu.memref_squeeze %dma_start3A_81 : memref<1x8x120xi32, #tpu.memory_space<hbm>> -> memref<8x120xi32, #tpu.memory_space<hbm>>
      %dma_start3A_83 = arith.constant 0 : i32
      %dma_start3A_84 = arith.constant 0 : i32
      %dma_start3A_85 = tpu.memref_slice %arg7[%run_scoped3A_5, %dma_start3A_83, %dma_start3A_84] : memref<2x8x120xi32, #tpu.memory_space<vmem>> -> memref<1x8x120xi32, #tpu.memory_space<vmem>>
      %dma_start3A_86 = tpu.memref_squeeze %dma_start3A_85 : memref<1x8x120xi32, #tpu.memory_space<vmem>> -> memref<8x120xi32, #tpu.memory_space<vmem>>
      %dma_start3A_87 = arith.constant 0 : i32
      %dma_start3A_88 = arith.constant 0 : i32
      %dma_start3A_89 = tpu.memref_slice %arg4[%arg1, %dma_start3A_87, %dma_start3A_88] : memref<16x168x120xi32, #tpu.memory_space<hbm>> -> memref<1x8x120xi32, #tpu.memory_space<hbm>>
      %dma_start3A_90 = tpu.memref_squeeze %dma_start3A_89 : memref<1x8x120xi32, #tpu.memory_space<hbm>> -> memref<8x120xi32, #tpu.memory_space<hbm>>
      tpu.enqueue_dma source(%dma_start3A_90 : memref<8x120xi32, #tpu.memory_space<hbm>>) target(%dma_start3A_86 : memref<8x120xi32, #tpu.memory_space<vmem>>) target_semaphore(%run_scoped3A_74 : memref<!tpu.dma_semaphore, #tpu.memory_space<semaphore_mem>>)
      %dma_wait3A_91 = arith.constant 0 : i32
      %dma_wait3A_92 = arith.constant 0 : i32
      %dma_wait3A_93 = tpu.memref_slice %arg7[%run_scoped3A_5, %dma_wait3A_91, %dma_wait3A_92] : memref<2x8x120xi32, #tpu.memory_space<vmem>> -> memref<1x8x120xi32, #tpu.memory_space<vmem>>
      %dma_wait3A_94 = tpu.memref_squeeze %dma_wait3A_93 : memref<1x8x120xi32, #tpu.memory_space<vmem>> -> memref<8x120xi32, #tpu.memory_space<vmem>>
      %dma_wait3A_95 = arith.constant 0 : i32
      %dma_wait3A_96 = arith.constant 0 : i32
      %dma_wait3A_97 = tpu.memref_slice %arg4[%arg1, %dma_wait3A_95, %dma_wait3A_96] : memref<16x168x120xi32, #tpu.memory_space<hbm>> -> memref<1x8x120xi32, #tpu.memory_space<hbm>>
      %dma_wait3A_98 = tpu.memref_squeeze %dma_wait3A_97 : memref<1x8x120xi32, #tpu.memory_space<hbm>> -> memref<8x120xi32, #tpu.memory_space<hbm>>
      %dma_wait3A_99 = arith.constant 0 : i32
      %dma_wait3A_100 = arith.constant 0 : i32
      %dma_wait3A_101 = tpu.memref_slice %arg7[%run_scoped3A_5, %dma_wait3A_99, %dma_wait3A_100] : memref<2x8x120xi32, #tpu.memory_space<vmem>> -> memref<1x8x120xi32, #tpu.memory_space<vmem>>
      %dma_wait3A_102 = tpu.memref_squeeze %dma_wait3A_101 : memref<1x8x120xi32, #tpu.memory_space<vmem>> -> memref<8x120xi32, #tpu.memory_space<vmem>>
      %dma_wait3A_103 = arith.constant 0 : i32
      %dma_wait3A_104 = arith.constant 0 : i32
      %dma_wait3A_105 = tpu.memref_slice %arg4[%arg1, %dma_wait3A_103, %dma_wait3A_104] : memref<16x168x120xi32, #tpu.memory_space<hbm>> -> memref<1x8x120xi32, #tpu.memory_space<hbm>>
      %dma_wait3A_106 = tpu.memref_squeeze %dma_wait3A_105 : memref<1x8x120xi32, #tpu.memory_space<hbm>> -> memref<8x120xi32, #tpu.memory_space<hbm>>
      tpu.wait_dma2 semaphore(%run_scoped3A_74 : memref<!tpu.dma_semaphore, #tpu.memory_space<semaphore_mem>>) src(%dma_wait3A_106 : memref<8x120xi32, #tpu.memory_space<hbm>>) dst(%dma_wait3A_102 : memref<8x120xi32, #tpu.memory_space<vmem>>)
      tpu.yield
    }) : () -> ()
    %dma_start3A_6 = arith.constant 1 : i32
    %dma_start3A_7 = arith.constant 0 : i32
    %dma_start3A_8 = arith.constant 0 : i32
    %dma_start3A_9 = tpu.memref_slice %arg6[%dma_start3A_6, %dma_start3A_7, %dma_start3A_8] : memref<2x8x120xi32, #tpu.memory_space<vmem>> -> memref<1x8x120xi32, #tpu.memory_space<vmem>>
    %dma_start3A_10 = tpu.memref_squeeze %dma_start3A_9 : memref<1x8x120xi32, #tpu.memory_space<vmem>> -> memref<8x120xi32, #tpu.memory_space<vmem>>
    %dma_start3A_11 = arith.constant 8 : i32
    %dma_start3A_12 = arith.constant 0 : i32
    %dma_start3A_13 = tpu.memref_slice %arg3[%arg1, %dma_start3A_11, %dma_start3A_12] : memref<16x168x120xi32, #tpu.memory_space<hbm>> -> memref<1x8x120xi32, #tpu.memory_space<hbm>>
    %dma_start3A_14 = tpu.memref_squeeze %dma_start3A_13 : memref<1x8x120xi32, #tpu.memory_space<hbm>> -> memref<8x120xi32, #tpu.memory_space<hbm>>
    %dma_start3A_15 = arith.constant 0 : i32
    %dma_start3A_16 = arith.constant 0 : i32
    %dma_start3A_17 = tpu.memref_slice %arg6[%dma_start3A_6, %dma_start3A_15, %dma_start3A_16] : memref<2x8x120xi32, #tpu.memory_space<vmem>> -> memref<1x8x120xi32, #tpu.memory_space<vmem>>
    %dma_start3A_18 = tpu.memref_squeeze %dma_start3A_17 : memref<1x8x120xi32, #tpu.memory_space<vmem>> -> memref<8x120xi32, #tpu.memory_space<vmem>>
    %dma_start3A_19 = arith.constant 8 : i32
    %dma_start3A_20 = arith.constant 0 : i32
    %dma_start3A_21 = tpu.memref_slice %arg3[%arg1, %dma_start3A_19, %dma_start3A_20] : memref<16x168x120xi32, #tpu.memory_space<hbm>> -> memref<1x8x120xi32, #tpu.memory_space<hbm>>
    %dma_start3A_22 = tpu.memref_squeeze %dma_start3A_21 : memref<1x8x120xi32, #tpu.memory_space<hbm>> -> memref<8x120xi32, #tpu.memory_space<hbm>>
    tpu.enqueue_dma source(%dma_start3A_22 : memref<8x120xi32, #tpu.memory_space<hbm>>) target(%dma_start3A_18 : memref<8x120xi32, #tpu.memory_space<vmem>>) target_semaphore(%arg12 : memref<!tpu.dma_semaphore, #tpu.memory_space<semaphore_mem>>)
    %dma_start3A_23 = arith.constant 1 : i32
    %dma_start3A_24 = arith.constant 0 : i32
    %dma_start3A_25 = arith.constant 0 : i32
    %dma_start3A_26 = tpu.memref_slice %arg7[%dma_start3A_23, %dma_start3A_24, %dma_start3A_25] : memref<2x8x120xi32, #tpu.memory_space<vmem>> -> memref<1x8x120xi32, #tpu.memory_space<vmem>>
    %dma_start3A_27 = tpu.memref_squeeze %dma_start3A_26 : memref<1x8x120xi32, #tpu.memory_space<vmem>> -> memref<8x120xi32, #tpu.memory_space<vmem>>
    %dma_start3A_28 = arith.constant 8 : i32
    %dma_start3A_29 = arith.constant 0 : i32
    %dma_start3A_30 = tpu.memref_slice %arg4[%arg1, %dma_start3A_28, %dma_start3A_29] : memref<16x168x120xi32, #tpu.memory_space<hbm>> -> memref<1x8x120xi32, #tpu.memory_space<hbm>>
    %dma_start3A_31 = tpu.memref_squeeze %dma_start3A_30 : memref<1x8x120xi32, #tpu.memory_space<hbm>> -> memref<8x120xi32, #tpu.memory_space<hbm>>
    %dma_start3A_32 = arith.constant 0 : i32
    %dma_start3A_33 = arith.constant 0 : i32
    %dma_start3A_34 = tpu.memref_slice %arg7[%dma_start3A_23, %dma_start3A_32, %dma_start3A_33] : memref<2x8x120xi32, #tpu.memory_space<vmem>> -> memref<1x8x120xi32, #tpu.memory_space<vmem>>
    %dma_start3A_35 = tpu.memref_squeeze %dma_start3A_34 : memref<1x8x120xi32, #tpu.memory_space<vmem>> -> memref<8x120xi32, #tpu.memory_space<vmem>>
    %dma_start3A_36 = arith.constant 8 : i32
    %dma_start3A_37 = arith.constant 0 : i32
    %dma_start3A_38 = tpu.memref_slice %arg4[%arg1, %dma_start3A_36, %dma_start3A_37] : memref<16x168x120xi32, #tpu.memory_space<hbm>> -> memref<1x8x120xi32, #tpu.memory_space<hbm>>
    %dma_start3A_39 = tpu.memref_squeeze %dma_start3A_38 : memref<1x8x120xi32, #tpu.memory_space<hbm>> -> memref<8x120xi32, #tpu.memory_space<hbm>>
    tpu.enqueue_dma source(%dma_start3A_39 : memref<8x120xi32, #tpu.memory_space<hbm>>) target(%dma_start3A_35 : memref<8x120xi32, #tpu.memory_space<vmem>>) target_semaphore(%arg12 : memref<!tpu.dma_semaphore, #tpu.memory_space<semaphore_mem>>)
    %scan3A = arith.constant 0 : i32
    %scan3A_40 = arith.constant 0 : i32
    %scan3A_41 = arith.constant 2 : i32
    %scan3A_42 = arith.addi %scan3A_40, %scan3A_41 : i32
    %scan3A_43 = arith.constant 1 : i32
    scf.for %scan3A_74 = %scan3A_40 to %scan3A_42 step %scan3A_43  : i32 {
      %rem3A_75 = arith.constant 3 : i32
      %rem3A_76 = arith.remsi %scan3A_74, %rem3A_75 : i32
      %dma_start3A_77 = arith.constant 0 : i32
      %dma_start3A_78 = arith.constant 0 : i32
      %dma_start3A_79 = arith.constant 0 : i32
      %dma_start3A_80 = tpu.memref_slice %arg8[%rem3A_76, %dma_start3A_78, %dma_start3A_79] : memref<3x120x128xf32, #tpu.memory_space<vmem>> -> memref<1x120x128xf32, #tpu.memory_space<vmem>>
      %dma_start3A_81 = tpu.memref_squeeze %dma_start3A_80 : memref<1x120x128xf32, #tpu.memory_space<vmem>> -> memref<120x128xf32, #tpu.memory_space<vmem>>
      %dma_start3A_82 = arith.constant 0 : i32
      %dma_start3A_83 = tpu.memref_slice %arg6[%dma_start3A_77, %scan3A_74, %dma_start3A_82] : memref<2x8x120xi32, #tpu.memory_space<vmem>> -> memref<1x1x120xi32, #tpu.memory_space<vmem>>
      %dma_start3A_84 = tpu.memref_squeeze %dma_start3A_83 : memref<1x1x120xi32, #tpu.memory_space<vmem>> -> memref<120xi32, #tpu.memory_space<vmem>>
      %dma_start3A_85 = arith.constant 0 : i32
      %dma_start3A_86 = arith.constant 0 : i32
      %dma_start3A_87 = tpu.memref_slice %arg2[%dma_start3A_85, %dma_start3A_86] : memref<91008x128xf32, #tpu.memory_space<hbm>> -> memref<91008x128xf32, #tpu.memory_space<hbm>>
      %dma_start3A_88 = tpu.memref_slice %arg10[%rem3A_76] : memref<3x!tpu.dma_semaphore, #tpu.memory_space<semaphore_mem>> -> memref<1x!tpu.dma_semaphore, #tpu.memory_space<semaphore_mem>>
      %dma_start3A_89 = tpu.memref_squeeze %dma_start3A_88 : memref<1x!tpu.dma_semaphore, #tpu.memory_space<semaphore_mem>> -> memref<!tpu.dma_semaphore, #tpu.memory_space<semaphore_mem>>
      tpu.enqueue_indirect_dma source(%dma_start3A_87 : memref<91008x128xf32, #tpu.memory_space<hbm>>) target(%dma_start3A_81 : memref<120x128xf32, #tpu.memory_space<vmem>>) offsets(%dma_start3A_84 : memref<120xi32, #tpu.memory_space<vmem>>) semaphore(%dma_start3A_89 : memref<!tpu.dma_semaphore, #tpu.memory_space<semaphore_mem>>)
    }
    %scan3A_44 = arith.constant 2 : i32
    %dma_wait3A = arith.constant 0 : i32
    %dma_wait3A_45 = tpu.memref_slice %arg9[%mul3A_0, %dma_wait3A] : memref<10112x128xf32, #tpu.memory_space<vmem_shared>> -> memref<632x128xf32, #tpu.memory_space<vmem_shared>>
    %dma_wait3A_46 = arith.constant 0 : i32
    %dma_wait3A_47 = tpu.memref_slice %arg2[%add3A_1, %dma_wait3A_46] : memref<91008x128xf32, #tpu.memory_space<hbm>> -> memref<632x128xf32, #tpu.memory_space<hbm>>
    tpu.wait_dma2 semaphore(%arg13 : memref<!tpu.dma_semaphore, #tpu.memory_space<semaphore_mem>>) src(%dma_wait3A_47 : memref<632x128xf32, #tpu.memory_space<hbm>>) dst(%dma_wait3A_45 : memref<632x128xf32, #tpu.memory_space<vmem_shared>>)
    %barrier3A = arith.constant 0 : index
    tpu.barrier barrier_id(%barrier3A)
    %scan3A_48 = arith.constant 0 : i32
    %scan3A_49 = arith.constant 0 : i32
    %scan3A_50 = arith.constant 168 : i32
    %scan3A_51 = arith.addi %scan3A_49, %scan3A_50 : i32
    %scan3A_52 = arith.constant 1 : i32
    scf.for %scan3A_74 = %scan3A_49 to %scan3A_51 step %scan3A_52  : i32 {
      %rem3A_75 = arith.constant 3 : i32
      %rem3A_76 = arith.remsi %scan3A_74, %rem3A_75 : i32
      %jit3A = arith.constant 8 : i32
      %div3A = arith.divsi %scan3A_74, %jit3A : i32
      %sign3A = arith.constant 0 : i32
      %sign3A_77 = arith.cmpi sgt, %scan3A_74, %sign3A : i32
      %sign3A_78 = arith.extui %sign3A_77 : i1 to i32
      %sign3A_79 = arith.constant 0 : i32
      %sign3A_80 = arith.cmpi slt, %scan3A_74, %sign3A_79 : i32
      %sign3A_81 = arith.extui %sign3A_80 : i1 to i32
      %sign3A_82 = arith.subi %sign3A_78, %sign3A_81 : i32
      %sign3A_83 = arith.constant 0 : i32
      %sign3A_84 = arith.cmpi sgt, %jit3A, %sign3A_83 : i32
      %sign3A_85 = arith.extui %sign3A_84 : i1 to i32
      %sign3A_86 = arith.constant 0 : i32
      %sign3A_87 = arith.cmpi slt, %jit3A, %sign3A_86 : i32
      %sign3A_88 = arith.extui %sign3A_87 : i1 to i32
      %sign3A_89 = arith.subi %sign3A_85, %sign3A_88 : i32
      %ne3A = arith.cmpi ne, %sign3A_82, %sign3A_89 : i32
      %rem3A_90 = arith.remsi %scan3A_74, %jit3A : i32
      %ne3A_91 = arith.constant 0 : i32
      %ne3A_92 = arith.cmpi ne, %rem3A_90, %ne3A_91 : i32
      %and3A = arith.andi %ne3A, %ne3A_92 : i1
      %sub3A = arith.constant 1 : i32
      %sub3A_93 = arith.subi %div3A, %sub3A : i32
      %select_n3A = arith.select %and3A, %sub3A_93, %div3A : i32
      %rem3A_94 = arith.constant 2 : i32
      %rem3A_95 = arith.remsi %select_n3A, %rem3A_94 : i32
      %rem3A_96 = arith.constant 8 : i32
      %rem3A_97 = arith.remsi %scan3A_74, %rem3A_96 : i32
      %dma_wait3A_98 = arith.constant 0 : i32
      %dma_wait3A_99 = arith.constant 0 : i32
      %dma_wait3A_100 = tpu.memref_slice %arg8[%rem3A_76, %dma_wait3A_98, %dma_wait3A_99] : memref<3x120x128xf32, #tpu.memory_space<vmem>> -> memref<1x120x128xf32, #tpu.memory_space<vmem>>
      %dma_wait3A_101 = tpu.memref_squeeze %dma_wait3A_100 : memref<1x120x128xf32, #tpu.memory_space<vmem>> -> memref<120x128xf32, #tpu.memory_space<vmem>>
      %dma_wait3A_102 = arith.constant 0 : i32
      %dma_wait3A_103 = tpu.memref_slice %arg6[%rem3A_95, %rem3A_97, %dma_wait3A_102] : memref<2x8x120xi32, #tpu.memory_space<vmem>> -> memref<1x1x120xi32, #tpu.memory_space<vmem>>
      %dma_wait3A_104 = tpu.memref_squeeze %dma_wait3A_103 : memref<1x1x120xi32, #tpu.memory_space<vmem>> -> memref<120xi32, #tpu.memory_space<vmem>>
      %dma_wait3A_105 = arith.constant 0 : i32
      %dma_wait3A_106 = arith.constant 0 : i32
      %dma_wait3A_107 = tpu.memref_slice %arg2[%dma_wait3A_105, %dma_wait3A_106] : memref<91008x128xf32, #tpu.memory_space<hbm>> -> memref<91008x128xf32, #tpu.memory_space<hbm>>
      %dma_wait3A_108 = tpu.memref_slice %arg10[%rem3A_76] : memref<3x!tpu.dma_semaphore, #tpu.memory_space<semaphore_mem>> -> memref<1x!tpu.dma_semaphore, #tpu.memory_space<semaphore_mem>>
      %dma_wait3A_109 = tpu.memref_squeeze %dma_wait3A_108 : memref<1x!tpu.dma_semaphore, #tpu.memory_space<semaphore_mem>> -> memref<!tpu.dma_semaphore, #tpu.memory_space<semaphore_mem>>
      tpu.wait_indirect_dma semaphore(%dma_wait3A_109 : memref<!tpu.dma_semaphore, #tpu.memory_space<semaphore_mem>>) src(%dma_wait3A_107 : memref<91008x128xf32, #tpu.memory_space<hbm>>) dst(%dma_wait3A_101 : memref<120x128xf32, #tpu.memory_space<vmem>>)
      %dma_start3A_110 = arith.constant 0 : i32
      %dma_start3A_111 = arith.constant 0 : i32
      %dma_start3A_112 = tpu.memref_slice %arg8[%rem3A_76, %dma_start3A_110, %dma_start3A_111] : memref<3x120x128xf32, #tpu.memory_space<vmem>> -> memref<1x120x128xf32, #tpu.memory_space<vmem>>
      %dma_start3A_113 = tpu.memref_squeeze %dma_start3A_112 : memref<1x120x128xf32, #tpu.memory_space<vmem>> -> memref<120x128xf32, #tpu.memory_space<vmem>>
      %dma_start3A_114 = arith.constant 0 : i32
      %dma_start3A_115 = tpu.memref_slice %arg7[%rem3A_95, %rem3A_97, %dma_start3A_114] : memref<2x8x120xi32, #tpu.memory_space<vmem>> -> memref<1x1x120xi32, #tpu.memory_space<vmem>>
      %dma_start3A_116 = tpu.memref_squeeze %dma_start3A_115 : memref<1x1x120xi32, #tpu.memory_space<vmem>> -> memref<120xi32, #tpu.memory_space<vmem>>
      %dma_start3A_117 = arith.constant 0 : i32
      %dma_start3A_118 = arith.constant 0 : i32
      %dma_start3A_119 = tpu.memref_slice %arg9[%dma_start3A_117, %dma_start3A_118] : memref<10112x128xf32, #tpu.memory_space<vmem_shared>> -> memref<10112x128xf32, #tpu.memory_space<vmem_shared>>
      %dma_start3A_120 = tpu.memref_slice %arg11[%rem3A_76] : memref<3x!tpu.dma_semaphore, #tpu.memory_space<semaphore_mem>> -> memref<1x!tpu.dma_semaphore, #tpu.memory_space<semaphore_mem>>
      %dma_start3A_121 = tpu.memref_squeeze %dma_start3A_120 : memref<1x!tpu.dma_semaphore, #tpu.memory_space<semaphore_mem>> -> memref<!tpu.dma_semaphore, #tpu.memory_space<semaphore_mem>>
      tpu.enqueue_indirect_dma source(%dma_start3A_113 : memref<120x128xf32, #tpu.memory_space<vmem>>) target(%dma_start3A_119 : memref<10112x128xf32, #tpu.memory_space<vmem_shared>>) offsets(%dma_start3A_116 : memref<120xi32, #tpu.memory_space<vmem>>) semaphore(%dma_start3A_121 : memref<!tpu.dma_semaphore, #tpu.memory_space<semaphore_mem>>) {add = true}
      %ge3A = arith.constant 1 : i32
      %ge3A_122 = arith.cmpi sge, %scan3A_74, %ge3A : i32
      %convert_element_type3A = arith.extui %ge3A_122 : i1 to i32
      %cond3A = arith.constant 0 : i32
      %cond3A_123 = arith.cmpi ne, %convert_element_type3A, %cond3A : i32
      scf.if %cond3A_123 {
        %sub3A_153 = arith.constant 1 : i32
        %sub3A_154 = arith.subi %scan3A_74, %sub3A_153 : i32
        %add3A_155 = arith.constant 3 : i32
        %add3A_156 = arith.addi %sub3A_154, %add3A_155 : i32
        %rem3A_157 = arith.constant 3 : i32
        %rem3A_158 = arith.remsi %add3A_156, %rem3A_157 : i32
        %dma_wait3A_159 = arith.constant 0 : i32
        %dma_wait3A_160 = arith.constant 0 : i32
        %dma_wait3A_161 = arith.constant 0 : i32
        %dma_wait3A_162 = arith.constant 0 : i32
        %dma_wait3A_163 = tpu.memref_slice %arg8[%rem3A_158, %dma_wait3A_161, %dma_wait3A_162] : memref<3x120x128xf32, #tpu.memory_space<vmem>> -> memref<1x120x128xf32, #tpu.memory_space<vmem>>
        %dma_wait3A_164 = tpu.memref_squeeze %dma_wait3A_163 : memref<1x120x128xf32, #tpu.memory_space<vmem>> -> memref<120x128xf32, #tpu.memory_space<vmem>>
        %dma_wait3A_165 = arith.constant 0 : i32
        %dma_wait3A_166 = tpu.memref_slice %arg7[%dma_wait3A_159, %dma_wait3A_160, %dma_wait3A_165] : memref<2x8x120xi32, #tpu.memory_space<vmem>> -> memref<1x1x120xi32, #tpu.memory_space<vmem>>
        %dma_wait3A_167 = tpu.memref_squeeze %dma_wait3A_166 : memref<1x1x120xi32, #tpu.memory_space<vmem>> -> memref<120xi32, #tpu.memory_space<vmem>>
        %dma_wait3A_168 = arith.constant 0 : i32
        %dma_wait3A_169 = arith.constant 0 : i32
        %dma_wait3A_170 = tpu.memref_slice %arg9[%dma_wait3A_168, %dma_wait3A_169] : memref<10112x128xf32, #tpu.memory_space<vmem_shared>> -> memref<10112x128xf32, #tpu.memory_space<vmem_shared>>
        %dma_wait3A_171 = tpu.memref_slice %arg11[%rem3A_158] : memref<3x!tpu.dma_semaphore, #tpu.memory_space<semaphore_mem>> -> memref<1x!tpu.dma_semaphore, #tpu.memory_space<semaphore_mem>>
        %dma_wait3A_172 = tpu.memref_squeeze %dma_wait3A_171 : memref<1x!tpu.dma_semaphore, #tpu.memory_space<semaphore_mem>> -> memref<!tpu.dma_semaphore, #tpu.memory_space<semaphore_mem>>
        tpu.wait_indirect_dma semaphore(%dma_wait3A_172 : memref<!tpu.dma_semaphore, #tpu.memory_space<semaphore_mem>>) src(%dma_wait3A_164 : memref<120x128xf32, #tpu.memory_space<vmem>>) dst(%dma_wait3A_170 : memref<10112x128xf32, #tpu.memory_space<vmem_shared>>)
      } else {
      }
      %eq3A = arith.constant 0 : i32
      %eq3A_124 = arith.cmpi eq, %rem3A_97, %eq3A : i32
      %ge3A_125 = arith.constant 8 : i32
      %ge3A_126 = arith.cmpi sge, %scan3A_74, %ge3A_125 : i32
      %and3A_127 = arith.andi %eq3A_124, %ge3A_126 : i1
      %add3A_128 = arith.constant 16 : i32
      %add3A_129 = arith.addi %scan3A_74, %add3A_128 : i32
      %le3A = arith.constant 168 : i32
      %le3A_130 = arith.cmpi sle, %add3A_129, %le3A : i32
      %and3A_131 = arith.andi %and3A_127, %le3A_130 : i1
      %convert_element_type3A_132 = arith.extui %and3A_131 : i1 to i32
      %cond3A_133 = arith.constant 0 : i32
      %cond3A_134 = arith.cmpi ne, %convert_element_type3A_132, %cond3A_133 : i32
      scf.if %cond3A_134 {
        %add3A_153 = arith.constant 8 : i32
        %add3A_154 = arith.addi %scan3A_74, %add3A_153 : i32
        %multiple_of3A = tpu.assume_multiple %add3A_154, 8 : i32
        %add3A_155 = arith.constant 8 : i32
        %add3A_156 = arith.addi %scan3A_74, %add3A_155 : i32
        %jit3A_157 = arith.constant 8 : i32
        %div3A_158 = arith.divsi %add3A_156, %jit3A_157 : i32
        %sign3A_159 = arith.constant 0 : i32
        %sign3A_160 = arith.cmpi sgt, %add3A_156, %sign3A_159 : i32
        %sign3A_161 = arith.extui %sign3A_160 : i1 to i32
        %sign3A_162 = arith.constant 0 : i32
        %sign3A_163 = arith.cmpi slt, %add3A_156, %sign3A_162 : i32
        %sign3A_164 = arith.extui %sign3A_163 : i1 to i32
        %sign3A_165 = arith.subi %sign3A_161, %sign3A_164 : i32
        %sign3A_166 = arith.constant 0 : i32
        %sign3A_167 = arith.cmpi sgt, %jit3A_157, %sign3A_166 : i32
        %sign3A_168 = arith.extui %sign3A_167 : i1 to i32
        %sign3A_169 = arith.constant 0 : i32
        %sign3A_170 = arith.cmpi slt, %jit3A_157, %sign3A_169 : i32
        %sign3A_171 = arith.extui %sign3A_170 : i1 to i32
        %sign3A_172 = arith.subi %sign3A_168, %sign3A_171 : i32
        %ne3A_173 = arith.cmpi ne, %sign3A_165, %sign3A_172 : i32
        %rem3A_174 = arith.remsi %add3A_156, %jit3A_157 : i32
        %ne3A_175 = arith.constant 0 : i32
        %ne3A_176 = arith.cmpi ne, %rem3A_174, %ne3A_175 : i32
        %and3A_177 = arith.andi %ne3A_173, %ne3A_176 : i1
        %sub3A_178 = arith.constant 1 : i32
        %sub3A_179 = arith.subi %div3A_158, %sub3A_178 : i32
        %select_n3A_180 = arith.select %and3A_177, %sub3A_179, %div3A_158 : i32
        %rem3A_181 = arith.constant 2 : i32
        %rem3A_182 = arith.remsi %select_n3A_180, %rem3A_181 : i32
        %dma_start3A_183 = arith.constant 0 : i32
        %dma_start3A_184 = arith.constant 0 : i32
        %dma_start3A_185 = tpu.memref_slice %arg6[%rem3A_182, %dma_start3A_183, %dma_start3A_184] : memref<2x8x120xi32, #tpu.memory_space<vmem>> -> memref<1x8x120xi32, #tpu.memory_space<vmem>>
        %dma_start3A_186 = tpu.memref_squeeze %dma_start3A_185 : memref<1x8x120xi32, #tpu.memory_space<vmem>> -> memref<8x120xi32, #tpu.memory_space<vmem>>
        %dma_start3A_187 = arith.constant 0 : i32
        %dma_start3A_188 = tpu.memref_slice %arg3[%arg1, %multiple_of3A, %dma_start3A_187] : memref<16x168x120xi32, #tpu.memory_space<hbm>> -> memref<1x8x120xi32, #tpu.memory_space<hbm>>
        %dma_start3A_189 = tpu.memref_squeeze %dma_start3A_188 : memref<1x8x120xi32, #tpu.memory_space<hbm>> -> memref<8x120xi32, #tpu.memory_space<hbm>>
        %dma_start3A_190 = arith.constant 0 : i32
        %dma_start3A_191 = arith.constant 0 : i32
        %dma_start3A_192 = tpu.memref_slice %arg6[%rem3A_182, %dma_start3A_190, %dma_start3A_191] : memref<2x8x120xi32, #tpu.memory_space<vmem>> -> memref<1x8x120xi32, #tpu.memory_space<vmem>>
        %dma_start3A_193 = tpu.memref_squeeze %dma_start3A_192 : memref<1x8x120xi32, #tpu.memory_space<vmem>> -> memref<8x120xi32, #tpu.memory_space<vmem>>
        %dma_start3A_194 = arith.constant 0 : i32
        %dma_start3A_195 = tpu.memref_slice %arg3[%arg1, %multiple_of3A, %dma_start3A_194] : memref<16x168x120xi32, #tpu.memory_space<hbm>> -> memref<1x8x120xi32, #tpu.memory_space<hbm>>
        %dma_start3A_196 = tpu.memref_squeeze %dma_start3A_195 : memref<1x8x120xi32, #tpu.memory_space<hbm>> -> memref<8x120xi32, #tpu.memory_space<hbm>>
        tpu.enqueue_dma source(%dma_start3A_196 : memref<8x120xi32, #tpu.memory_space<hbm>>) target(%dma_start3A_193 : memref<8x120xi32, #tpu.memory_space<vmem>>) target_semaphore(%arg12 : memref<!tpu.dma_semaphore, #tpu.memory_space<semaphore_mem>>)
        %dma_start3A_197 = arith.constant 0 : i32
        %dma_start3A_198 = arith.constant 0 : i32
        %dma_start3A_199 = tpu.memref_slice %arg7[%rem3A_182, %dma_start3A_197, %dma_start3A_198] : memref<2x8x120xi32, #tpu.memory_space<vmem>> -> memref<1x8x120xi32, #tpu.memory_space<vmem>>
        %dma_start3A_200 = tpu.memref_squeeze %dma_start3A_199 : memref<1x8x120xi32, #tpu.memory_space<vmem>> -> memref<8x120xi32, #tpu.memory_space<vmem>>
        %dma_start3A_201 = arith.constant 0 : i32
        %dma_start3A_202 = tpu.memref_slice %arg4[%arg1, %multiple_of3A, %dma_start3A_201] : memref<16x168x120xi32, #tpu.memory_space<hbm>> -> memref<1x8x120xi32, #tpu.memory_space<hbm>>
        %dma_start3A_203 = tpu.memref_squeeze %dma_start3A_202 : memref<1x8x120xi32, #tpu.memory_space<hbm>> -> memref<8x120xi32, #tpu.memory_space<hbm>>
        %dma_start3A_204 = arith.constant 0 : i32
        %dma_start3A_205 = arith.constant 0 : i32
        %dma_start3A_206 = tpu.memref_slice %arg7[%rem3A_182, %dma_start3A_204, %dma_start3A_205] : memref<2x8x120xi32, #tpu.memory_space<vmem>> -> memref<1x8x120xi32, #tpu.memory_space<vmem>>
        %dma_start3A_207 = tpu.memref_squeeze %dma_start3A_206 : memref<1x8x120xi32, #tpu.memory_space<vmem>> -> memref<8x120xi32, #tpu.memory_space<vmem>>
        %dma_start3A_208 = arith.constant 0 : i32
        %dma_start3A_209 = tpu.memref_slice %arg4[%arg1, %multiple_of3A, %dma_start3A_208] : memref<16x168x120xi32, #tpu.memory_space<hbm>> -> memref<1x8x120xi32, #tpu.memory_space<hbm>>
        %dma_start3A_210 = tpu.memref_squeeze %dma_start3A_209 : memref<1x8x120xi32, #tpu.memory_space<hbm>> -> memref<8x120xi32, #tpu.memory_space<hbm>>
        tpu.enqueue_dma source(%dma_start3A_210 : memref<8x120xi32, #tpu.memory_space<hbm>>) target(%dma_start3A_207 : memref<8x120xi32, #tpu.memory_space<vmem>>) target_semaphore(%arg12 : memref<!tpu.dma_semaphore, #tpu.memory_space<semaphore_mem>>)
      } else {
      }
      %add3A_135 = arith.constant 3 : i32
      %add3A_136 = arith.addi %scan3A_74, %add3A_135 : i32
      %sub3A_137 = arith.constant 1 : i32
      %sub3A_138 = arith.subi %add3A_136, %sub3A_137 : i32
      %rem3A_139 = arith.constant 8 : i32
      %rem3A_140 = arith.remsi %sub3A_138, %rem3A_139 : i32
      %eq3A_141 = arith.constant 0 : i32
      %eq3A_142 = arith.cmpi eq, %rem3A_140, %eq3A_141 : i32
      %lt3A = arith.constant 168 : i32
      %lt3A_143 = arith.cmpi slt, %sub3A_138, %lt3A : i32
      %and3A_144 = arith.andi %eq3A_142, %lt3A_143 : i1
      %convert_element_type3A_145 = arith.extui %and3A_144 : i1 to i32
      %cond3A_146 = arith.constant 0 : i32
      %cond3A_147 = arith.cmpi ne, %convert_element_type3A_145, %cond3A_146 : i32
      scf.if %cond3A_147 {
        %dma_wait3A_153 = arith.constant 0 : i32
        %dma_wait3A_154 = arith.constant 0 : i32
        %dma_wait3A_155 = arith.constant 0 : i32
        %dma_wait3A_156 = tpu.memref_slice %arg6[%dma_wait3A_153, %dma_wait3A_154, %dma_wait3A_155] : memref<2x8x120xi32, #tpu.memory_space<vmem>> -> memref<1x8x120xi32, #tpu.memory_space<vmem>>
        %dma_wait3A_157 = tpu.memref_squeeze %dma_wait3A_156 : memref<1x8x120xi32, #tpu.memory_space<vmem>> -> memref<8x120xi32, #tpu.memory_space<vmem>>
        %dma_wait3A_158 = arith.constant 0 : i32
        %dma_wait3A_159 = arith.constant 0 : i32
        %dma_wait3A_160 = tpu.memref_slice %arg3[%arg1, %dma_wait3A_158, %dma_wait3A_159] : memref<16x168x120xi32, #tpu.memory_space<hbm>> -> memref<1x8x120xi32, #tpu.memory_space<hbm>>
        %dma_wait3A_161 = tpu.memref_squeeze %dma_wait3A_160 : memref<1x8x120xi32, #tpu.memory_space<hbm>> -> memref<8x120xi32, #tpu.memory_space<hbm>>
        %dma_wait3A_162 = arith.constant 0 : i32
        %dma_wait3A_163 = arith.constant 0 : i32
        %dma_wait3A_164 = tpu.memref_slice %arg6[%dma_wait3A_153, %dma_wait3A_162, %dma_wait3A_163] : memref<2x8x120xi32, #tpu.memory_space<vmem>> -> memref<1x8x120xi32, #tpu.memory_space<vmem>>
        %dma_wait3A_165 = tpu.memref_squeeze %dma_wait3A_164 : memref<1x8x120xi32, #tpu.memory_space<vmem>> -> memref<8x120xi32, #tpu.memory_space<vmem>>
        %dma_wait3A_166 = arith.constant 0 : i32
        %dma_wait3A_167 = arith.constant 0 : i32
        %dma_wait3A_168 = tpu.memref_slice %arg3[%arg1, %dma_wait3A_166, %dma_wait3A_167] : memref<16x168x120xi32, #tpu.memory_space<hbm>> -> memref<1x8x120xi32, #tpu.memory_space<hbm>>
        %dma_wait3A_169 = tpu.memref_squeeze %dma_wait3A_168 : memref<1x8x120xi32, #tpu.memory_space<hbm>> -> memref<8x120xi32, #tpu.memory_space<hbm>>
        tpu.wait_dma2 semaphore(%arg12 : memref<!tpu.dma_semaphore, #tpu.memory_space<semaphore_mem>>) src(%dma_wait3A_169 : memref<8x120xi32, #tpu.memory_space<hbm>>) dst(%dma_wait3A_165 : memref<8x120xi32, #tpu.memory_space<vmem>>)
        %dma_wait3A_170 = arith.constant 0 : i32
        %dma_wait3A_171 = arith.constant 0 : i32
        %dma_wait3A_172 = arith.constant 0 : i32
        %dma_wait3A_173 = tpu.memref_slice %arg7[%dma_wait3A_170, %dma_wait3A_171, %dma_wait3A_172] : memref<2x8x120xi32, #tpu.memory_space<vmem>> -> memref<1x8x120xi32, #tpu.memory_space<vmem>>
        %dma_wait3A_174 = tpu.memref_squeeze %dma_wait3A_173 : memref<1x8x120xi32, #tpu.memory_space<vmem>> -> memref<8x120xi32, #tpu.memory_space<vmem>>
        %dma_wait3A_175 = arith.constant 0 : i32
        %dma_wait3A_176 = arith.constant 0 : i32
        %dma_wait3A_177 = tpu.memref_slice %arg4[%arg1, %dma_wait3A_175, %dma_wait3A_176] : memref<16x168x120xi32, #tpu.memory_space<hbm>> -> memref<1x8x120xi32, #tpu.memory_space<hbm>>
        %dma_wait3A_178 = tpu.memref_squeeze %dma_wait3A_177 : memref<1x8x120xi32, #tpu.memory_space<hbm>> -> memref<8x120xi32, #tpu.memory_space<hbm>>
        %dma_wait3A_179 = arith.constant 0 : i32
        %dma_wait3A_180 = arith.constant 0 : i32
        %dma_wait3A_181 = tpu.memref_slice %arg7[%dma_wait3A_170, %dma_wait3A_179, %dma_wait3A_180] : memref<2x8x120xi32, #tpu.memory_space<vmem>> -> memref<1x8x120xi32, #tpu.memory_space<vmem>>
        %dma_wait3A_182 = tpu.memref_squeeze %dma_wait3A_181 : memref<1x8x120xi32, #tpu.memory_space<vmem>> -> memref<8x120xi32, #tpu.memory_space<vmem>>
        %dma_wait3A_183 = arith.constant 0 : i32
        %dma_wait3A_184 = arith.constant 0 : i32
        %dma_wait3A_185 = tpu.memref_slice %arg4[%arg1, %dma_wait3A_183, %dma_wait3A_184] : memref<16x168x120xi32, #tpu.memory_space<hbm>> -> memref<1x8x120xi32, #tpu.memory_space<hbm>>
        %dma_wait3A_186 = tpu.memref_squeeze %dma_wait3A_185 : memref<1x8x120xi32, #tpu.memory_space<hbm>> -> memref<8x120xi32, #tpu.memory_space<hbm>>
        tpu.wait_dma2 semaphore(%arg12 : memref<!tpu.dma_semaphore, #tpu.memory_space<semaphore_mem>>) src(%dma_wait3A_186 : memref<8x120xi32, #tpu.memory_space<hbm>>) dst(%dma_wait3A_182 : memref<8x120xi32, #tpu.memory_space<vmem>>)
      } else {
      }
      %lt3A_148 = arith.constant 168 : i32
      %lt3A_149 = arith.cmpi slt, %sub3A_138, %lt3A_148 : i32
      %convert_element_type3A_150 = arith.extui %lt3A_149 : i1 to i32
      %cond3A_151 = arith.constant 0 : i32
      %cond3A_152 = arith.cmpi ne, %convert_element_type3A_150, %cond3A_151 : i32
      scf.if %cond3A_152 {
        %rem3A_153 = arith.constant 3 : i32
        %rem3A_154 = arith.remsi %sub3A_138, %rem3A_153 : i32
        %jit3A_155 = arith.constant 8 : i32
        %div3A_156 = arith.divsi %sub3A_138, %jit3A_155 : i32
        %sign3A_157 = arith.constant 0 : i32
        %sign3A_158 = arith.cmpi sgt, %sub3A_138, %sign3A_157 : i32
        %sign3A_159 = arith.extui %sign3A_158 : i1 to i32
        %sign3A_160 = arith.constant 0 : i32
        %sign3A_161 = arith.cmpi slt, %sub3A_138, %sign3A_160 : i32
        %sign3A_162 = arith.extui %sign3A_161 : i1 to i32
        %sign3A_163 = arith.subi %sign3A_159, %sign3A_162 : i32
        %sign3A_164 = arith.constant 0 : i32
        %sign3A_165 = arith.cmpi sgt, %jit3A_155, %sign3A_164 : i32
        %sign3A_166 = arith.extui %sign3A_165 : i1 to i32
        %sign3A_167 = arith.constant 0 : i32
        %sign3A_168 = arith.cmpi slt, %jit3A_155, %sign3A_167 : i32
        %sign3A_169 = arith.extui %sign3A_168 : i1 to i32
        %sign3A_170 = arith.subi %sign3A_166, %sign3A_169 : i32
        %ne3A_171 = arith.cmpi ne, %sign3A_163, %sign3A_170 : i32
        %rem3A_172 = arith.remsi %sub3A_138, %jit3A_155 : i32
        %ne3A_173 = arith.constant 0 : i32
        %ne3A_174 = arith.cmpi ne, %rem3A_172, %ne3A_173 : i32
        %and3A_175 = arith.andi %ne3A_171, %ne3A_174 : i1
        %sub3A_176 = arith.constant 1 : i32
        %sub3A_177 = arith.subi %div3A_156, %sub3A_176 : i32
        %select_n3A_178 = arith.select %and3A_175, %sub3A_177, %div3A_156 : i32
        %rem3A_179 = arith.constant 2 : i32
        %rem3A_180 = arith.remsi %select_n3A_178, %rem3A_179 : i32
        %rem3A_181 = arith.constant 8 : i32
        %rem3A_182 = arith.remsi %sub3A_138, %rem3A_181 : i32
        %dma_start3A_183 = arith.constant 0 : i32
        %dma_start3A_184 = arith.constant 0 : i32
        %dma_start3A_185 = tpu.memref_slice %arg8[%rem3A_154, %dma_start3A_183, %dma_start3A_184] : memref<3x120x128xf32, #tpu.memory_space<vmem>> -> memref<1x120x128xf32, #tpu.memory_space<vmem>>
        %dma_start3A_186 = tpu.memref_squeeze %dma_start3A_185 : memref<1x120x128xf32, #tpu.memory_space<vmem>> -> memref<120x128xf32, #tpu.memory_space<vmem>>
        %dma_start3A_187 = arith.constant 0 : i32
        %dma_start3A_188 = tpu.memref_slice %arg6[%rem3A_180, %rem3A_182, %dma_start3A_187] : memref<2x8x120xi32, #tpu.memory_space<vmem>> -> memref<1x1x120xi32, #tpu.memory_space<vmem>>
        %dma_start3A_189 = tpu.memref_squeeze %dma_start3A_188 : memref<1x1x120xi32, #tpu.memory_space<vmem>> -> memref<120xi32, #tpu.memory_space<vmem>>
        %dma_start3A_190 = arith.constant 0 : i32
        %dma_start3A_191 = arith.constant 0 : i32
        %dma_start3A_192 = tpu.memref_slice %arg2[%dma_start3A_190, %dma_start3A_191] : memref<91008x128xf32, #tpu.memory_space<hbm>> -> memref<91008x128xf32, #tpu.memory_space<hbm>>
        %dma_start3A_193 = tpu.memref_slice %arg10[%rem3A_154] : memref<3x!tpu.dma_semaphore, #tpu.memory_space<semaphore_mem>> -> memref<1x!tpu.dma_semaphore, #tpu.memory_space<semaphore_mem>>
        %dma_start3A_194 = tpu.memref_squeeze %dma_start3A_193 : memref<1x!tpu.dma_semaphore, #tpu.memory_space<semaphore_mem>> -> memref<!tpu.dma_semaphore, #tpu.memory_space<semaphore_mem>>
        tpu.enqueue_indirect_dma source(%dma_start3A_192 : memref<91008x128xf32, #tpu.memory_space<hbm>>) target(%dma_start3A_186 : memref<120x128xf32, #tpu.memory_space<vmem>>) offsets(%dma_start3A_189 : memref<120xi32, #tpu.memory_space<vmem>>) semaphore(%dma_start3A_194 : memref<!tpu.dma_semaphore, #tpu.memory_space<semaphore_mem>>)
      } else {
      }
    }
    %scan3A_53 = arith.constant 168 : i32
    %rem3A = arith.constant 167 : i32
    %rem3A_54 = arith.constant 3 : i32
    %rem3A_55 = arith.remsi %rem3A, %rem3A_54 : i32
    %rem3A_56 = arith.constant 167 : i32
    %rem3A_57 = arith.constant 3 : i32
    %rem3A_58 = arith.remsi %rem3A_56, %rem3A_57 : i32
    %dma_wait3A_59 = arith.constant 0 : i32
    %dma_wait3A_60 = arith.constant 0 : i32
    %dma_wait3A_61 = arith.constant 0 : i32
    %dma_wait3A_62 = arith.constant 0 : i32
    %dma_wait3A_63 = tpu.memref_slice %arg8[%rem3A_55, %dma_wait3A_61, %dma_wait3A_62] : memref<3x120x128xf32, #tpu.memory_space<vmem>> -> memref<1x120x128xf32, #tpu.memory_space<vmem>>
    %dma_wait3A_64 = tpu.memref_squeeze %dma_wait3A_63 : memref<1x120x128xf32, #tpu.memory_space<vmem>> -> memref<120x128xf32, #tpu.memory_space<vmem>>
    %dma_wait3A_65 = arith.constant 0 : i32
    %dma_wait3A_66 = tpu.memref_slice %arg7[%dma_wait3A_59, %dma_wait3A_60, %dma_wait3A_65] : memref<2x8x120xi32, #tpu.memory_space<vmem>> -> memref<1x1x120xi32, #tpu.memory_space<vmem>>
    %dma_wait3A_67 = tpu.memref_squeeze %dma_wait3A_66 : memref<1x1x120xi32, #tpu.memory_space<vmem>> -> memref<120xi32, #tpu.memory_space<vmem>>
    %dma_wait3A_68 = arith.constant 0 : i32
    %dma_wait3A_69 = arith.constant 0 : i32
    %dma_wait3A_70 = tpu.memref_slice %arg9[%dma_wait3A_68, %dma_wait3A_69] : memref<10112x128xf32, #tpu.memory_space<vmem_shared>> -> memref<10112x128xf32, #tpu.memory_space<vmem_shared>>
    %dma_wait3A_71 = tpu.memref_slice %arg11[%rem3A_58] : memref<3x!tpu.dma_semaphore, #tpu.memory_space<semaphore_mem>> -> memref<1x!tpu.dma_semaphore, #tpu.memory_space<semaphore_mem>>
    %dma_wait3A_72 = tpu.memref_squeeze %dma_wait3A_71 : memref<1x!tpu.dma_semaphore, #tpu.memory_space<semaphore_mem>> -> memref<!tpu.dma_semaphore, #tpu.memory_space<semaphore_mem>>
    tpu.wait_indirect_dma semaphore(%dma_wait3A_72 : memref<!tpu.dma_semaphore, #tpu.memory_space<semaphore_mem>>) src(%dma_wait3A_64 : memref<120x128xf32, #tpu.memory_space<vmem>>) dst(%dma_wait3A_70 : memref<10112x128xf32, #tpu.memory_space<vmem_shared>>)
    %barrier3A_73 = arith.constant 0 : index
    tpu.barrier barrier_id(%barrier3A_73)
    "tpu.region"() ({
      %run_scoped3A_74 = tpu.sem_alloc : memref<!tpu.dma_semaphore, #tpu.memory_space<semaphore_mem>>
      %dma_start3A_75 = arith.constant 0 : i32
      %dma_start3A_76 = tpu.memref_slice %arg5[%mul3A_0, %dma_start3A_75] : memref<10112x128xf32, #tpu.memory_space<hbm>> -> memref<632x128xf32, #tpu.memory_space<hbm>>
      %dma_start3A_77 = arith.constant 0 : i32
      %dma_start3A_78 = tpu.memref_slice %arg9[%mul3A_0, %dma_start3A_77] : memref<10112x128xf32, #tpu.memory_space<vmem_shared>> -> memref<632x128xf32, #tpu.memory_space<vmem_shared>>
      tpu.enqueue_dma source(%dma_start3A_78 : memref<632x128xf32, #tpu.memory_space<vmem_shared>>) target(%dma_start3A_76 : memref<632x128xf32, #tpu.memory_space<hbm>>) target_semaphore(%run_scoped3A_74 : memref<!tpu.dma_semaphore, #tpu.memory_space<semaphore_mem>>)
      %dma_wait3A_79 = arith.constant 0 : i32
      %dma_wait3A_80 = tpu.memref_slice %arg5[%mul3A_0, %dma_wait3A_79] : memref<10112x128xf32, #tpu.memory_space<hbm>> -> memref<632x128xf32, #tpu.memory_space<hbm>>
      %dma_wait3A_81 = arith.constant 0 : i32
      %dma_wait3A_82 = tpu.memref_slice %arg9[%mul3A_0, %dma_wait3A_81] : memref<10112x128xf32, #tpu.memory_space<vmem_shared>> -> memref<632x128xf32, #tpu.memory_space<vmem_shared>>
      tpu.wait_dma2 semaphore(%run_scoped3A_74 : memref<!tpu.dma_semaphore, #tpu.memory_space<semaphore_mem>>) src(%dma_wait3A_82 : memref<632x128xf32, #tpu.memory_space<vmem_shared>>) dst(%dma_wait3A_80 : memref<632x128xf32, #tpu.memory_space<hbm>>)
      tpu.yield
    }) : () -> ()
    return
  }
}

#map = affine_map<(d0, d1) -> (0, 0)>
#map1 = affine_map<(d0, d1) -> (0, 0, 0)>
module attributes {stable_mosaic.version = 14 : i64} {
  func.func @_sc_body(%arg0: i32, %arg1: i32, %arg2: memref<91008x128xf32, #tpu.memory_space<hbm>>, %arg3: memref<16x168x120xi32, #tpu.memory_space<hbm>>, %arg4: memref<16x168x120xi32, #tpu.memory_space<hbm>>, %arg5: memref<10112x128xf32, #tpu.memory_space<hbm>>, %arg6: memref<2x8x120xi32, #tpu.memory_space<vmem>>, %arg7: memref<2x8x120xi32, #tpu.memory_space<vmem>>, %arg8: memref<3x120x128xf32, #tpu.memory_space<vmem>>, %arg9: memref<10112x128xf32, #tpu.memory_space<vmem_shared>>, %arg10: memref<3x!tpu.dma_semaphore, #tpu.memory_space<semaphore_mem>>, %arg11: memref<3x!tpu.dma_semaphore, #tpu.memory_space<semaphore_mem>>, %arg12: memref<!tpu.dma_semaphore, #tpu.memory_space<semaphore_mem>>, %arg13: memref<!tpu.dma_semaphore, #tpu.memory_space<semaphore_mem>>) attributes {dimension_semantics = [#tpu.dimension_semantics<core_parallel>, #tpu.dimension_semantics<subcore_parallel>], iteration_bounds = array<i64: 1, 16>, scalar_prefetch = 0 : i64, scratch_operands = 8 : i64, tpu.core_type = #tpu.core_type<sc_vector_subcore>, window_params = [{transform_indices = #map}, {transform_indices = #map1}, {transform_indices = #map1}, {transform_indices = #map}]} {
    %mul3A = arith.constant 632 : i32
    %mul3A_0 = arith.muli %arg1, %mul3A : i32
    %add3A = arith.constant 80896 : i32
    %add3A_1 = arith.addi %add3A, %mul3A_0 : i32
    %dma_start3A = arith.constant 0 : i32
    %dma_start3A_2 = tpu.memref_slice %arg9[%mul3A_0, %dma_start3A] : memref<10112x128xf32, #tpu.memory_space<vmem_shared>> -> memref<632x128xf32, #tpu.memory_space<vmem_shared>>
    %dma_start3A_3 = arith.constant 0 : i32
    %dma_start3A_4 = tpu.memref_slice %arg2[%add3A_1, %dma_start3A_3] : memref<91008x128xf32, #tpu.memory_space<hbm>> -> memref<632x128xf32, #tpu.memory_space<hbm>>
    tpu.enqueue_dma source(%dma_start3A_4 : memref<632x128xf32, #tpu.memory_space<hbm>>) target(%dma_start3A_2 : memref<632x128xf32, #tpu.memory_space<vmem_shared>>) target_semaphore(%arg13 : memref<!tpu.dma_semaphore, #tpu.memory_space<semaphore_mem>>)
    %run_scoped3A = arith.constant 0 : i32
    "tpu.region"() ({
      %run_scoped3A_74 = tpu.sem_alloc : memref<!tpu.dma_semaphore, #tpu.memory_space<semaphore_mem>>
      %dma_start3A_75 = arith.constant 0 : i32
      %dma_start3A_76 = arith.constant 0 : i32
      %dma_start3A_77 = tpu.memref_slice %arg6[%run_scoped3A, %dma_start3A_75, %dma_start3A_76] : memref<2x8x120xi32, #tpu.memory_space<vmem>> -> memref<1x8x120xi32, #tpu.memory_space<vmem>>
      %dma_start3A_78 = tpu.memref_squeeze %dma_start3A_77 : memref<1x8x120xi32, #tpu.memory_space<vmem>> -> memref<8x120xi32, #tpu.memory_space<vmem>>
      %dma_start3A_79 = arith.constant 0 : i32
      %dma_start3A_80 = arith.constant 0 : i32
      %dma_start3A_81 = tpu.memref_slice %arg3[%arg1, %dma_start3A_79, %dma_start3A_80] : memref<16x168x120xi32, #tpu.memory_space<hbm>> -> memref<1x8x120xi32, #tpu.memory_space<hbm>>
      %dma_start3A_82 = tpu.memref_squeeze %dma_start3A_81 : memref<1x8x120xi32, #tpu.memory_space<hbm>> -> memref<8x120xi32, #tpu.memory_space<hbm>>
      %dma_start3A_83 = arith.constant 0 : i32
      %dma_start3A_84 = arith.constant 0 : i32
      %dma_start3A_85 = tpu.memref_slice %arg6[%run_scoped3A, %dma_start3A_83, %dma_start3A_84] : memref<2x8x120xi32, #tpu.memory_space<vmem>> -> memref<1x8x120xi32, #tpu.memory_space<vmem>>
      %dma_start3A_86 = tpu.memref_squeeze %dma_start3A_85 : memref<1x8x120xi32, #tpu.memory_space<vmem>> -> memref<8x120xi32, #tpu.memory_space<vmem>>
      %dma_start3A_87 = arith.constant 0 : i32
      %dma_start3A_88 = arith.constant 0 : i32
      %dma_start3A_89 = tpu.memref_slice %arg3[%arg1, %dma_start3A_87, %dma_start3A_88] : memref<16x168x120xi32, #tpu.memory_space<hbm>> -> memref<1x8x120xi32, #tpu.memory_space<hbm>>
      %dma_start3A_90 = tpu.memref_squeeze %dma_start3A_89 : memref<1x8x120xi32, #tpu.memory_space<hbm>> -> memref<8x120xi32, #tpu.memory_space<hbm>>
      tpu.enqueue_dma source(%dma_start3A_90 : memref<8x120xi32, #tpu.memory_space<hbm>>) target(%dma_start3A_86 : memref<8x120xi32, #tpu.memory_space<vmem>>) target_semaphore(%run_scoped3A_74 : memref<!tpu.dma_semaphore, #tpu.memory_space<semaphore_mem>>)
      %dma_wait3A_91 = arith.constant 0 : i32
      %dma_wait3A_92 = arith.constant 0 : i32
      %dma_wait3A_93 = tpu.memref_slice %arg6[%run_scoped3A, %dma_wait3A_91, %dma_wait3A_92] : memref<2x8x120xi32, #tpu.memory_space<vmem>> -> memref<1x8x120xi32, #tpu.memory_space<vmem>>
      %dma_wait3A_94 = tpu.memref_squeeze %dma_wait3A_93 : memref<1x8x120xi32, #tpu.memory_space<vmem>> -> memref<8x120xi32, #tpu.memory_space<vmem>>
      %dma_wait3A_95 = arith.constant 0 : i32
      %dma_wait3A_96 = arith.constant 0 : i32
      %dma_wait3A_97 = tpu.memref_slice %arg3[%arg1, %dma_wait3A_95, %dma_wait3A_96] : memref<16x168x120xi32, #tpu.memory_space<hbm>> -> memref<1x8x120xi32, #tpu.memory_space<hbm>>
      %dma_wait3A_98 = tpu.memref_squeeze %dma_wait3A_97 : memref<1x8x120xi32, #tpu.memory_space<hbm>> -> memref<8x120xi32, #tpu.memory_space<hbm>>
      %dma_wait3A_99 = arith.constant 0 : i32
      %dma_wait3A_100 = arith.constant 0 : i32
      %dma_wait3A_101 = tpu.memref_slice %arg6[%run_scoped3A, %dma_wait3A_99, %dma_wait3A_100] : memref<2x8x120xi32, #tpu.memory_space<vmem>> -> memref<1x8x120xi32, #tpu.memory_space<vmem>>
      %dma_wait3A_102 = tpu.memref_squeeze %dma_wait3A_101 : memref<1x8x120xi32, #tpu.memory_space<vmem>> -> memref<8x120xi32, #tpu.memory_space<vmem>>
      %dma_wait3A_103 = arith.constant 0 : i32
      %dma_wait3A_104 = arith.constant 0 : i32
      %dma_wait3A_105 = tpu.memref_slice %arg3[%arg1, %dma_wait3A_103, %dma_wait3A_104] : memref<16x168x120xi32, #tpu.memory_space<hbm>> -> memref<1x8x120xi32, #tpu.memory_space<hbm>>
      %dma_wait3A_106 = tpu.memref_squeeze %dma_wait3A_105 : memref<1x8x120xi32, #tpu.memory_space<hbm>> -> memref<8x120xi32, #tpu.memory_space<hbm>>
      tpu.wait_dma2 semaphore(%run_scoped3A_74 : memref<!tpu.dma_semaphore, #tpu.memory_space<semaphore_mem>>) src(%dma_wait3A_106 : memref<8x120xi32, #tpu.memory_space<hbm>>) dst(%dma_wait3A_102 : memref<8x120xi32, #tpu.memory_space<vmem>>)
      tpu.yield
    }) : () -> ()
    %run_scoped3A_5 = arith.constant 0 : i32
    "tpu.region"() ({
      %run_scoped3A_74 = tpu.sem_alloc : memref<!tpu.dma_semaphore, #tpu.memory_space<semaphore_mem>>
      %dma_start3A_75 = arith.constant 0 : i32
      %dma_start3A_76 = arith.constant 0 : i32
      %dma_start3A_77 = tpu.memref_slice %arg7[%run_scoped3A_5, %dma_start3A_75, %dma_start3A_76] : memref<2x8x120xi32, #tpu.memory_space<vmem>> -> memref<1x8x120xi32, #tpu.memory_space<vmem>>
      %dma_start3A_78 = tpu.memref_squeeze %dma_start3A_77 : memref<1x8x120xi32, #tpu.memory_space<vmem>> -> memref<8x120xi32, #tpu.memory_space<vmem>>
      %dma_start3A_79 = arith.constant 0 : i32
      %dma_start3A_80 = arith.constant 0 : i32
      %dma_start3A_81 = tpu.memref_slice %arg4[%arg1, %dma_start3A_79, %dma_start3A_80] : memref<16x168x120xi32, #tpu.memory_space<hbm>> -> memref<1x8x120xi32, #tpu.memory_space<hbm>>
      %dma_start3A_82 = tpu.memref_squeeze %dma_start3A_81 : memref<1x8x120xi32, #tpu.memory_space<hbm>> -> memref<8x120xi32, #tpu.memory_space<hbm>>
      %dma_start3A_83 = arith.constant 0 : i32
      %dma_start3A_84 = arith.constant 0 : i32
      %dma_start3A_85 = tpu.memref_slice %arg7[%run_scoped3A_5, %dma_start3A_83, %dma_start3A_84] : memref<2x8x120xi32, #tpu.memory_space<vmem>> -> memref<1x8x120xi32, #tpu.memory_space<vmem>>
      %dma_start3A_86 = tpu.memref_squeeze %dma_start3A_85 : memref<1x8x120xi32, #tpu.memory_space<vmem>> -> memref<8x120xi32, #tpu.memory_space<vmem>>
      %dma_start3A_87 = arith.constant 0 : i32
      %dma_start3A_88 = arith.constant 0 : i32
      %dma_start3A_89 = tpu.memref_slice %arg4[%arg1, %dma_start3A_87, %dma_start3A_88] : memref<16x168x120xi32, #tpu.memory_space<hbm>> -> memref<1x8x120xi32, #tpu.memory_space<hbm>>
      %dma_start3A_90 = tpu.memref_squeeze %dma_start3A_89 : memref<1x8x120xi32, #tpu.memory_space<hbm>> -> memref<8x120xi32, #tpu.memory_space<hbm>>
      tpu.enqueue_dma source(%dma_start3A_90 : memref<8x120xi32, #tpu.memory_space<hbm>>) target(%dma_start3A_86 : memref<8x120xi32, #tpu.memory_space<vmem>>) target_semaphore(%run_scoped3A_74 : memref<!tpu.dma_semaphore, #tpu.memory_space<semaphore_mem>>)
      %dma_wait3A_91 = arith.constant 0 : i32
      %dma_wait3A_92 = arith.constant 0 : i32
      %dma_wait3A_93 = tpu.memref_slice %arg7[%run_scoped3A_5, %dma_wait3A_91, %dma_wait3A_92] : memref<2x8x120xi32, #tpu.memory_space<vmem>> -> memref<1x8x120xi32, #tpu.memory_space<vmem>>
      %dma_wait3A_94 = tpu.memref_squeeze %dma_wait3A_93 : memref<1x8x120xi32, #tpu.memory_space<vmem>> -> memref<8x120xi32, #tpu.memory_space<vmem>>
      %dma_wait3A_95 = arith.constant 0 : i32
      %dma_wait3A_96 = arith.constant 0 : i32
      %dma_wait3A_97 = tpu.memref_slice %arg4[%arg1, %dma_wait3A_95, %dma_wait3A_96] : memref<16x168x120xi32, #tpu.memory_space<hbm>> -> memref<1x8x120xi32, #tpu.memory_space<hbm>>
      %dma_wait3A_98 = tpu.memref_squeeze %dma_wait3A_97 : memref<1x8x120xi32, #tpu.memory_space<hbm>> -> memref<8x120xi32, #tpu.memory_space<hbm>>
      %dma_wait3A_99 = arith.constant 0 : i32
      %dma_wait3A_100 = arith.constant 0 : i32
      %dma_wait3A_101 = tpu.memref_slice %arg7[%run_scoped3A_5, %dma_wait3A_99, %dma_wait3A_100] : memref<2x8x120xi32, #tpu.memory_space<vmem>> -> memref<1x8x120xi32, #tpu.memory_space<vmem>>
      %dma_wait3A_102 = tpu.memref_squeeze %dma_wait3A_101 : memref<1x8x120xi32, #tpu.memory_space<vmem>> -> memref<8x120xi32, #tpu.memory_space<vmem>>
      %dma_wait3A_103 = arith.constant 0 : i32
      %dma_wait3A_104 = arith.constant 0 : i32
      %dma_wait3A_105 = tpu.memref_slice %arg4[%arg1, %dma_wait3A_103, %dma_wait3A_104] : memref<16x168x120xi32, #tpu.memory_space<hbm>> -> memref<1x8x120xi32, #tpu.memory_space<hbm>>
      %dma_wait3A_106 = tpu.memref_squeeze %dma_wait3A_105 : memref<1x8x120xi32, #tpu.memory_space<hbm>> -> memref<8x120xi32, #tpu.memory_space<hbm>>
      tpu.wait_dma2 semaphore(%run_scoped3A_74 : memref<!tpu.dma_semaphore, #tpu.memory_space<semaphore_mem>>) src(%dma_wait3A_106 : memref<8x120xi32, #tpu.memory_space<hbm>>) dst(%dma_wait3A_102 : memref<8x120xi32, #tpu.memory_space<vmem>>)
      tpu.yield
    }) : () -> ()
    %dma_start3A_6 = arith.constant 1 : i32
    %dma_start3A_7 = arith.constant 0 : i32
    %dma_start3A_8 = arith.constant 0 : i32
    %dma_start3A_9 = tpu.memref_slice %arg6[%dma_start3A_6, %dma_start3A_7, %dma_start3A_8] : memref<2x8x120xi32, #tpu.memory_space<vmem>> -> memref<1x8x120xi32, #tpu.memory_space<vmem>>
    %dma_start3A_10 = tpu.memref_squeeze %dma_start3A_9 : memref<1x8x120xi32, #tpu.memory_space<vmem>> -> memref<8x120xi32, #tpu.memory_space<vmem>>
    %dma_start3A_11 = arith.constant 8 : i32
    %dma_start3A_12 = arith.constant 0 : i32
    %dma_start3A_13 = tpu.memref_slice %arg3[%arg1, %dma_start3A_11, %dma_start3A_12] : memref<16x168x120xi32, #tpu.memory_space<hbm>> -> memref<1x8x120xi32, #tpu.memory_space<hbm>>
    %dma_start3A_14 = tpu.memref_squeeze %dma_start3A_13 : memref<1x8x120xi32, #tpu.memory_space<hbm>> -> memref<8x120xi32, #tpu.memory_space<hbm>>
    %dma_start3A_15 = arith.constant 0 : i32
    %dma_start3A_16 = arith.constant 0 : i32
    %dma_start3A_17 = tpu.memref_slice %arg6[%dma_start3A_6, %dma_start3A_15, %dma_start3A_16] : memref<2x8x120xi32, #tpu.memory_space<vmem>> -> memref<1x8x120xi32, #tpu.memory_space<vmem>>
    %dma_start3A_18 = tpu.memref_squeeze %dma_start3A_17 : memref<1x8x120xi32, #tpu.memory_space<vmem>> -> memref<8x120xi32, #tpu.memory_space<vmem>>
    %dma_start3A_19 = arith.constant 8 : i32
    %dma_start3A_20 = arith.constant 0 : i32
    %dma_start3A_21 = tpu.memref_slice %arg3[%arg1, %dma_start3A_19, %dma_start3A_20] : memref<16x168x120xi32, #tpu.memory_space<hbm>> -> memref<1x8x120xi32, #tpu.memory_space<hbm>>
    %dma_start3A_22 = tpu.memref_squeeze %dma_start3A_21 : memref<1x8x120xi32, #tpu.memory_space<hbm>> -> memref<8x120xi32, #tpu.memory_space<hbm>>
    tpu.enqueue_dma source(%dma_start3A_22 : memref<8x120xi32, #tpu.memory_space<hbm>>) target(%dma_start3A_18 : memref<8x120xi32, #tpu.memory_space<vmem>>) target_semaphore(%arg12 : memref<!tpu.dma_semaphore, #tpu.memory_space<semaphore_mem>>)
    %dma_start3A_23 = arith.constant 1 : i32
    %dma_start3A_24 = arith.constant 0 : i32
    %dma_start3A_25 = arith.constant 0 : i32
    %dma_start3A_26 = tpu.memref_slice %arg7[%dma_start3A_23, %dma_start3A_24, %dma_start3A_25] : memref<2x8x120xi32, #tpu.memory_space<vmem>> -> memref<1x8x120xi32, #tpu.memory_space<vmem>>
    %dma_start3A_27 = tpu.memref_squeeze %dma_start3A_26 : memref<1x8x120xi32, #tpu.memory_space<vmem>> -> memref<8x120xi32, #tpu.memory_space<vmem>>
    %dma_start3A_28 = arith.constant 8 : i32
    %dma_start3A_29 = arith.constant 0 : i32
    %dma_start3A_30 = tpu.memref_slice %arg4[%arg1, %dma_start3A_28, %dma_start3A_29] : memref<16x168x120xi32, #tpu.memory_space<hbm>> -> memref<1x8x120xi32, #tpu.memory_space<hbm>>
    %dma_start3A_31 = tpu.memref_squeeze %dma_start3A_30 : memref<1x8x120xi32, #tpu.memory_space<hbm>> -> memref<8x120xi32, #tpu.memory_space<hbm>>
    %dma_start3A_32 = arith.constant 0 : i32
    %dma_start3A_33 = arith.constant 0 : i32
    %dma_start3A_34 = tpu.memref_slice %arg7[%dma_start3A_23, %dma_start3A_32, %dma_start3A_33] : memref<2x8x120xi32, #tpu.memory_space<vmem>> -> memref<1x8x120xi32, #tpu.memory_space<vmem>>
    %dma_start3A_35 = tpu.memref_squeeze %dma_start3A_34 : memref<1x8x120xi32, #tpu.memory_space<vmem>> -> memref<8x120xi32, #tpu.memory_space<vmem>>
    %dma_start3A_36 = arith.constant 8 : i32
    %dma_start3A_37 = arith.constant 0 : i32
    %dma_start3A_38 = tpu.memref_slice %arg4[%arg1, %dma_start3A_36, %dma_start3A_37] : memref<16x168x120xi32, #tpu.memory_space<hbm>> -> memref<1x8x120xi32, #tpu.memory_space<hbm>>
    %dma_start3A_39 = tpu.memref_squeeze %dma_start3A_38 : memref<1x8x120xi32, #tpu.memory_space<hbm>> -> memref<8x120xi32, #tpu.memory_space<hbm>>
    tpu.enqueue_dma source(%dma_start3A_39 : memref<8x120xi32, #tpu.memory_space<hbm>>) target(%dma_start3A_35 : memref<8x120xi32, #tpu.memory_space<vmem>>) target_semaphore(%arg12 : memref<!tpu.dma_semaphore, #tpu.memory_space<semaphore_mem>>)
    %scan3A = arith.constant 0 : i32
    %scan3A_40 = arith.constant 0 : i32
    %scan3A_41 = arith.constant 2 : i32
    %scan3A_42 = arith.addi %scan3A_40, %scan3A_41 : i32
    %scan3A_43 = arith.constant 1 : i32
    scf.for %scan3A_74 = %scan3A_40 to %scan3A_42 step %scan3A_43  : i32 {
      %rem3A_75 = arith.constant 3 : i32
      %rem3A_76 = arith.remsi %scan3A_74, %rem3A_75 : i32
      %dma_start3A_77 = arith.constant 0 : i32
      %dma_start3A_78 = arith.constant 0 : i32
      %dma_start3A_79 = arith.constant 0 : i32
      %dma_start3A_80 = tpu.memref_slice %arg8[%rem3A_76, %dma_start3A_78, %dma_start3A_79] : memref<3x120x128xf32, #tpu.memory_space<vmem>> -> memref<1x120x128xf32, #tpu.memory_space<vmem>>
      %dma_start3A_81 = tpu.memref_squeeze %dma_start3A_80 : memref<1x120x128xf32, #tpu.memory_space<vmem>> -> memref<120x128xf32, #tpu.memory_space<vmem>>
      %dma_start3A_82 = arith.constant 0 : i32
      %dma_start3A_83 = tpu.memref_slice %arg6[%dma_start3A_77, %scan3A_74, %dma_start3A_82] : memref<2x8x120xi32, #tpu.memory_space<vmem>> -> memref<1x1x120xi32, #tpu.memory_space<vmem>>
      %dma_start3A_84 = tpu.memref_squeeze %dma_start3A_83 : memref<1x1x120xi32, #tpu.memory_space<vmem>> -> memref<120xi32, #tpu.memory_space<vmem>>
      %dma_start3A_85 = arith.constant 0 : i32
      %dma_start3A_86 = arith.constant 0 : i32
      %dma_start3A_87 = tpu.memref_slice %arg2[%dma_start3A_85, %dma_start3A_86] : memref<91008x128xf32, #tpu.memory_space<hbm>> -> memref<91008x128xf32, #tpu.memory_space<hbm>>
      %dma_start3A_88 = tpu.memref_slice %arg10[%rem3A_76] : memref<3x!tpu.dma_semaphore, #tpu.memory_space<semaphore_mem>> -> memref<1x!tpu.dma_semaphore, #tpu.memory_space<semaphore_mem>>
      %dma_start3A_89 = tpu.memref_squeeze %dma_start3A_88 : memref<1x!tpu.dma_semaphore, #tpu.memory_space<semaphore_mem>> -> memref<!tpu.dma_semaphore, #tpu.memory_space<semaphore_mem>>
      tpu.enqueue_indirect_dma source(%dma_start3A_87 : memref<91008x128xf32, #tpu.memory_space<hbm>>) target(%dma_start3A_81 : memref<120x128xf32, #tpu.memory_space<vmem>>) offsets(%dma_start3A_84 : memref<120xi32, #tpu.memory_space<vmem>>) semaphore(%dma_start3A_89 : memref<!tpu.dma_semaphore, #tpu.memory_space<semaphore_mem>>)
    }
    %scan3A_44 = arith.constant 2 : i32
    %dma_wait3A = arith.constant 0 : i32
    %dma_wait3A_45 = tpu.memref_slice %arg9[%mul3A_0, %dma_wait3A] : memref<10112x128xf32, #tpu.memory_space<vmem_shared>> -> memref<632x128xf32, #tpu.memory_space<vmem_shared>>
    %dma_wait3A_46 = arith.constant 0 : i32
    %dma_wait3A_47 = tpu.memref_slice %arg2[%add3A_1, %dma_wait3A_46] : memref<91008x128xf32, #tpu.memory_space<hbm>> -> memref<632x128xf32, #tpu.memory_space<hbm>>
    tpu.wait_dma2 semaphore(%arg13 : memref<!tpu.dma_semaphore, #tpu.memory_space<semaphore_mem>>) src(%dma_wait3A_47 : memref<632x128xf32, #tpu.memory_space<hbm>>) dst(%dma_wait3A_45 : memref<632x128xf32, #tpu.memory_space<vmem_shared>>)
    %barrier3A = arith.constant 0 : index
    tpu.barrier barrier_id(%barrier3A)
    %scan3A_48 = arith.constant 0 : i32
    %scan3A_49 = arith.constant 0 : i32
    %scan3A_50 = arith.constant 168 : i32
    %scan3A_51 = arith.addi %scan3A_49, %scan3A_50 : i32
    %scan3A_52 = arith.constant 1 : i32
    scf.for %scan3A_74 = %scan3A_49 to %scan3A_51 step %scan3A_52  : i32 {
      %rem3A_75 = arith.constant 3 : i32
      %rem3A_76 = arith.remsi %scan3A_74, %rem3A_75 : i32
      %jit3A = arith.constant 8 : i32
      %div3A = arith.divsi %scan3A_74, %jit3A : i32
      %sign3A = arith.constant 0 : i32
      %sign3A_77 = arith.cmpi sgt, %scan3A_74, %sign3A : i32
      %sign3A_78 = arith.extui %sign3A_77 : i1 to i32
      %sign3A_79 = arith.constant 0 : i32
      %sign3A_80 = arith.cmpi slt, %scan3A_74, %sign3A_79 : i32
      %sign3A_81 = arith.extui %sign3A_80 : i1 to i32
      %sign3A_82 = arith.subi %sign3A_78, %sign3A_81 : i32
      %sign3A_83 = arith.constant 0 : i32
      %sign3A_84 = arith.cmpi sgt, %jit3A, %sign3A_83 : i32
      %sign3A_85 = arith.extui %sign3A_84 : i1 to i32
      %sign3A_86 = arith.constant 0 : i32
      %sign3A_87 = arith.cmpi slt, %jit3A, %sign3A_86 : i32
      %sign3A_88 = arith.extui %sign3A_87 : i1 to i32
      %sign3A_89 = arith.subi %sign3A_85, %sign3A_88 : i32
      %ne3A = arith.cmpi ne, %sign3A_82, %sign3A_89 : i32
      %rem3A_90 = arith.remsi %scan3A_74, %jit3A : i32
      %ne3A_91 = arith.constant 0 : i32
      %ne3A_92 = arith.cmpi ne, %rem3A_90, %ne3A_91 : i32
      %and3A = arith.andi %ne3A, %ne3A_92 : i1
      %sub3A = arith.constant 1 : i32
      %sub3A_93 = arith.subi %div3A, %sub3A : i32
      %select_n3A = arith.select %and3A, %sub3A_93, %div3A : i32
      %rem3A_94 = arith.constant 2 : i32
      %rem3A_95 = arith.remsi %select_n3A, %rem3A_94 : i32
      %rem3A_96 = arith.constant 8 : i32
      %rem3A_97 = arith.remsi %scan3A_74, %rem3A_96 : i32
      %dma_wait3A_98 = arith.constant 0 : i32
      %dma_wait3A_99 = arith.constant 0 : i32
      %dma_wait3A_100 = tpu.memref_slice %arg8[%rem3A_76, %dma_wait3A_98, %dma_wait3A_99] : memref<3x120x128xf32, #tpu.memory_space<vmem>> -> memref<1x120x128xf32, #tpu.memory_space<vmem>>
      %dma_wait3A_101 = tpu.memref_squeeze %dma_wait3A_100 : memref<1x120x128xf32, #tpu.memory_space<vmem>> -> memref<120x128xf32, #tpu.memory_space<vmem>>
      %dma_wait3A_102 = arith.constant 0 : i32
      %dma_wait3A_103 = tpu.memref_slice %arg6[%rem3A_95, %rem3A_97, %dma_wait3A_102] : memref<2x8x120xi32, #tpu.memory_space<vmem>> -> memref<1x1x120xi32, #tpu.memory_space<vmem>>
      %dma_wait3A_104 = tpu.memref_squeeze %dma_wait3A_103 : memref<1x1x120xi32, #tpu.memory_space<vmem>> -> memref<120xi32, #tpu.memory_space<vmem>>
      %dma_wait3A_105 = arith.constant 0 : i32
      %dma_wait3A_106 = arith.constant 0 : i32
      %dma_wait3A_107 = tpu.memref_slice %arg2[%dma_wait3A_105, %dma_wait3A_106] : memref<91008x128xf32, #tpu.memory_space<hbm>> -> memref<91008x128xf32, #tpu.memory_space<hbm>>
      %dma_wait3A_108 = tpu.memref_slice %arg10[%rem3A_76] : memref<3x!tpu.dma_semaphore, #tpu.memory_space<semaphore_mem>> -> memref<1x!tpu.dma_semaphore, #tpu.memory_space<semaphore_mem>>
      %dma_wait3A_109 = tpu.memref_squeeze %dma_wait3A_108 : memref<1x!tpu.dma_semaphore, #tpu.memory_space<semaphore_mem>> -> memref<!tpu.dma_semaphore, #tpu.memory_space<semaphore_mem>>
      tpu.wait_indirect_dma semaphore(%dma_wait3A_109 : memref<!tpu.dma_semaphore, #tpu.memory_space<semaphore_mem>>) src(%dma_wait3A_107 : memref<91008x128xf32, #tpu.memory_space<hbm>>) dst(%dma_wait3A_101 : memref<120x128xf32, #tpu.memory_space<vmem>>)
      %dma_start3A_110 = arith.constant 0 : i32
      %dma_start3A_111 = arith.constant 0 : i32
      %dma_start3A_112 = tpu.memref_slice %arg8[%rem3A_76, %dma_start3A_110, %dma_start3A_111] : memref<3x120x128xf32, #tpu.memory_space<vmem>> -> memref<1x120x128xf32, #tpu.memory_space<vmem>>
      %dma_start3A_113 = tpu.memref_squeeze %dma_start3A_112 : memref<1x120x128xf32, #tpu.memory_space<vmem>> -> memref<120x128xf32, #tpu.memory_space<vmem>>
      %dma_start3A_114 = arith.constant 0 : i32
      %dma_start3A_115 = tpu.memref_slice %arg7[%rem3A_95, %rem3A_97, %dma_start3A_114] : memref<2x8x120xi32, #tpu.memory_space<vmem>> -> memref<1x1x120xi32, #tpu.memory_space<vmem>>
      %dma_start3A_116 = tpu.memref_squeeze %dma_start3A_115 : memref<1x1x120xi32, #tpu.memory_space<vmem>> -> memref<120xi32, #tpu.memory_space<vmem>>
      %dma_start3A_117 = arith.constant 0 : i32
      %dma_start3A_118 = arith.constant 0 : i32
      %dma_start3A_119 = tpu.memref_slice %arg9[%dma_start3A_117, %dma_start3A_118] : memref<10112x128xf32, #tpu.memory_space<vmem_shared>> -> memref<10112x128xf32, #tpu.memory_space<vmem_shared>>
      %dma_start3A_120 = tpu.memref_slice %arg11[%rem3A_76] : memref<3x!tpu.dma_semaphore, #tpu.memory_space<semaphore_mem>> -> memref<1x!tpu.dma_semaphore, #tpu.memory_space<semaphore_mem>>
      %dma_start3A_121 = tpu.memref_squeeze %dma_start3A_120 : memref<1x!tpu.dma_semaphore, #tpu.memory_space<semaphore_mem>> -> memref<!tpu.dma_semaphore, #tpu.memory_space<semaphore_mem>>
      tpu.enqueue_indirect_dma source(%dma_start3A_113 : memref<120x128xf32, #tpu.memory_space<vmem>>) target(%dma_start3A_119 : memref<10112x128xf32, #tpu.memory_space<vmem_shared>>) offsets(%dma_start3A_116 : memref<120xi32, #tpu.memory_space<vmem>>) semaphore(%dma_start3A_121 : memref<!tpu.dma_semaphore, #tpu.memory_space<semaphore_mem>>) {add = true}
      %ge3A = arith.constant 1 : i32
      %ge3A_122 = arith.cmpi sge, %scan3A_74, %ge3A : i32
      %convert_element_type3A = arith.extui %ge3A_122 : i1 to i32
      %cond3A = arith.constant 0 : i32
      %cond3A_123 = arith.cmpi ne, %convert_element_type3A, %cond3A : i32
      scf.if %cond3A_123 {
        %sub3A_153 = arith.constant 1 : i32
        %sub3A_154 = arith.subi %scan3A_74, %sub3A_153 : i32
        %add3A_155 = arith.constant 3 : i32
        %add3A_156 = arith.addi %sub3A_154, %add3A_155 : i32
        %rem3A_157 = arith.constant 3 : i32
        %rem3A_158 = arith.remsi %add3A_156, %rem3A_157 : i32
        %dma_wait3A_159 = arith.constant 0 : i32
        %dma_wait3A_160 = arith.constant 0 : i32
        %dma_wait3A_161 = arith.constant 0 : i32
        %dma_wait3A_162 = arith.constant 0 : i32
        %dma_wait3A_163 = tpu.memref_slice %arg8[%rem3A_158, %dma_wait3A_161, %dma_wait3A_162] : memref<3x120x128xf32, #tpu.memory_space<vmem>> -> memref<1x120x128xf32, #tpu.memory_space<vmem>>
        %dma_wait3A_164 = tpu.memref_squeeze %dma_wait3A_163 : memref<1x120x128xf32, #tpu.memory_space<vmem>> -> memref<120x128xf32, #tpu.memory_space<vmem>>
        %dma_wait3A_165 = arith.constant 0 : i32
        %dma_wait3A_166 = tpu.memref_slice %arg7[%dma_wait3A_159, %dma_wait3A_160, %dma_wait3A_165] : memref<2x8x120xi32, #tpu.memory_space<vmem>> -> memref<1x1x120xi32, #tpu.memory_space<vmem>>
        %dma_wait3A_167 = tpu.memref_squeeze %dma_wait3A_166 : memref<1x1x120xi32, #tpu.memory_space<vmem>> -> memref<120xi32, #tpu.memory_space<vmem>>
        %dma_wait3A_168 = arith.constant 0 : i32
        %dma_wait3A_169 = arith.constant 0 : i32
        %dma_wait3A_170 = tpu.memref_slice %arg9[%dma_wait3A_168, %dma_wait3A_169] : memref<10112x128xf32, #tpu.memory_space<vmem_shared>> -> memref<10112x128xf32, #tpu.memory_space<vmem_shared>>
        %dma_wait3A_171 = tpu.memref_slice %arg11[%rem3A_158] : memref<3x!tpu.dma_semaphore, #tpu.memory_space<semaphore_mem>> -> memref<1x!tpu.dma_semaphore, #tpu.memory_space<semaphore_mem>>
        %dma_wait3A_172 = tpu.memref_squeeze %dma_wait3A_171 : memref<1x!tpu.dma_semaphore, #tpu.memory_space<semaphore_mem>> -> memref<!tpu.dma_semaphore, #tpu.memory_space<semaphore_mem>>
        tpu.wait_indirect_dma semaphore(%dma_wait3A_172 : memref<!tpu.dma_semaphore, #tpu.memory_space<semaphore_mem>>) src(%dma_wait3A_164 : memref<120x128xf32, #tpu.memory_space<vmem>>) dst(%dma_wait3A_170 : memref<10112x128xf32, #tpu.memory_space<vmem_shared>>)
      } else {
      }
      %eq3A = arith.constant 0 : i32
      %eq3A_124 = arith.cmpi eq, %rem3A_97, %eq3A : i32
      %ge3A_125 = arith.constant 8 : i32
      %ge3A_126 = arith.cmpi sge, %scan3A_74, %ge3A_125 : i32
      %and3A_127 = arith.andi %eq3A_124, %ge3A_126 : i1
      %add3A_128 = arith.constant 16 : i32
      %add3A_129 = arith.addi %scan3A_74, %add3A_128 : i32
      %le3A = arith.constant 168 : i32
      %le3A_130 = arith.cmpi sle, %add3A_129, %le3A : i32
      %and3A_131 = arith.andi %and3A_127, %le3A_130 : i1
      %convert_element_type3A_132 = arith.extui %and3A_131 : i1 to i32
      %cond3A_133 = arith.constant 0 : i32
      %cond3A_134 = arith.cmpi ne, %convert_element_type3A_132, %cond3A_133 : i32
      scf.if %cond3A_134 {
        %add3A_153 = arith.constant 8 : i32
        %add3A_154 = arith.addi %scan3A_74, %add3A_153 : i32
        %multiple_of3A = tpu.assume_multiple %add3A_154, 8 : i32
        %add3A_155 = arith.constant 8 : i32
        %add3A_156 = arith.addi %scan3A_74, %add3A_155 : i32
        %jit3A_157 = arith.constant 8 : i32
        %div3A_158 = arith.divsi %add3A_156, %jit3A_157 : i32
        %sign3A_159 = arith.constant 0 : i32
        %sign3A_160 = arith.cmpi sgt, %add3A_156, %sign3A_159 : i32
        %sign3A_161 = arith.extui %sign3A_160 : i1 to i32
        %sign3A_162 = arith.constant 0 : i32
        %sign3A_163 = arith.cmpi slt, %add3A_156, %sign3A_162 : i32
        %sign3A_164 = arith.extui %sign3A_163 : i1 to i32
        %sign3A_165 = arith.subi %sign3A_161, %sign3A_164 : i32
        %sign3A_166 = arith.constant 0 : i32
        %sign3A_167 = arith.cmpi sgt, %jit3A_157, %sign3A_166 : i32
        %sign3A_168 = arith.extui %sign3A_167 : i1 to i32
        %sign3A_169 = arith.constant 0 : i32
        %sign3A_170 = arith.cmpi slt, %jit3A_157, %sign3A_169 : i32
        %sign3A_171 = arith.extui %sign3A_170 : i1 to i32
        %sign3A_172 = arith.subi %sign3A_168, %sign3A_171 : i32
        %ne3A_173 = arith.cmpi ne, %sign3A_165, %sign3A_172 : i32
        %rem3A_174 = arith.remsi %add3A_156, %jit3A_157 : i32
        %ne3A_175 = arith.constant 0 : i32
        %ne3A_176 = arith.cmpi ne, %rem3A_174, %ne3A_175 : i32
        %and3A_177 = arith.andi %ne3A_173, %ne3A_176 : i1
        %sub3A_178 = arith.constant 1 : i32
        %sub3A_179 = arith.subi %div3A_158, %sub3A_178 : i32
        %select_n3A_180 = arith.select %and3A_177, %sub3A_179, %div3A_158 : i32
        %rem3A_181 = arith.constant 2 : i32
        %rem3A_182 = arith.remsi %select_n3A_180, %rem3A_181 : i32
        %dma_start3A_183 = arith.constant 0 : i32
        %dma_start3A_184 = arith.constant 0 : i32
        %dma_start3A_185 = tpu.memref_slice %arg6[%rem3A_182, %dma_start3A_183, %dma_start3A_184] : memref<2x8x120xi32, #tpu.memory_space<vmem>> -> memref<1x8x120xi32, #tpu.memory_space<vmem>>
        %dma_start3A_186 = tpu.memref_squeeze %dma_start3A_185 : memref<1x8x120xi32, #tpu.memory_space<vmem>> -> memref<8x120xi32, #tpu.memory_space<vmem>>
        %dma_start3A_187 = arith.constant 0 : i32
        %dma_start3A_188 = tpu.memref_slice %arg3[%arg1, %multiple_of3A, %dma_start3A_187] : memref<16x168x120xi32, #tpu.memory_space<hbm>> -> memref<1x8x120xi32, #tpu.memory_space<hbm>>
        %dma_start3A_189 = tpu.memref_squeeze %dma_start3A_188 : memref<1x8x120xi32, #tpu.memory_space<hbm>> -> memref<8x120xi32, #tpu.memory_space<hbm>>
        %dma_start3A_190 = arith.constant 0 : i32
        %dma_start3A_191 = arith.constant 0 : i32
        %dma_start3A_192 = tpu.memref_slice %arg6[%rem3A_182, %dma_start3A_190, %dma_start3A_191] : memref<2x8x120xi32, #tpu.memory_space<vmem>> -> memref<1x8x120xi32, #tpu.memory_space<vmem>>
        %dma_start3A_193 = tpu.memref_squeeze %dma_start3A_192 : memref<1x8x120xi32, #tpu.memory_space<vmem>> -> memref<8x120xi32, #tpu.memory_space<vmem>>
        %dma_start3A_194 = arith.constant 0 : i32
        %dma_start3A_195 = tpu.memref_slice %arg3[%arg1, %multiple_of3A, %dma_start3A_194] : memref<16x168x120xi32, #tpu.memory_space<hbm>> -> memref<1x8x120xi32, #tpu.memory_space<hbm>>
        %dma_start3A_196 = tpu.memref_squeeze %dma_start3A_195 : memref<1x8x120xi32, #tpu.memory_space<hbm>> -> memref<8x120xi32, #tpu.memory_space<hbm>>
        tpu.enqueue_dma source(%dma_start3A_196 : memref<8x120xi32, #tpu.memory_space<hbm>>) target(%dma_start3A_193 : memref<8x120xi32, #tpu.memory_space<vmem>>) target_semaphore(%arg12 : memref<!tpu.dma_semaphore, #tpu.memory_space<semaphore_mem>>)
        %dma_start3A_197 = arith.constant 0 : i32
        %dma_start3A_198 = arith.constant 0 : i32
        %dma_start3A_199 = tpu.memref_slice %arg7[%rem3A_182, %dma_start3A_197, %dma_start3A_198] : memref<2x8x120xi32, #tpu.memory_space<vmem>> -> memref<1x8x120xi32, #tpu.memory_space<vmem>>
        %dma_start3A_200 = tpu.memref_squeeze %dma_start3A_199 : memref<1x8x120xi32, #tpu.memory_space<vmem>> -> memref<8x120xi32, #tpu.memory_space<vmem>>
        %dma_start3A_201 = arith.constant 0 : i32
        %dma_start3A_202 = tpu.memref_slice %arg4[%arg1, %multiple_of3A, %dma_start3A_201] : memref<16x168x120xi32, #tpu.memory_space<hbm>> -> memref<1x8x120xi32, #tpu.memory_space<hbm>>
        %dma_start3A_203 = tpu.memref_squeeze %dma_start3A_202 : memref<1x8x120xi32, #tpu.memory_space<hbm>> -> memref<8x120xi32, #tpu.memory_space<hbm>>
        %dma_start3A_204 = arith.constant 0 : i32
        %dma_start3A_205 = arith.constant 0 : i32
        %dma_start3A_206 = tpu.memref_slice %arg7[%rem3A_182, %dma_start3A_204, %dma_start3A_205] : memref<2x8x120xi32, #tpu.memory_space<vmem>> -> memref<1x8x120xi32, #tpu.memory_space<vmem>>
        %dma_start3A_207 = tpu.memref_squeeze %dma_start3A_206 : memref<1x8x120xi32, #tpu.memory_space<vmem>> -> memref<8x120xi32, #tpu.memory_space<vmem>>
        %dma_start3A_208 = arith.constant 0 : i32
        %dma_start3A_209 = tpu.memref_slice %arg4[%arg1, %multiple_of3A, %dma_start3A_208] : memref<16x168x120xi32, #tpu.memory_space<hbm>> -> memref<1x8x120xi32, #tpu.memory_space<hbm>>
        %dma_start3A_210 = tpu.memref_squeeze %dma_start3A_209 : memref<1x8x120xi32, #tpu.memory_space<hbm>> -> memref<8x120xi32, #tpu.memory_space<hbm>>
        tpu.enqueue_dma source(%dma_start3A_210 : memref<8x120xi32, #tpu.memory_space<hbm>>) target(%dma_start3A_207 : memref<8x120xi32, #tpu.memory_space<vmem>>) target_semaphore(%arg12 : memref<!tpu.dma_semaphore, #tpu.memory_space<semaphore_mem>>)
      } else {
      }
      %add3A_135 = arith.constant 3 : i32
      %add3A_136 = arith.addi %scan3A_74, %add3A_135 : i32
      %sub3A_137 = arith.constant 1 : i32
      %sub3A_138 = arith.subi %add3A_136, %sub3A_137 : i32
      %rem3A_139 = arith.constant 8 : i32
      %rem3A_140 = arith.remsi %sub3A_138, %rem3A_139 : i32
      %eq3A_141 = arith.constant 0 : i32
      %eq3A_142 = arith.cmpi eq, %rem3A_140, %eq3A_141 : i32
      %lt3A = arith.constant 168 : i32
      %lt3A_143 = arith.cmpi slt, %sub3A_138, %lt3A : i32
      %and3A_144 = arith.andi %eq3A_142, %lt3A_143 : i1
      %convert_element_type3A_145 = arith.extui %and3A_144 : i1 to i32
      %cond3A_146 = arith.constant 0 : i32
      %cond3A_147 = arith.cmpi ne, %convert_element_type3A_145, %cond3A_146 : i32
      scf.if %cond3A_147 {
        %dma_wait3A_153 = arith.constant 0 : i32
        %dma_wait3A_154 = arith.constant 0 : i32
        %dma_wait3A_155 = arith.constant 0 : i32
        %dma_wait3A_156 = tpu.memref_slice %arg6[%dma_wait3A_153, %dma_wait3A_154, %dma_wait3A_155] : memref<2x8x120xi32, #tpu.memory_space<vmem>> -> memref<1x8x120xi32, #tpu.memory_space<vmem>>
        %dma_wait3A_157 = tpu.memref_squeeze %dma_wait3A_156 : memref<1x8x120xi32, #tpu.memory_space<vmem>> -> memref<8x120xi32, #tpu.memory_space<vmem>>
        %dma_wait3A_158 = arith.constant 0 : i32
        %dma_wait3A_159 = arith.constant 0 : i32
        %dma_wait3A_160 = tpu.memref_slice %arg3[%arg1, %dma_wait3A_158, %dma_wait3A_159] : memref<16x168x120xi32, #tpu.memory_space<hbm>> -> memref<1x8x120xi32, #tpu.memory_space<hbm>>
        %dma_wait3A_161 = tpu.memref_squeeze %dma_wait3A_160 : memref<1x8x120xi32, #tpu.memory_space<hbm>> -> memref<8x120xi32, #tpu.memory_space<hbm>>
        %dma_wait3A_162 = arith.constant 0 : i32
        %dma_wait3A_163 = arith.constant 0 : i32
        %dma_wait3A_164 = tpu.memref_slice %arg6[%dma_wait3A_153, %dma_wait3A_162, %dma_wait3A_163] : memref<2x8x120xi32, #tpu.memory_space<vmem>> -> memref<1x8x120xi32, #tpu.memory_space<vmem>>
        %dma_wait3A_165 = tpu.memref_squeeze %dma_wait3A_164 : memref<1x8x120xi32, #tpu.memory_space<vmem>> -> memref<8x120xi32, #tpu.memory_space<vmem>>
        %dma_wait3A_166 = arith.constant 0 : i32
        %dma_wait3A_167 = arith.constant 0 : i32
        %dma_wait3A_168 = tpu.memref_slice %arg3[%arg1, %dma_wait3A_166, %dma_wait3A_167] : memref<16x168x120xi32, #tpu.memory_space<hbm>> -> memref<1x8x120xi32, #tpu.memory_space<hbm>>
        %dma_wait3A_169 = tpu.memref_squeeze %dma_wait3A_168 : memref<1x8x120xi32, #tpu.memory_space<hbm>> -> memref<8x120xi32, #tpu.memory_space<hbm>>
        tpu.wait_dma2 semaphore(%arg12 : memref<!tpu.dma_semaphore, #tpu.memory_space<semaphore_mem>>) src(%dma_wait3A_169 : memref<8x120xi32, #tpu.memory_space<hbm>>) dst(%dma_wait3A_165 : memref<8x120xi32, #tpu.memory_space<vmem>>)
        %dma_wait3A_170 = arith.constant 0 : i32
        %dma_wait3A_171 = arith.constant 0 : i32
        %dma_wait3A_172 = arith.constant 0 : i32
        %dma_wait3A_173 = tpu.memref_slice %arg7[%dma_wait3A_170, %dma_wait3A_171, %dma_wait3A_172] : memref<2x8x120xi32, #tpu.memory_space<vmem>> -> memref<1x8x120xi32, #tpu.memory_space<vmem>>
        %dma_wait3A_174 = tpu.memref_squeeze %dma_wait3A_173 : memref<1x8x120xi32, #tpu.memory_space<vmem>> -> memref<8x120xi32, #tpu.memory_space<vmem>>
        %dma_wait3A_175 = arith.constant 0 : i32
        %dma_wait3A_176 = arith.constant 0 : i32
        %dma_wait3A_177 = tpu.memref_slice %arg4[%arg1, %dma_wait3A_175, %dma_wait3A_176] : memref<16x168x120xi32, #tpu.memory_space<hbm>> -> memref<1x8x120xi32, #tpu.memory_space<hbm>>
        %dma_wait3A_178 = tpu.memref_squeeze %dma_wait3A_177 : memref<1x8x120xi32, #tpu.memory_space<hbm>> -> memref<8x120xi32, #tpu.memory_space<hbm>>
        %dma_wait3A_179 = arith.constant 0 : i32
        %dma_wait3A_180 = arith.constant 0 : i32
        %dma_wait3A_181 = tpu.memref_slice %arg7[%dma_wait3A_170, %dma_wait3A_179, %dma_wait3A_180] : memref<2x8x120xi32, #tpu.memory_space<vmem>> -> memref<1x8x120xi32, #tpu.memory_space<vmem>>
        %dma_wait3A_182 = tpu.memref_squeeze %dma_wait3A_181 : memref<1x8x120xi32, #tpu.memory_space<vmem>> -> memref<8x120xi32, #tpu.memory_space<vmem>>
        %dma_wait3A_183 = arith.constant 0 : i32
        %dma_wait3A_184 = arith.constant 0 : i32
        %dma_wait3A_185 = tpu.memref_slice %arg4[%arg1, %dma_wait3A_183, %dma_wait3A_184] : memref<16x168x120xi32, #tpu.memory_space<hbm>> -> memref<1x8x120xi32, #tpu.memory_space<hbm>>
        %dma_wait3A_186 = tpu.memref_squeeze %dma_wait3A_185 : memref<1x8x120xi32, #tpu.memory_space<hbm>> -> memref<8x120xi32, #tpu.memory_space<hbm>>
        tpu.wait_dma2 semaphore(%arg12 : memref<!tpu.dma_semaphore, #tpu.memory_space<semaphore_mem>>) src(%dma_wait3A_186 : memref<8x120xi32, #tpu.memory_space<hbm>>) dst(%dma_wait3A_182 : memref<8x120xi32, #tpu.memory_space<vmem>>)
      } else {
      }
      %lt3A_148 = arith.constant 168 : i32
      %lt3A_149 = arith.cmpi slt, %sub3A_138, %lt3A_148 : i32
      %convert_element_type3A_150 = arith.extui %lt3A_149 : i1 to i32
      %cond3A_151 = arith.constant 0 : i32
      %cond3A_152 = arith.cmpi ne, %convert_element_type3A_150, %cond3A_151 : i32
      scf.if %cond3A_152 {
        %rem3A_153 = arith.constant 3 : i32
        %rem3A_154 = arith.remsi %sub3A_138, %rem3A_153 : i32
        %jit3A_155 = arith.constant 8 : i32
        %div3A_156 = arith.divsi %sub3A_138, %jit3A_155 : i32
        %sign3A_157 = arith.constant 0 : i32
        %sign3A_158 = arith.cmpi sgt, %sub3A_138, %sign3A_157 : i32
        %sign3A_159 = arith.extui %sign3A_158 : i1 to i32
        %sign3A_160 = arith.constant 0 : i32
        %sign3A_161 = arith.cmpi slt, %sub3A_138, %sign3A_160 : i32
        %sign3A_162 = arith.extui %sign3A_161 : i1 to i32
        %sign3A_163 = arith.subi %sign3A_159, %sign3A_162 : i32
        %sign3A_164 = arith.constant 0 : i32
        %sign3A_165 = arith.cmpi sgt, %jit3A_155, %sign3A_164 : i32
        %sign3A_166 = arith.extui %sign3A_165 : i1 to i32
        %sign3A_167 = arith.constant 0 : i32
        %sign3A_168 = arith.cmpi slt, %jit3A_155, %sign3A_167 : i32
        %sign3A_169 = arith.extui %sign3A_168 : i1 to i32
        %sign3A_170 = arith.subi %sign3A_166, %sign3A_169 : i32
        %ne3A_171 = arith.cmpi ne, %sign3A_163, %sign3A_170 : i32
        %rem3A_172 = arith.remsi %sub3A_138, %jit3A_155 : i32
        %ne3A_173 = arith.constant 0 : i32
        %ne3A_174 = arith.cmpi ne, %rem3A_172, %ne3A_173 : i32
        %and3A_175 = arith.andi %ne3A_171, %ne3A_174 : i1
        %sub3A_176 = arith.constant 1 : i32
        %sub3A_177 = arith.subi %div3A_156, %sub3A_176 : i32
        %select_n3A_178 = arith.select %and3A_175, %sub3A_177, %div3A_156 : i32
        %rem3A_179 = arith.constant 2 : i32
        %rem3A_180 = arith.remsi %select_n3A_178, %rem3A_179 : i32
        %rem3A_181 = arith.constant 8 : i32
        %rem3A_182 = arith.remsi %sub3A_138, %rem3A_181 : i32
        %dma_start3A_183 = arith.constant 0 : i32
        %dma_start3A_184 = arith.constant 0 : i32
        %dma_start3A_185 = tpu.memref_slice %arg8[%rem3A_154, %dma_start3A_183, %dma_start3A_184] : memref<3x120x128xf32, #tpu.memory_space<vmem>> -> memref<1x120x128xf32, #tpu.memory_space<vmem>>
        %dma_start3A_186 = tpu.memref_squeeze %dma_start3A_185 : memref<1x120x128xf32, #tpu.memory_space<vmem>> -> memref<120x128xf32, #tpu.memory_space<vmem>>
        %dma_start3A_187 = arith.constant 0 : i32
        %dma_start3A_188 = tpu.memref_slice %arg6[%rem3A_180, %rem3A_182, %dma_start3A_187] : memref<2x8x120xi32, #tpu.memory_space<vmem>> -> memref<1x1x120xi32, #tpu.memory_space<vmem>>
        %dma_start3A_189 = tpu.memref_squeeze %dma_start3A_188 : memref<1x1x120xi32, #tpu.memory_space<vmem>> -> memref<120xi32, #tpu.memory_space<vmem>>
        %dma_start3A_190 = arith.constant 0 : i32
        %dma_start3A_191 = arith.constant 0 : i32
        %dma_start3A_192 = tpu.memref_slice %arg2[%dma_start3A_190, %dma_start3A_191] : memref<91008x128xf32, #tpu.memory_space<hbm>> -> memref<91008x128xf32, #tpu.memory_space<hbm>>
        %dma_start3A_193 = tpu.memref_slice %arg10[%rem3A_154] : memref<3x!tpu.dma_semaphore, #tpu.memory_space<semaphore_mem>> -> memref<1x!tpu.dma_semaphore, #tpu.memory_space<semaphore_mem>>
        %dma_start3A_194 = tpu.memref_squeeze %dma_start3A_193 : memref<1x!tpu.dma_semaphore, #tpu.memory_space<semaphore_mem>> -> memref<!tpu.dma_semaphore, #tpu.memory_space<semaphore_mem>>
        tpu.enqueue_indirect_dma source(%dma_start3A_192 : memref<91008x128xf32, #tpu.memory_space<hbm>>) target(%dma_start3A_186 : memref<120x128xf32, #tpu.memory_space<vmem>>) offsets(%dma_start3A_189 : memref<120xi32, #tpu.memory_space<vmem>>) semaphore(%dma_start3A_194 : memref<!tpu.dma_semaphore, #tpu.memory_space<semaphore_mem>>)
      } else {
      }
    }
    %scan3A_53 = arith.constant 168 : i32
    %rem3A = arith.constant 167 : i32
    %rem3A_54 = arith.constant 3 : i32
    %rem3A_55 = arith.remsi %rem3A, %rem3A_54 : i32
    %rem3A_56 = arith.constant 167 : i32
    %rem3A_57 = arith.constant 3 : i32
    %rem3A_58 = arith.remsi %rem3A_56, %rem3A_57 : i32
    %dma_wait3A_59 = arith.constant 0 : i32
    %dma_wait3A_60 = arith.constant 0 : i32
    %dma_wait3A_61 = arith.constant 0 : i32
    %dma_wait3A_62 = arith.constant 0 : i32
    %dma_wait3A_63 = tpu.memref_slice %arg8[%rem3A_55, %dma_wait3A_61, %dma_wait3A_62] : memref<3x120x128xf32, #tpu.memory_space<vmem>> -> memref<1x120x128xf32, #tpu.memory_space<vmem>>
    %dma_wait3A_64 = tpu.memref_squeeze %dma_wait3A_63 : memref<1x120x128xf32, #tpu.memory_space<vmem>> -> memref<120x128xf32, #tpu.memory_space<vmem>>
    %dma_wait3A_65 = arith.constant 0 : i32
    %dma_wait3A_66 = tpu.memref_slice %arg7[%dma_wait3A_59, %dma_wait3A_60, %dma_wait3A_65] : memref<2x8x120xi32, #tpu.memory_space<vmem>> -> memref<1x1x120xi32, #tpu.memory_space<vmem>>
    %dma_wait3A_67 = tpu.memref_squeeze %dma_wait3A_66 : memref<1x1x120xi32, #tpu.memory_space<vmem>> -> memref<120xi32, #tpu.memory_space<vmem>>
    %dma_wait3A_68 = arith.constant 0 : i32
    %dma_wait3A_69 = arith.constant 0 : i32
    %dma_wait3A_70 = tpu.memref_slice %arg9[%dma_wait3A_68, %dma_wait3A_69] : memref<10112x128xf32, #tpu.memory_space<vmem_shared>> -> memref<10112x128xf32, #tpu.memory_space<vmem_shared>>
    %dma_wait3A_71 = tpu.memref_slice %arg11[%rem3A_58] : memref<3x!tpu.dma_semaphore, #tpu.memory_space<semaphore_mem>> -> memref<1x!tpu.dma_semaphore, #tpu.memory_space<semaphore_mem>>
    %dma_wait3A_72 = tpu.memref_squeeze %dma_wait3A_71 : memref<1x!tpu.dma_semaphore, #tpu.memory_space<semaphore_mem>> -> memref<!tpu.dma_semaphore, #tpu.memory_space<semaphore_mem>>
    tpu.wait_indirect_dma semaphore(%dma_wait3A_72 : memref<!tpu.dma_semaphore, #tpu.memory_space<semaphore_mem>>) src(%dma_wait3A_64 : memref<120x128xf32, #tpu.memory_space<vmem>>) dst(%dma_wait3A_70 : memref<10112x128xf32, #tpu.memory_space<vmem_shared>>)
    %barrier3A_73 = arith.constant 0 : index
    tpu.barrier barrier_id(%barrier3A_73)
    "tpu.region"() ({
      %run_scoped3A_74 = tpu.sem_alloc : memref<!tpu.dma_semaphore, #tpu.memory_space<semaphore_mem>>
      %dma_start3A_75 = arith.constant 0 : i32
      %dma_start3A_76 = tpu.memref_slice %arg5[%mul3A_0, %dma_start3A_75] : memref<10112x128xf32, #tpu.memory_space<hbm>> -> memref<632x128xf32, #tpu.memory_space<hbm>>
      %dma_start3A_77 = arith.constant 0 : i32
      %dma_start3A_78 = tpu.memref_slice %arg9[%mul3A_0, %dma_start3A_77] : memref<10112x128xf32, #tpu.memory_space<vmem_shared>> -> memref<632x128xf32, #tpu.memory_space<vmem_shared>>
      tpu.enqueue_dma source(%dma_start3A_78 : memref<632x128xf32, #tpu.memory_space<vmem_shared>>) target(%dma_start3A_76 : memref<632x128xf32, #tpu.memory_space<hbm>>) target_semaphore(%run_scoped3A_74 : memref<!tpu.dma_semaphore, #tpu.memory_space<semaphore_mem>>)
      %dma_wait3A_79 = arith.constant 0 : i32
      %dma_wait3A_80 = tpu.memref_slice %arg5[%mul3A_0, %dma_wait3A_79] : memref<10112x128xf32, #tpu.memory_space<hbm>> -> memref<632x128xf32, #tpu.memory_space<hbm>>
      %dma_wait3A_81 = arith.constant 0 : i32
      %dma_wait3A_82 = tpu.memref_slice %arg9[%mul3A_0, %dma_wait3A_81] : memref<10112x128xf32, #tpu.memory_space<vmem_shared>> -> memref<632x128xf32, #tpu.memory_space<vmem_shared>>
      tpu.wait_dma2 semaphore(%run_scoped3A_74 : memref<!tpu.dma_semaphore, #tpu.memory_space<semaphore_mem>>) src(%dma_wait3A_82 : memref<632x128xf32, #tpu.memory_space<vmem_shared>>) dst(%dma_wait3A_80 : memref<632x128xf32, #tpu.memory_space<hbm>>)
      tpu.yield
    }) : () -> ()
    return
  }
}

#map = affine_map<(d0, d1) -> (0, 0)>
#map1 = affine_map<(d0, d1) -> (0, 0, 0)>
module attributes {stable_mosaic.version = 14 : i64} {
  func.func @_sc_body(%arg0: i32, %arg1: i32, %arg2: memref<91008x128xf32, #tpu.memory_space<hbm>>, %arg3: memref<16x168x120xi32, #tpu.memory_space<hbm>>, %arg4: memref<16x168x120xi32, #tpu.memory_space<hbm>>, %arg5: memref<10112x128xf32, #tpu.memory_space<hbm>>, %arg6: memref<2x8x120xi32, #tpu.memory_space<vmem>>, %arg7: memref<2x8x120xi32, #tpu.memory_space<vmem>>, %arg8: memref<3x120x128xf32, #tpu.memory_space<vmem>>, %arg9: memref<10112x128xf32, #tpu.memory_space<vmem_shared>>, %arg10: memref<3x!tpu.dma_semaphore, #tpu.memory_space<semaphore_mem>>, %arg11: memref<3x!tpu.dma_semaphore, #tpu.memory_space<semaphore_mem>>, %arg12: memref<!tpu.dma_semaphore, #tpu.memory_space<semaphore_mem>>, %arg13: memref<!tpu.dma_semaphore, #tpu.memory_space<semaphore_mem>>) attributes {dimension_semantics = [#tpu.dimension_semantics<core_parallel>, #tpu.dimension_semantics<subcore_parallel>], iteration_bounds = array<i64: 1, 16>, scalar_prefetch = 0 : i64, scratch_operands = 8 : i64, tpu.core_type = #tpu.core_type<sc_vector_subcore>, window_params = [{transform_indices = #map}, {transform_indices = #map1}, {transform_indices = #map1}, {transform_indices = #map}]} {
    %mul3A = arith.constant 632 : i32
    %mul3A_0 = arith.muli %arg1, %mul3A : i32
    %add3A = arith.constant 80896 : i32
    %add3A_1 = arith.addi %add3A, %mul3A_0 : i32
    %dma_start3A = arith.constant 0 : i32
    %dma_start3A_2 = tpu.memref_slice %arg9[%mul3A_0, %dma_start3A] : memref<10112x128xf32, #tpu.memory_space<vmem_shared>> -> memref<632x128xf32, #tpu.memory_space<vmem_shared>>
    %dma_start3A_3 = arith.constant 0 : i32
    %dma_start3A_4 = tpu.memref_slice %arg2[%add3A_1, %dma_start3A_3] : memref<91008x128xf32, #tpu.memory_space<hbm>> -> memref<632x128xf32, #tpu.memory_space<hbm>>
    tpu.enqueue_dma source(%dma_start3A_4 : memref<632x128xf32, #tpu.memory_space<hbm>>) target(%dma_start3A_2 : memref<632x128xf32, #tpu.memory_space<vmem_shared>>) target_semaphore(%arg13 : memref<!tpu.dma_semaphore, #tpu.memory_space<semaphore_mem>>)
    %run_scoped3A = arith.constant 0 : i32
    "tpu.region"() ({
      %run_scoped3A_74 = tpu.sem_alloc : memref<!tpu.dma_semaphore, #tpu.memory_space<semaphore_mem>>
      %dma_start3A_75 = arith.constant 0 : i32
      %dma_start3A_76 = arith.constant 0 : i32
      %dma_start3A_77 = tpu.memref_slice %arg6[%run_scoped3A, %dma_start3A_75, %dma_start3A_76] : memref<2x8x120xi32, #tpu.memory_space<vmem>> -> memref<1x8x120xi32, #tpu.memory_space<vmem>>
      %dma_start3A_78 = tpu.memref_squeeze %dma_start3A_77 : memref<1x8x120xi32, #tpu.memory_space<vmem>> -> memref<8x120xi32, #tpu.memory_space<vmem>>
      %dma_start3A_79 = arith.constant 0 : i32
      %dma_start3A_80 = arith.constant 0 : i32
      %dma_start3A_81 = tpu.memref_slice %arg3[%arg1, %dma_start3A_79, %dma_start3A_80] : memref<16x168x120xi32, #tpu.memory_space<hbm>> -> memref<1x8x120xi32, #tpu.memory_space<hbm>>
      %dma_start3A_82 = tpu.memref_squeeze %dma_start3A_81 : memref<1x8x120xi32, #tpu.memory_space<hbm>> -> memref<8x120xi32, #tpu.memory_space<hbm>>
      %dma_start3A_83 = arith.constant 0 : i32
      %dma_start3A_84 = arith.constant 0 : i32
      %dma_start3A_85 = tpu.memref_slice %arg6[%run_scoped3A, %dma_start3A_83, %dma_start3A_84] : memref<2x8x120xi32, #tpu.memory_space<vmem>> -> memref<1x8x120xi32, #tpu.memory_space<vmem>>
      %dma_start3A_86 = tpu.memref_squeeze %dma_start3A_85 : memref<1x8x120xi32, #tpu.memory_space<vmem>> -> memref<8x120xi32, #tpu.memory_space<vmem>>
      %dma_start3A_87 = arith.constant 0 : i32
      %dma_start3A_88 = arith.constant 0 : i32
      %dma_start3A_89 = tpu.memref_slice %arg3[%arg1, %dma_start3A_87, %dma_start3A_88] : memref<16x168x120xi32, #tpu.memory_space<hbm>> -> memref<1x8x120xi32, #tpu.memory_space<hbm>>
      %dma_start3A_90 = tpu.memref_squeeze %dma_start3A_89 : memref<1x8x120xi32, #tpu.memory_space<hbm>> -> memref<8x120xi32, #tpu.memory_space<hbm>>
      tpu.enqueue_dma source(%dma_start3A_90 : memref<8x120xi32, #tpu.memory_space<hbm>>) target(%dma_start3A_86 : memref<8x120xi32, #tpu.memory_space<vmem>>) target_semaphore(%run_scoped3A_74 : memref<!tpu.dma_semaphore, #tpu.memory_space<semaphore_mem>>)
      %dma_wait3A_91 = arith.constant 0 : i32
      %dma_wait3A_92 = arith.constant 0 : i32
      %dma_wait3A_93 = tpu.memref_slice %arg6[%run_scoped3A, %dma_wait3A_91, %dma_wait3A_92] : memref<2x8x120xi32, #tpu.memory_space<vmem>> -> memref<1x8x120xi32, #tpu.memory_space<vmem>>
      %dma_wait3A_94 = tpu.memref_squeeze %dma_wait3A_93 : memref<1x8x120xi32, #tpu.memory_space<vmem>> -> memref<8x120xi32, #tpu.memory_space<vmem>>
      %dma_wait3A_95 = arith.constant 0 : i32
      %dma_wait3A_96 = arith.constant 0 : i32
      %dma_wait3A_97 = tpu.memref_slice %arg3[%arg1, %dma_wait3A_95, %dma_wait3A_96] : memref<16x168x120xi32, #tpu.memory_space<hbm>> -> memref<1x8x120xi32, #tpu.memory_space<hbm>>
      %dma_wait3A_98 = tpu.memref_squeeze %dma_wait3A_97 : memref<1x8x120xi32, #tpu.memory_space<hbm>> -> memref<8x120xi32, #tpu.memory_space<hbm>>
      %dma_wait3A_99 = arith.constant 0 : i32
      %dma_wait3A_100 = arith.constant 0 : i32
      %dma_wait3A_101 = tpu.memref_slice %arg6[%run_scoped3A, %dma_wait3A_99, %dma_wait3A_100] : memref<2x8x120xi32, #tpu.memory_space<vmem>> -> memref<1x8x120xi32, #tpu.memory_space<vmem>>
      %dma_wait3A_102 = tpu.memref_squeeze %dma_wait3A_101 : memref<1x8x120xi32, #tpu.memory_space<vmem>> -> memref<8x120xi32, #tpu.memory_space<vmem>>
      %dma_wait3A_103 = arith.constant 0 : i32
      %dma_wait3A_104 = arith.constant 0 : i32
      %dma_wait3A_105 = tpu.memref_slice %arg3[%arg1, %dma_wait3A_103, %dma_wait3A_104] : memref<16x168x120xi32, #tpu.memory_space<hbm>> -> memref<1x8x120xi32, #tpu.memory_space<hbm>>
      %dma_wait3A_106 = tpu.memref_squeeze %dma_wait3A_105 : memref<1x8x120xi32, #tpu.memory_space<hbm>> -> memref<8x120xi32, #tpu.memory_space<hbm>>
      tpu.wait_dma2 semaphore(%run_scoped3A_74 : memref<!tpu.dma_semaphore, #tpu.memory_space<semaphore_mem>>) src(%dma_wait3A_106 : memref<8x120xi32, #tpu.memory_space<hbm>>) dst(%dma_wait3A_102 : memref<8x120xi32, #tpu.memory_space<vmem>>)
      tpu.yield
    }) : () -> ()
    %run_scoped3A_5 = arith.constant 0 : i32
    "tpu.region"() ({
      %run_scoped3A_74 = tpu.sem_alloc : memref<!tpu.dma_semaphore, #tpu.memory_space<semaphore_mem>>
      %dma_start3A_75 = arith.constant 0 : i32
      %dma_start3A_76 = arith.constant 0 : i32
      %dma_start3A_77 = tpu.memref_slice %arg7[%run_scoped3A_5, %dma_start3A_75, %dma_start3A_76] : memref<2x8x120xi32, #tpu.memory_space<vmem>> -> memref<1x8x120xi32, #tpu.memory_space<vmem>>
      %dma_start3A_78 = tpu.memref_squeeze %dma_start3A_77 : memref<1x8x120xi32, #tpu.memory_space<vmem>> -> memref<8x120xi32, #tpu.memory_space<vmem>>
      %dma_start3A_79 = arith.constant 0 : i32
      %dma_start3A_80 = arith.constant 0 : i32
      %dma_start3A_81 = tpu.memref_slice %arg4[%arg1, %dma_start3A_79, %dma_start3A_80] : memref<16x168x120xi32, #tpu.memory_space<hbm>> -> memref<1x8x120xi32, #tpu.memory_space<hbm>>
      %dma_start3A_82 = tpu.memref_squeeze %dma_start3A_81 : memref<1x8x120xi32, #tpu.memory_space<hbm>> -> memref<8x120xi32, #tpu.memory_space<hbm>>
      %dma_start3A_83 = arith.constant 0 : i32
      %dma_start3A_84 = arith.constant 0 : i32
      %dma_start3A_85 = tpu.memref_slice %arg7[%run_scoped3A_5, %dma_start3A_83, %dma_start3A_84] : memref<2x8x120xi32, #tpu.memory_space<vmem>> -> memref<1x8x120xi32, #tpu.memory_space<vmem>>
      %dma_start3A_86 = tpu.memref_squeeze %dma_start3A_85 : memref<1x8x120xi32, #tpu.memory_space<vmem>> -> memref<8x120xi32, #tpu.memory_space<vmem>>
      %dma_start3A_87 = arith.constant 0 : i32
      %dma_start3A_88 = arith.constant 0 : i32
      %dma_start3A_89 = tpu.memref_slice %arg4[%arg1, %dma_start3A_87, %dma_start3A_88] : memref<16x168x120xi32, #tpu.memory_space<hbm>> -> memref<1x8x120xi32, #tpu.memory_space<hbm>>
      %dma_start3A_90 = tpu.memref_squeeze %dma_start3A_89 : memref<1x8x120xi32, #tpu.memory_space<hbm>> -> memref<8x120xi32, #tpu.memory_space<hbm>>
      tpu.enqueue_dma source(%dma_start3A_90 : memref<8x120xi32, #tpu.memory_space<hbm>>) target(%dma_start3A_86 : memref<8x120xi32, #tpu.memory_space<vmem>>) target_semaphore(%run_scoped3A_74 : memref<!tpu.dma_semaphore, #tpu.memory_space<semaphore_mem>>)
      %dma_wait3A_91 = arith.constant 0 : i32
      %dma_wait3A_92 = arith.constant 0 : i32
      %dma_wait3A_93 = tpu.memref_slice %arg7[%run_scoped3A_5, %dma_wait3A_91, %dma_wait3A_92] : memref<2x8x120xi32, #tpu.memory_space<vmem>> -> memref<1x8x120xi32, #tpu.memory_space<vmem>>
      %dma_wait3A_94 = tpu.memref_squeeze %dma_wait3A_93 : memref<1x8x120xi32, #tpu.memory_space<vmem>> -> memref<8x120xi32, #tpu.memory_space<vmem>>
      %dma_wait3A_95 = arith.constant 0 : i32
      %dma_wait3A_96 = arith.constant 0 : i32
      %dma_wait3A_97 = tpu.memref_slice %arg4[%arg1, %dma_wait3A_95, %dma_wait3A_96] : memref<16x168x120xi32, #tpu.memory_space<hbm>> -> memref<1x8x120xi32, #tpu.memory_space<hbm>>
      %dma_wait3A_98 = tpu.memref_squeeze %dma_wait3A_97 : memref<1x8x120xi32, #tpu.memory_space<hbm>> -> memref<8x120xi32, #tpu.memory_space<hbm>>
      %dma_wait3A_99 = arith.constant 0 : i32
      %dma_wait3A_100 = arith.constant 0 : i32
      %dma_wait3A_101 = tpu.memref_slice %arg7[%run_scoped3A_5, %dma_wait3A_99, %dma_wait3A_100] : memref<2x8x120xi32, #tpu.memory_space<vmem>> -> memref<1x8x120xi32, #tpu.memory_space<vmem>>
      %dma_wait3A_102 = tpu.memref_squeeze %dma_wait3A_101 : memref<1x8x120xi32, #tpu.memory_space<vmem>> -> memref<8x120xi32, #tpu.memory_space<vmem>>
      %dma_wait3A_103 = arith.constant 0 : i32
      %dma_wait3A_104 = arith.constant 0 : i32
      %dma_wait3A_105 = tpu.memref_slice %arg4[%arg1, %dma_wait3A_103, %dma_wait3A_104] : memref<16x168x120xi32, #tpu.memory_space<hbm>> -> memref<1x8x120xi32, #tpu.memory_space<hbm>>
      %dma_wait3A_106 = tpu.memref_squeeze %dma_wait3A_105 : memref<1x8x120xi32, #tpu.memory_space<hbm>> -> memref<8x120xi32, #tpu.memory_space<hbm>>
      tpu.wait_dma2 semaphore(%run_scoped3A_74 : memref<!tpu.dma_semaphore, #tpu.memory_space<semaphore_mem>>) src(%dma_wait3A_106 : memref<8x120xi32, #tpu.memory_space<hbm>>) dst(%dma_wait3A_102 : memref<8x120xi32, #tpu.memory_space<vmem>>)
      tpu.yield
    }) : () -> ()
    %dma_start3A_6 = arith.constant 1 : i32
    %dma_start3A_7 = arith.constant 0 : i32
    %dma_start3A_8 = arith.constant 0 : i32
    %dma_start3A_9 = tpu.memref_slice %arg6[%dma_start3A_6, %dma_start3A_7, %dma_start3A_8] : memref<2x8x120xi32, #tpu.memory_space<vmem>> -> memref<1x8x120xi32, #tpu.memory_space<vmem>>
    %dma_start3A_10 = tpu.memref_squeeze %dma_start3A_9 : memref<1x8x120xi32, #tpu.memory_space<vmem>> -> memref<8x120xi32, #tpu.memory_space<vmem>>
    %dma_start3A_11 = arith.constant 8 : i32
    %dma_start3A_12 = arith.constant 0 : i32
    %dma_start3A_13 = tpu.memref_slice %arg3[%arg1, %dma_start3A_11, %dma_start3A_12] : memref<16x168x120xi32, #tpu.memory_space<hbm>> -> memref<1x8x120xi32, #tpu.memory_space<hbm>>
    %dma_start3A_14 = tpu.memref_squeeze %dma_start3A_13 : memref<1x8x120xi32, #tpu.memory_space<hbm>> -> memref<8x120xi32, #tpu.memory_space<hbm>>
    %dma_start3A_15 = arith.constant 0 : i32
    %dma_start3A_16 = arith.constant 0 : i32
    %dma_start3A_17 = tpu.memref_slice %arg6[%dma_start3A_6, %dma_start3A_15, %dma_start3A_16] : memref<2x8x120xi32, #tpu.memory_space<vmem>> -> memref<1x8x120xi32, #tpu.memory_space<vmem>>
    %dma_start3A_18 = tpu.memref_squeeze %dma_start3A_17 : memref<1x8x120xi32, #tpu.memory_space<vmem>> -> memref<8x120xi32, #tpu.memory_space<vmem>>
    %dma_start3A_19 = arith.constant 8 : i32
    %dma_start3A_20 = arith.constant 0 : i32
    %dma_start3A_21 = tpu.memref_slice %arg3[%arg1, %dma_start3A_19, %dma_start3A_20] : memref<16x168x120xi32, #tpu.memory_space<hbm>> -> memref<1x8x120xi32, #tpu.memory_space<hbm>>
    %dma_start3A_22 = tpu.memref_squeeze %dma_start3A_21 : memref<1x8x120xi32, #tpu.memory_space<hbm>> -> memref<8x120xi32, #tpu.memory_space<hbm>>
    tpu.enqueue_dma source(%dma_start3A_22 : memref<8x120xi32, #tpu.memory_space<hbm>>) target(%dma_start3A_18 : memref<8x120xi32, #tpu.memory_space<vmem>>) target_semaphore(%arg12 : memref<!tpu.dma_semaphore, #tpu.memory_space<semaphore_mem>>)
    %dma_start3A_23 = arith.constant 1 : i32
    %dma_start3A_24 = arith.constant 0 : i32
    %dma_start3A_25 = arith.constant 0 : i32
    %dma_start3A_26 = tpu.memref_slice %arg7[%dma_start3A_23, %dma_start3A_24, %dma_start3A_25] : memref<2x8x120xi32, #tpu.memory_space<vmem>> -> memref<1x8x120xi32, #tpu.memory_space<vmem>>
    %dma_start3A_27 = tpu.memref_squeeze %dma_start3A_26 : memref<1x8x120xi32, #tpu.memory_space<vmem>> -> memref<8x120xi32, #tpu.memory_space<vmem>>
    %dma_start3A_28 = arith.constant 8 : i32
    %dma_start3A_29 = arith.constant 0 : i32
    %dma_start3A_30 = tpu.memref_slice %arg4[%arg1, %dma_start3A_28, %dma_start3A_29] : memref<16x168x120xi32, #tpu.memory_space<hbm>> -> memref<1x8x120xi32, #tpu.memory_space<hbm>>
    %dma_start3A_31 = tpu.memref_squeeze %dma_start3A_30 : memref<1x8x120xi32, #tpu.memory_space<hbm>> -> memref<8x120xi32, #tpu.memory_space<hbm>>
    %dma_start3A_32 = arith.constant 0 : i32
    %dma_start3A_33 = arith.constant 0 : i32
    %dma_start3A_34 = tpu.memref_slice %arg7[%dma_start3A_23, %dma_start3A_32, %dma_start3A_33] : memref<2x8x120xi32, #tpu.memory_space<vmem>> -> memref<1x8x120xi32, #tpu.memory_space<vmem>>
    %dma_start3A_35 = tpu.memref_squeeze %dma_start3A_34 : memref<1x8x120xi32, #tpu.memory_space<vmem>> -> memref<8x120xi32, #tpu.memory_space<vmem>>
    %dma_start3A_36 = arith.constant 8 : i32
    %dma_start3A_37 = arith.constant 0 : i32
    %dma_start3A_38 = tpu.memref_slice %arg4[%arg1, %dma_start3A_36, %dma_start3A_37] : memref<16x168x120xi32, #tpu.memory_space<hbm>> -> memref<1x8x120xi32, #tpu.memory_space<hbm>>
    %dma_start3A_39 = tpu.memref_squeeze %dma_start3A_38 : memref<1x8x120xi32, #tpu.memory_space<hbm>> -> memref<8x120xi32, #tpu.memory_space<hbm>>
    tpu.enqueue_dma source(%dma_start3A_39 : memref<8x120xi32, #tpu.memory_space<hbm>>) target(%dma_start3A_35 : memref<8x120xi32, #tpu.memory_space<vmem>>) target_semaphore(%arg12 : memref<!tpu.dma_semaphore, #tpu.memory_space<semaphore_mem>>)
    %scan3A = arith.constant 0 : i32
    %scan3A_40 = arith.constant 0 : i32
    %scan3A_41 = arith.constant 2 : i32
    %scan3A_42 = arith.addi %scan3A_40, %scan3A_41 : i32
    %scan3A_43 = arith.constant 1 : i32
    scf.for %scan3A_74 = %scan3A_40 to %scan3A_42 step %scan3A_43  : i32 {
      %rem3A_75 = arith.constant 3 : i32
      %rem3A_76 = arith.remsi %scan3A_74, %rem3A_75 : i32
      %dma_start3A_77 = arith.constant 0 : i32
      %dma_start3A_78 = arith.constant 0 : i32
      %dma_start3A_79 = arith.constant 0 : i32
      %dma_start3A_80 = tpu.memref_slice %arg8[%rem3A_76, %dma_start3A_78, %dma_start3A_79] : memref<3x120x128xf32, #tpu.memory_space<vmem>> -> memref<1x120x128xf32, #tpu.memory_space<vmem>>
      %dma_start3A_81 = tpu.memref_squeeze %dma_start3A_80 : memref<1x120x128xf32, #tpu.memory_space<vmem>> -> memref<120x128xf32, #tpu.memory_space<vmem>>
      %dma_start3A_82 = arith.constant 0 : i32
      %dma_start3A_83 = tpu.memref_slice %arg6[%dma_start3A_77, %scan3A_74, %dma_start3A_82] : memref<2x8x120xi32, #tpu.memory_space<vmem>> -> memref<1x1x120xi32, #tpu.memory_space<vmem>>
      %dma_start3A_84 = tpu.memref_squeeze %dma_start3A_83 : memref<1x1x120xi32, #tpu.memory_space<vmem>> -> memref<120xi32, #tpu.memory_space<vmem>>
      %dma_start3A_85 = arith.constant 0 : i32
      %dma_start3A_86 = arith.constant 0 : i32
      %dma_start3A_87 = tpu.memref_slice %arg2[%dma_start3A_85, %dma_start3A_86] : memref<91008x128xf32, #tpu.memory_space<hbm>> -> memref<91008x128xf32, #tpu.memory_space<hbm>>
      %dma_start3A_88 = tpu.memref_slice %arg10[%rem3A_76] : memref<3x!tpu.dma_semaphore, #tpu.memory_space<semaphore_mem>> -> memref<1x!tpu.dma_semaphore, #tpu.memory_space<semaphore_mem>>
      %dma_start3A_89 = tpu.memref_squeeze %dma_start3A_88 : memref<1x!tpu.dma_semaphore, #tpu.memory_space<semaphore_mem>> -> memref<!tpu.dma_semaphore, #tpu.memory_space<semaphore_mem>>
      tpu.enqueue_indirect_dma source(%dma_start3A_87 : memref<91008x128xf32, #tpu.memory_space<hbm>>) target(%dma_start3A_81 : memref<120x128xf32, #tpu.memory_space<vmem>>) offsets(%dma_start3A_84 : memref<120xi32, #tpu.memory_space<vmem>>) semaphore(%dma_start3A_89 : memref<!tpu.dma_semaphore, #tpu.memory_space<semaphore_mem>>)
    }
    %scan3A_44 = arith.constant 2 : i32
    %dma_wait3A = arith.constant 0 : i32
    %dma_wait3A_45 = tpu.memref_slice %arg9[%mul3A_0, %dma_wait3A] : memref<10112x128xf32, #tpu.memory_space<vmem_shared>> -> memref<632x128xf32, #tpu.memory_space<vmem_shared>>
    %dma_wait3A_46 = arith.constant 0 : i32
    %dma_wait3A_47 = tpu.memref_slice %arg2[%add3A_1, %dma_wait3A_46] : memref<91008x128xf32, #tpu.memory_space<hbm>> -> memref<632x128xf32, #tpu.memory_space<hbm>>
    tpu.wait_dma2 semaphore(%arg13 : memref<!tpu.dma_semaphore, #tpu.memory_space<semaphore_mem>>) src(%dma_wait3A_47 : memref<632x128xf32, #tpu.memory_space<hbm>>) dst(%dma_wait3A_45 : memref<632x128xf32, #tpu.memory_space<vmem_shared>>)
    %barrier3A = arith.constant 0 : index
    tpu.barrier barrier_id(%barrier3A)
    %scan3A_48 = arith.constant 0 : i32
    %scan3A_49 = arith.constant 0 : i32
    %scan3A_50 = arith.constant 168 : i32
    %scan3A_51 = arith.addi %scan3A_49, %scan3A_50 : i32
    %scan3A_52 = arith.constant 1 : i32
    scf.for %scan3A_74 = %scan3A_49 to %scan3A_51 step %scan3A_52  : i32 {
      %rem3A_75 = arith.constant 3 : i32
      %rem3A_76 = arith.remsi %scan3A_74, %rem3A_75 : i32
      %jit3A = arith.constant 8 : i32
      %div3A = arith.divsi %scan3A_74, %jit3A : i32
      %sign3A = arith.constant 0 : i32
      %sign3A_77 = arith.cmpi sgt, %scan3A_74, %sign3A : i32
      %sign3A_78 = arith.extui %sign3A_77 : i1 to i32
      %sign3A_79 = arith.constant 0 : i32
      %sign3A_80 = arith.cmpi slt, %scan3A_74, %sign3A_79 : i32
      %sign3A_81 = arith.extui %sign3A_80 : i1 to i32
      %sign3A_82 = arith.subi %sign3A_78, %sign3A_81 : i32
      %sign3A_83 = arith.constant 0 : i32
      %sign3A_84 = arith.cmpi sgt, %jit3A, %sign3A_83 : i32
      %sign3A_85 = arith.extui %sign3A_84 : i1 to i32
      %sign3A_86 = arith.constant 0 : i32
      %sign3A_87 = arith.cmpi slt, %jit3A, %sign3A_86 : i32
      %sign3A_88 = arith.extui %sign3A_87 : i1 to i32
      %sign3A_89 = arith.subi %sign3A_85, %sign3A_88 : i32
      %ne3A = arith.cmpi ne, %sign3A_82, %sign3A_89 : i32
      %rem3A_90 = arith.remsi %scan3A_74, %jit3A : i32
      %ne3A_91 = arith.constant 0 : i32
      %ne3A_92 = arith.cmpi ne, %rem3A_90, %ne3A_91 : i32
      %and3A = arith.andi %ne3A, %ne3A_92 : i1
      %sub3A = arith.constant 1 : i32
      %sub3A_93 = arith.subi %div3A, %sub3A : i32
      %select_n3A = arith.select %and3A, %sub3A_93, %div3A : i32
      %rem3A_94 = arith.constant 2 : i32
      %rem3A_95 = arith.remsi %select_n3A, %rem3A_94 : i32
      %rem3A_96 = arith.constant 8 : i32
      %rem3A_97 = arith.remsi %scan3A_74, %rem3A_96 : i32
      %dma_wait3A_98 = arith.constant 0 : i32
      %dma_wait3A_99 = arith.constant 0 : i32
      %dma_wait3A_100 = tpu.memref_slice %arg8[%rem3A_76, %dma_wait3A_98, %dma_wait3A_99] : memref<3x120x128xf32, #tpu.memory_space<vmem>> -> memref<1x120x128xf32, #tpu.memory_space<vmem>>
      %dma_wait3A_101 = tpu.memref_squeeze %dma_wait3A_100 : memref<1x120x128xf32, #tpu.memory_space<vmem>> -> memref<120x128xf32, #tpu.memory_space<vmem>>
      %dma_wait3A_102 = arith.constant 0 : i32
      %dma_wait3A_103 = tpu.memref_slice %arg6[%rem3A_95, %rem3A_97, %dma_wait3A_102] : memref<2x8x120xi32, #tpu.memory_space<vmem>> -> memref<1x1x120xi32, #tpu.memory_space<vmem>>
      %dma_wait3A_104 = tpu.memref_squeeze %dma_wait3A_103 : memref<1x1x120xi32, #tpu.memory_space<vmem>> -> memref<120xi32, #tpu.memory_space<vmem>>
      %dma_wait3A_105 = arith.constant 0 : i32
      %dma_wait3A_106 = arith.constant 0 : i32
      %dma_wait3A_107 = tpu.memref_slice %arg2[%dma_wait3A_105, %dma_wait3A_106] : memref<91008x128xf32, #tpu.memory_space<hbm>> -> memref<91008x128xf32, #tpu.memory_space<hbm>>
      %dma_wait3A_108 = tpu.memref_slice %arg10[%rem3A_76] : memref<3x!tpu.dma_semaphore, #tpu.memory_space<semaphore_mem>> -> memref<1x!tpu.dma_semaphore, #tpu.memory_space<semaphore_mem>>
      %dma_wait3A_109 = tpu.memref_squeeze %dma_wait3A_108 : memref<1x!tpu.dma_semaphore, #tpu.memory_space<semaphore_mem>> -> memref<!tpu.dma_semaphore, #tpu.memory_space<semaphore_mem>>
      tpu.wait_indirect_dma semaphore(%dma_wait3A_109 : memref<!tpu.dma_semaphore, #tpu.memory_space<semaphore_mem>>) src(%dma_wait3A_107 : memref<91008x128xf32, #tpu.memory_space<hbm>>) dst(%dma_wait3A_101 : memref<120x128xf32, #tpu.memory_space<vmem>>)
      %dma_start3A_110 = arith.constant 0 : i32
      %dma_start3A_111 = arith.constant 0 : i32
      %dma_start3A_112 = tpu.memref_slice %arg8[%rem3A_76, %dma_start3A_110, %dma_start3A_111] : memref<3x120x128xf32, #tpu.memory_space<vmem>> -> memref<1x120x128xf32, #tpu.memory_space<vmem>>
      %dma_start3A_113 = tpu.memref_squeeze %dma_start3A_112 : memref<1x120x128xf32, #tpu.memory_space<vmem>> -> memref<120x128xf32, #tpu.memory_space<vmem>>
      %dma_start3A_114 = arith.constant 0 : i32
      %dma_start3A_115 = tpu.memref_slice %arg7[%rem3A_95, %rem3A_97, %dma_start3A_114] : memref<2x8x120xi32, #tpu.memory_space<vmem>> -> memref<1x1x120xi32, #tpu.memory_space<vmem>>
      %dma_start3A_116 = tpu.memref_squeeze %dma_start3A_115 : memref<1x1x120xi32, #tpu.memory_space<vmem>> -> memref<120xi32, #tpu.memory_space<vmem>>
      %dma_start3A_117 = arith.constant 0 : i32
      %dma_start3A_118 = arith.constant 0 : i32
      %dma_start3A_119 = tpu.memref_slice %arg9[%dma_start3A_117, %dma_start3A_118] : memref<10112x128xf32, #tpu.memory_space<vmem_shared>> -> memref<10112x128xf32, #tpu.memory_space<vmem_shared>>
      %dma_start3A_120 = tpu.memref_slice %arg11[%rem3A_76] : memref<3x!tpu.dma_semaphore, #tpu.memory_space<semaphore_mem>> -> memref<1x!tpu.dma_semaphore, #tpu.memory_space<semaphore_mem>>
      %dma_start3A_121 = tpu.memref_squeeze %dma_start3A_120 : memref<1x!tpu.dma_semaphore, #tpu.memory_space<semaphore_mem>> -> memref<!tpu.dma_semaphore, #tpu.memory_space<semaphore_mem>>
      tpu.enqueue_indirect_dma source(%dma_start3A_113 : memref<120x128xf32, #tpu.memory_space<vmem>>) target(%dma_start3A_119 : memref<10112x128xf32, #tpu.memory_space<vmem_shared>>) offsets(%dma_start3A_116 : memref<120xi32, #tpu.memory_space<vmem>>) semaphore(%dma_start3A_121 : memref<!tpu.dma_semaphore, #tpu.memory_space<semaphore_mem>>) {add = true}
      %ge3A = arith.constant 1 : i32
      %ge3A_122 = arith.cmpi sge, %scan3A_74, %ge3A : i32
      %convert_element_type3A = arith.extui %ge3A_122 : i1 to i32
      %cond3A = arith.constant 0 : i32
      %cond3A_123 = arith.cmpi ne, %convert_element_type3A, %cond3A : i32
      scf.if %cond3A_123 {
        %sub3A_153 = arith.constant 1 : i32
        %sub3A_154 = arith.subi %scan3A_74, %sub3A_153 : i32
        %add3A_155 = arith.constant 3 : i32
        %add3A_156 = arith.addi %sub3A_154, %add3A_155 : i32
        %rem3A_157 = arith.constant 3 : i32
        %rem3A_158 = arith.remsi %add3A_156, %rem3A_157 : i32
        %dma_wait3A_159 = arith.constant 0 : i32
        %dma_wait3A_160 = arith.constant 0 : i32
        %dma_wait3A_161 = arith.constant 0 : i32
        %dma_wait3A_162 = arith.constant 0 : i32
        %dma_wait3A_163 = tpu.memref_slice %arg8[%rem3A_158, %dma_wait3A_161, %dma_wait3A_162] : memref<3x120x128xf32, #tpu.memory_space<vmem>> -> memref<1x120x128xf32, #tpu.memory_space<vmem>>
        %dma_wait3A_164 = tpu.memref_squeeze %dma_wait3A_163 : memref<1x120x128xf32, #tpu.memory_space<vmem>> -> memref<120x128xf32, #tpu.memory_space<vmem>>
        %dma_wait3A_165 = arith.constant 0 : i32
        %dma_wait3A_166 = tpu.memref_slice %arg7[%dma_wait3A_159, %dma_wait3A_160, %dma_wait3A_165] : memref<2x8x120xi32, #tpu.memory_space<vmem>> -> memref<1x1x120xi32, #tpu.memory_space<vmem>>
        %dma_wait3A_167 = tpu.memref_squeeze %dma_wait3A_166 : memref<1x1x120xi32, #tpu.memory_space<vmem>> -> memref<120xi32, #tpu.memory_space<vmem>>
        %dma_wait3A_168 = arith.constant 0 : i32
        %dma_wait3A_169 = arith.constant 0 : i32
        %dma_wait3A_170 = tpu.memref_slice %arg9[%dma_wait3A_168, %dma_wait3A_169] : memref<10112x128xf32, #tpu.memory_space<vmem_shared>> -> memref<10112x128xf32, #tpu.memory_space<vmem_shared>>
        %dma_wait3A_171 = tpu.memref_slice %arg11[%rem3A_158] : memref<3x!tpu.dma_semaphore, #tpu.memory_space<semaphore_mem>> -> memref<1x!tpu.dma_semaphore, #tpu.memory_space<semaphore_mem>>
        %dma_wait3A_172 = tpu.memref_squeeze %dma_wait3A_171 : memref<1x!tpu.dma_semaphore, #tpu.memory_space<semaphore_mem>> -> memref<!tpu.dma_semaphore, #tpu.memory_space<semaphore_mem>>
        tpu.wait_indirect_dma semaphore(%dma_wait3A_172 : memref<!tpu.dma_semaphore, #tpu.memory_space<semaphore_mem>>) src(%dma_wait3A_164 : memref<120x128xf32, #tpu.memory_space<vmem>>) dst(%dma_wait3A_170 : memref<10112x128xf32, #tpu.memory_space<vmem_shared>>)
      } else {
      }
      %eq3A = arith.constant 0 : i32
      %eq3A_124 = arith.cmpi eq, %rem3A_97, %eq3A : i32
      %ge3A_125 = arith.constant 8 : i32
      %ge3A_126 = arith.cmpi sge, %scan3A_74, %ge3A_125 : i32
      %and3A_127 = arith.andi %eq3A_124, %ge3A_126 : i1
      %add3A_128 = arith.constant 16 : i32
      %add3A_129 = arith.addi %scan3A_74, %add3A_128 : i32
      %le3A = arith.constant 168 : i32
      %le3A_130 = arith.cmpi sle, %add3A_129, %le3A : i32
      %and3A_131 = arith.andi %and3A_127, %le3A_130 : i1
      %convert_element_type3A_132 = arith.extui %and3A_131 : i1 to i32
      %cond3A_133 = arith.constant 0 : i32
      %cond3A_134 = arith.cmpi ne, %convert_element_type3A_132, %cond3A_133 : i32
      scf.if %cond3A_134 {
        %add3A_153 = arith.constant 8 : i32
        %add3A_154 = arith.addi %scan3A_74, %add3A_153 : i32
        %multiple_of3A = tpu.assume_multiple %add3A_154, 8 : i32
        %add3A_155 = arith.constant 8 : i32
        %add3A_156 = arith.addi %scan3A_74, %add3A_155 : i32
        %jit3A_157 = arith.constant 8 : i32
        %div3A_158 = arith.divsi %add3A_156, %jit3A_157 : i32
        %sign3A_159 = arith.constant 0 : i32
        %sign3A_160 = arith.cmpi sgt, %add3A_156, %sign3A_159 : i32
        %sign3A_161 = arith.extui %sign3A_160 : i1 to i32
        %sign3A_162 = arith.constant 0 : i32
        %sign3A_163 = arith.cmpi slt, %add3A_156, %sign3A_162 : i32
        %sign3A_164 = arith.extui %sign3A_163 : i1 to i32
        %sign3A_165 = arith.subi %sign3A_161, %sign3A_164 : i32
        %sign3A_166 = arith.constant 0 : i32
        %sign3A_167 = arith.cmpi sgt, %jit3A_157, %sign3A_166 : i32
        %sign3A_168 = arith.extui %sign3A_167 : i1 to i32
        %sign3A_169 = arith.constant 0 : i32
        %sign3A_170 = arith.cmpi slt, %jit3A_157, %sign3A_169 : i32
        %sign3A_171 = arith.extui %sign3A_170 : i1 to i32
        %sign3A_172 = arith.subi %sign3A_168, %sign3A_171 : i32
        %ne3A_173 = arith.cmpi ne, %sign3A_165, %sign3A_172 : i32
        %rem3A_174 = arith.remsi %add3A_156, %jit3A_157 : i32
        %ne3A_175 = arith.constant 0 : i32
        %ne3A_176 = arith.cmpi ne, %rem3A_174, %ne3A_175 : i32
        %and3A_177 = arith.andi %ne3A_173, %ne3A_176 : i1
        %sub3A_178 = arith.constant 1 : i32
        %sub3A_179 = arith.subi %div3A_158, %sub3A_178 : i32
        %select_n3A_180 = arith.select %and3A_177, %sub3A_179, %div3A_158 : i32
        %rem3A_181 = arith.constant 2 : i32
        %rem3A_182 = arith.remsi %select_n3A_180, %rem3A_181 : i32
        %dma_start3A_183 = arith.constant 0 : i32
        %dma_start3A_184 = arith.constant 0 : i32
        %dma_start3A_185 = tpu.memref_slice %arg6[%rem3A_182, %dma_start3A_183, %dma_start3A_184] : memref<2x8x120xi32, #tpu.memory_space<vmem>> -> memref<1x8x120xi32, #tpu.memory_space<vmem>>
        %dma_start3A_186 = tpu.memref_squeeze %dma_start3A_185 : memref<1x8x120xi32, #tpu.memory_space<vmem>> -> memref<8x120xi32, #tpu.memory_space<vmem>>
        %dma_start3A_187 = arith.constant 0 : i32
        %dma_start3A_188 = tpu.memref_slice %arg3[%arg1, %multiple_of3A, %dma_start3A_187] : memref<16x168x120xi32, #tpu.memory_space<hbm>> -> memref<1x8x120xi32, #tpu.memory_space<hbm>>
        %dma_start3A_189 = tpu.memref_squeeze %dma_start3A_188 : memref<1x8x120xi32, #tpu.memory_space<hbm>> -> memref<8x120xi32, #tpu.memory_space<hbm>>
        %dma_start3A_190 = arith.constant 0 : i32
        %dma_start3A_191 = arith.constant 0 : i32
        %dma_start3A_192 = tpu.memref_slice %arg6[%rem3A_182, %dma_start3A_190, %dma_start3A_191] : memref<2x8x120xi32, #tpu.memory_space<vmem>> -> memref<1x8x120xi32, #tpu.memory_space<vmem>>
        %dma_start3A_193 = tpu.memref_squeeze %dma_start3A_192 : memref<1x8x120xi32, #tpu.memory_space<vmem>> -> memref<8x120xi32, #tpu.memory_space<vmem>>
        %dma_start3A_194 = arith.constant 0 : i32
        %dma_start3A_195 = tpu.memref_slice %arg3[%arg1, %multiple_of3A, %dma_start3A_194] : memref<16x168x120xi32, #tpu.memory_space<hbm>> -> memref<1x8x120xi32, #tpu.memory_space<hbm>>
        %dma_start3A_196 = tpu.memref_squeeze %dma_start3A_195 : memref<1x8x120xi32, #tpu.memory_space<hbm>> -> memref<8x120xi32, #tpu.memory_space<hbm>>
        tpu.enqueue_dma source(%dma_start3A_196 : memref<8x120xi32, #tpu.memory_space<hbm>>) target(%dma_start3A_193 : memref<8x120xi32, #tpu.memory_space<vmem>>) target_semaphore(%arg12 : memref<!tpu.dma_semaphore, #tpu.memory_space<semaphore_mem>>)
        %dma_start3A_197 = arith.constant 0 : i32
        %dma_start3A_198 = arith.constant 0 : i32
        %dma_start3A_199 = tpu.memref_slice %arg7[%rem3A_182, %dma_start3A_197, %dma_start3A_198] : memref<2x8x120xi32, #tpu.memory_space<vmem>> -> memref<1x8x120xi32, #tpu.memory_space<vmem>>
        %dma_start3A_200 = tpu.memref_squeeze %dma_start3A_199 : memref<1x8x120xi32, #tpu.memory_space<vmem>> -> memref<8x120xi32, #tpu.memory_space<vmem>>
        %dma_start3A_201 = arith.constant 0 : i32
        %dma_start3A_202 = tpu.memref_slice %arg4[%arg1, %multiple_of3A, %dma_start3A_201] : memref<16x168x120xi32, #tpu.memory_space<hbm>> -> memref<1x8x120xi32, #tpu.memory_space<hbm>>
        %dma_start3A_203 = tpu.memref_squeeze %dma_start3A_202 : memref<1x8x120xi32, #tpu.memory_space<hbm>> -> memref<8x120xi32, #tpu.memory_space<hbm>>
        %dma_start3A_204 = arith.constant 0 : i32
        %dma_start3A_205 = arith.constant 0 : i32
        %dma_start3A_206 = tpu.memref_slice %arg7[%rem3A_182, %dma_start3A_204, %dma_start3A_205] : memref<2x8x120xi32, #tpu.memory_space<vmem>> -> memref<1x8x120xi32, #tpu.memory_space<vmem>>
        %dma_start3A_207 = tpu.memref_squeeze %dma_start3A_206 : memref<1x8x120xi32, #tpu.memory_space<vmem>> -> memref<8x120xi32, #tpu.memory_space<vmem>>
        %dma_start3A_208 = arith.constant 0 : i32
        %dma_start3A_209 = tpu.memref_slice %arg4[%arg1, %multiple_of3A, %dma_start3A_208] : memref<16x168x120xi32, #tpu.memory_space<hbm>> -> memref<1x8x120xi32, #tpu.memory_space<hbm>>
        %dma_start3A_210 = tpu.memref_squeeze %dma_start3A_209 : memref<1x8x120xi32, #tpu.memory_space<hbm>> -> memref<8x120xi32, #tpu.memory_space<hbm>>
        tpu.enqueue_dma source(%dma_start3A_210 : memref<8x120xi32, #tpu.memory_space<hbm>>) target(%dma_start3A_207 : memref<8x120xi32, #tpu.memory_space<vmem>>) target_semaphore(%arg12 : memref<!tpu.dma_semaphore, #tpu.memory_space<semaphore_mem>>)
      } else {
      }
      %add3A_135 = arith.constant 3 : i32
      %add3A_136 = arith.addi %scan3A_74, %add3A_135 : i32
      %sub3A_137 = arith.constant 1 : i32
      %sub3A_138 = arith.subi %add3A_136, %sub3A_137 : i32
      %rem3A_139 = arith.constant 8 : i32
      %rem3A_140 = arith.remsi %sub3A_138, %rem3A_139 : i32
      %eq3A_141 = arith.constant 0 : i32
      %eq3A_142 = arith.cmpi eq, %rem3A_140, %eq3A_141 : i32
      %lt3A = arith.constant 168 : i32
      %lt3A_143 = arith.cmpi slt, %sub3A_138, %lt3A : i32
      %and3A_144 = arith.andi %eq3A_142, %lt3A_143 : i1
      %convert_element_type3A_145 = arith.extui %and3A_144 : i1 to i32
      %cond3A_146 = arith.constant 0 : i32
      %cond3A_147 = arith.cmpi ne, %convert_element_type3A_145, %cond3A_146 : i32
      scf.if %cond3A_147 {
        %dma_wait3A_153 = arith.constant 0 : i32
        %dma_wait3A_154 = arith.constant 0 : i32
        %dma_wait3A_155 = arith.constant 0 : i32
        %dma_wait3A_156 = tpu.memref_slice %arg6[%dma_wait3A_153, %dma_wait3A_154, %dma_wait3A_155] : memref<2x8x120xi32, #tpu.memory_space<vmem>> -> memref<1x8x120xi32, #tpu.memory_space<vmem>>
        %dma_wait3A_157 = tpu.memref_squeeze %dma_wait3A_156 : memref<1x8x120xi32, #tpu.memory_space<vmem>> -> memref<8x120xi32, #tpu.memory_space<vmem>>
        %dma_wait3A_158 = arith.constant 0 : i32
        %dma_wait3A_159 = arith.constant 0 : i32
        %dma_wait3A_160 = tpu.memref_slice %arg3[%arg1, %dma_wait3A_158, %dma_wait3A_159] : memref<16x168x120xi32, #tpu.memory_space<hbm>> -> memref<1x8x120xi32, #tpu.memory_space<hbm>>
        %dma_wait3A_161 = tpu.memref_squeeze %dma_wait3A_160 : memref<1x8x120xi32, #tpu.memory_space<hbm>> -> memref<8x120xi32, #tpu.memory_space<hbm>>
        %dma_wait3A_162 = arith.constant 0 : i32
        %dma_wait3A_163 = arith.constant 0 : i32
        %dma_wait3A_164 = tpu.memref_slice %arg6[%dma_wait3A_153, %dma_wait3A_162, %dma_wait3A_163] : memref<2x8x120xi32, #tpu.memory_space<vmem>> -> memref<1x8x120xi32, #tpu.memory_space<vmem>>
        %dma_wait3A_165 = tpu.memref_squeeze %dma_wait3A_164 : memref<1x8x120xi32, #tpu.memory_space<vmem>> -> memref<8x120xi32, #tpu.memory_space<vmem>>
        %dma_wait3A_166 = arith.constant 0 : i32
        %dma_wait3A_167 = arith.constant 0 : i32
        %dma_wait3A_168 = tpu.memref_slice %arg3[%arg1, %dma_wait3A_166, %dma_wait3A_167] : memref<16x168x120xi32, #tpu.memory_space<hbm>> -> memref<1x8x120xi32, #tpu.memory_space<hbm>>
        %dma_wait3A_169 = tpu.memref_squeeze %dma_wait3A_168 : memref<1x8x120xi32, #tpu.memory_space<hbm>> -> memref<8x120xi32, #tpu.memory_space<hbm>>
        tpu.wait_dma2 semaphore(%arg12 : memref<!tpu.dma_semaphore, #tpu.memory_space<semaphore_mem>>) src(%dma_wait3A_169 : memref<8x120xi32, #tpu.memory_space<hbm>>) dst(%dma_wait3A_165 : memref<8x120xi32, #tpu.memory_space<vmem>>)
        %dma_wait3A_170 = arith.constant 0 : i32
        %dma_wait3A_171 = arith.constant 0 : i32
        %dma_wait3A_172 = arith.constant 0 : i32
        %dma_wait3A_173 = tpu.memref_slice %arg7[%dma_wait3A_170, %dma_wait3A_171, %dma_wait3A_172] : memref<2x8x120xi32, #tpu.memory_space<vmem>> -> memref<1x8x120xi32, #tpu.memory_space<vmem>>
        %dma_wait3A_174 = tpu.memref_squeeze %dma_wait3A_173 : memref<1x8x120xi32, #tpu.memory_space<vmem>> -> memref<8x120xi32, #tpu.memory_space<vmem>>
        %dma_wait3A_175 = arith.constant 0 : i32
        %dma_wait3A_176 = arith.constant 0 : i32
        %dma_wait3A_177 = tpu.memref_slice %arg4[%arg1, %dma_wait3A_175, %dma_wait3A_176] : memref<16x168x120xi32, #tpu.memory_space<hbm>> -> memref<1x8x120xi32, #tpu.memory_space<hbm>>
        %dma_wait3A_178 = tpu.memref_squeeze %dma_wait3A_177 : memref<1x8x120xi32, #tpu.memory_space<hbm>> -> memref<8x120xi32, #tpu.memory_space<hbm>>
        %dma_wait3A_179 = arith.constant 0 : i32
        %dma_wait3A_180 = arith.constant 0 : i32
        %dma_wait3A_181 = tpu.memref_slice %arg7[%dma_wait3A_170, %dma_wait3A_179, %dma_wait3A_180] : memref<2x8x120xi32, #tpu.memory_space<vmem>> -> memref<1x8x120xi32, #tpu.memory_space<vmem>>
        %dma_wait3A_182 = tpu.memref_squeeze %dma_wait3A_181 : memref<1x8x120xi32, #tpu.memory_space<vmem>> -> memref<8x120xi32, #tpu.memory_space<vmem>>
        %dma_wait3A_183 = arith.constant 0 : i32
        %dma_wait3A_184 = arith.constant 0 : i32
        %dma_wait3A_185 = tpu.memref_slice %arg4[%arg1, %dma_wait3A_183, %dma_wait3A_184] : memref<16x168x120xi32, #tpu.memory_space<hbm>> -> memref<1x8x120xi32, #tpu.memory_space<hbm>>
        %dma_wait3A_186 = tpu.memref_squeeze %dma_wait3A_185 : memref<1x8x120xi32, #tpu.memory_space<hbm>> -> memref<8x120xi32, #tpu.memory_space<hbm>>
        tpu.wait_dma2 semaphore(%arg12 : memref<!tpu.dma_semaphore, #tpu.memory_space<semaphore_mem>>) src(%dma_wait3A_186 : memref<8x120xi32, #tpu.memory_space<hbm>>) dst(%dma_wait3A_182 : memref<8x120xi32, #tpu.memory_space<vmem>>)
      } else {
      }
      %lt3A_148 = arith.constant 168 : i32
      %lt3A_149 = arith.cmpi slt, %sub3A_138, %lt3A_148 : i32
      %convert_element_type3A_150 = arith.extui %lt3A_149 : i1 to i32
      %cond3A_151 = arith.constant 0 : i32
      %cond3A_152 = arith.cmpi ne, %convert_element_type3A_150, %cond3A_151 : i32
      scf.if %cond3A_152 {
        %rem3A_153 = arith.constant 3 : i32
        %rem3A_154 = arith.remsi %sub3A_138, %rem3A_153 : i32
        %jit3A_155 = arith.constant 8 : i32
        %div3A_156 = arith.divsi %sub3A_138, %jit3A_155 : i32
        %sign3A_157 = arith.constant 0 : i32
        %sign3A_158 = arith.cmpi sgt, %sub3A_138, %sign3A_157 : i32
        %sign3A_159 = arith.extui %sign3A_158 : i1 to i32
        %sign3A_160 = arith.constant 0 : i32
        %sign3A_161 = arith.cmpi slt, %sub3A_138, %sign3A_160 : i32
        %sign3A_162 = arith.extui %sign3A_161 : i1 to i32
        %sign3A_163 = arith.subi %sign3A_159, %sign3A_162 : i32
        %sign3A_164 = arith.constant 0 : i32
        %sign3A_165 = arith.cmpi sgt, %jit3A_155, %sign3A_164 : i32
        %sign3A_166 = arith.extui %sign3A_165 : i1 to i32
        %sign3A_167 = arith.constant 0 : i32
        %sign3A_168 = arith.cmpi slt, %jit3A_155, %sign3A_167 : i32
        %sign3A_169 = arith.extui %sign3A_168 : i1 to i32
        %sign3A_170 = arith.subi %sign3A_166, %sign3A_169 : i32
        %ne3A_171 = arith.cmpi ne, %sign3A_163, %sign3A_170 : i32
        %rem3A_172 = arith.remsi %sub3A_138, %jit3A_155 : i32
        %ne3A_173 = arith.constant 0 : i32
        %ne3A_174 = arith.cmpi ne, %rem3A_172, %ne3A_173 : i32
        %and3A_175 = arith.andi %ne3A_171, %ne3A_174 : i1
        %sub3A_176 = arith.constant 1 : i32
        %sub3A_177 = arith.subi %div3A_156, %sub3A_176 : i32
        %select_n3A_178 = arith.select %and3A_175, %sub3A_177, %div3A_156 : i32
        %rem3A_179 = arith.constant 2 : i32
        %rem3A_180 = arith.remsi %select_n3A_178, %rem3A_179 : i32
        %rem3A_181 = arith.constant 8 : i32
        %rem3A_182 = arith.remsi %sub3A_138, %rem3A_181 : i32
        %dma_start3A_183 = arith.constant 0 : i32
        %dma_start3A_184 = arith.constant 0 : i32
        %dma_start3A_185 = tpu.memref_slice %arg8[%rem3A_154, %dma_start3A_183, %dma_start3A_184] : memref<3x120x128xf32, #tpu.memory_space<vmem>> -> memref<1x120x128xf32, #tpu.memory_space<vmem>>
        %dma_start3A_186 = tpu.memref_squeeze %dma_start3A_185 : memref<1x120x128xf32, #tpu.memory_space<vmem>> -> memref<120x128xf32, #tpu.memory_space<vmem>>
        %dma_start3A_187 = arith.constant 0 : i32
        %dma_start3A_188 = tpu.memref_slice %arg6[%rem3A_180, %rem3A_182, %dma_start3A_187] : memref<2x8x120xi32, #tpu.memory_space<vmem>> -> memref<1x1x120xi32, #tpu.memory_space<vmem>>
        %dma_start3A_189 = tpu.memref_squeeze %dma_start3A_188 : memref<1x1x120xi32, #tpu.memory_space<vmem>> -> memref<120xi32, #tpu.memory_space<vmem>>
        %dma_start3A_190 = arith.constant 0 : i32
        %dma_start3A_191 = arith.constant 0 : i32
        %dma_start3A_192 = tpu.memref_slice %arg2[%dma_start3A_190, %dma_start3A_191] : memref<91008x128xf32, #tpu.memory_space<hbm>> -> memref<91008x128xf32, #tpu.memory_space<hbm>>
        %dma_start3A_193 = tpu.memref_slice %arg10[%rem3A_154] : memref<3x!tpu.dma_semaphore, #tpu.memory_space<semaphore_mem>> -> memref<1x!tpu.dma_semaphore, #tpu.memory_space<semaphore_mem>>
        %dma_start3A_194 = tpu.memref_squeeze %dma_start3A_193 : memref<1x!tpu.dma_semaphore, #tpu.memory_space<semaphore_mem>> -> memref<!tpu.dma_semaphore, #tpu.memory_space<semaphore_mem>>
        tpu.enqueue_indirect_dma source(%dma_start3A_192 : memref<91008x128xf32, #tpu.memory_space<hbm>>) target(%dma_start3A_186 : memref<120x128xf32, #tpu.memory_space<vmem>>) offsets(%dma_start3A_189 : memref<120xi32, #tpu.memory_space<vmem>>) semaphore(%dma_start3A_194 : memref<!tpu.dma_semaphore, #tpu.memory_space<semaphore_mem>>)
      } else {
      }
    }
    %scan3A_53 = arith.constant 168 : i32
    %rem3A = arith.constant 167 : i32
    %rem3A_54 = arith.constant 3 : i32
    %rem3A_55 = arith.remsi %rem3A, %rem3A_54 : i32
    %rem3A_56 = arith.constant 167 : i32
    %rem3A_57 = arith.constant 3 : i32
    %rem3A_58 = arith.remsi %rem3A_56, %rem3A_57 : i32
    %dma_wait3A_59 = arith.constant 0 : i32
    %dma_wait3A_60 = arith.constant 0 : i32
    %dma_wait3A_61 = arith.constant 0 : i32
    %dma_wait3A_62 = arith.constant 0 : i32
    %dma_wait3A_63 = tpu.memref_slice %arg8[%rem3A_55, %dma_wait3A_61, %dma_wait3A_62] : memref<3x120x128xf32, #tpu.memory_space<vmem>> -> memref<1x120x128xf32, #tpu.memory_space<vmem>>
    %dma_wait3A_64 = tpu.memref_squeeze %dma_wait3A_63 : memref<1x120x128xf32, #tpu.memory_space<vmem>> -> memref<120x128xf32, #tpu.memory_space<vmem>>
    %dma_wait3A_65 = arith.constant 0 : i32
    %dma_wait3A_66 = tpu.memref_slice %arg7[%dma_wait3A_59, %dma_wait3A_60, %dma_wait3A_65] : memref<2x8x120xi32, #tpu.memory_space<vmem>> -> memref<1x1x120xi32, #tpu.memory_space<vmem>>
    %dma_wait3A_67 = tpu.memref_squeeze %dma_wait3A_66 : memref<1x1x120xi32, #tpu.memory_space<vmem>> -> memref<120xi32, #tpu.memory_space<vmem>>
    %dma_wait3A_68 = arith.constant 0 : i32
    %dma_wait3A_69 = arith.constant 0 : i32
    %dma_wait3A_70 = tpu.memref_slice %arg9[%dma_wait3A_68, %dma_wait3A_69] : memref<10112x128xf32, #tpu.memory_space<vmem_shared>> -> memref<10112x128xf32, #tpu.memory_space<vmem_shared>>
    %dma_wait3A_71 = tpu.memref_slice %arg11[%rem3A_58] : memref<3x!tpu.dma_semaphore, #tpu.memory_space<semaphore_mem>> -> memref<1x!tpu.dma_semaphore, #tpu.memory_space<semaphore_mem>>
    %dma_wait3A_72 = tpu.memref_squeeze %dma_wait3A_71 : memref<1x!tpu.dma_semaphore, #tpu.memory_space<semaphore_mem>> -> memref<!tpu.dma_semaphore, #tpu.memory_space<semaphore_mem>>
    tpu.wait_indirect_dma semaphore(%dma_wait3A_72 : memref<!tpu.dma_semaphore, #tpu.memory_space<semaphore_mem>>) src(%dma_wait3A_64 : memref<120x128xf32, #tpu.memory_space<vmem>>) dst(%dma_wait3A_70 : memref<10112x128xf32, #tpu.memory_space<vmem_shared>>)
    %barrier3A_73 = arith.constant 0 : index
    tpu.barrier barrier_id(%barrier3A_73)
    "tpu.region"() ({
      %run_scoped3A_74 = tpu.sem_alloc : memref<!tpu.dma_semaphore, #tpu.memory_space<semaphore_mem>>
      %dma_start3A_75 = arith.constant 0 : i32
      %dma_start3A_76 = tpu.memref_slice %arg5[%mul3A_0, %dma_start3A_75] : memref<10112x128xf32, #tpu.memory_space<hbm>> -> memref<632x128xf32, #tpu.memory_space<hbm>>
      %dma_start3A_77 = arith.constant 0 : i32
      %dma_start3A_78 = tpu.memref_slice %arg9[%mul3A_0, %dma_start3A_77] : memref<10112x128xf32, #tpu.memory_space<vmem_shared>> -> memref<632x128xf32, #tpu.memory_space<vmem_shared>>
      tpu.enqueue_dma source(%dma_start3A_78 : memref<632x128xf32, #tpu.memory_space<vmem_shared>>) target(%dma_start3A_76 : memref<632x128xf32, #tpu.memory_space<hbm>>) target_semaphore(%run_scoped3A_74 : memref<!tpu.dma_semaphore, #tpu.memory_space<semaphore_mem>>)
      %dma_wait3A_79 = arith.constant 0 : i32
      %dma_wait3A_80 = tpu.memref_slice %arg5[%mul3A_0, %dma_wait3A_79] : memref<10112x128xf32, #tpu.memory_space<hbm>> -> memref<632x128xf32, #tpu.memory_space<hbm>>
      %dma_wait3A_81 = arith.constant 0 : i32
      %dma_wait3A_82 = tpu.memref_slice %arg9[%mul3A_0, %dma_wait3A_81] : memref<10112x128xf32, #tpu.memory_space<vmem_shared>> -> memref<632x128xf32, #tpu.memory_space<vmem_shared>>
      tpu.wait_dma2 semaphore(%run_scoped3A_74 : memref<!tpu.dma_semaphore, #tpu.memory_space<semaphore_mem>>) src(%dma_wait3A_82 : memref<632x128xf32, #tpu.memory_space<vmem_shared>>) dst(%dma_wait3A_80 : memref<632x128xf32, #tpu.memory_space<hbm>>)
      tpu.yield
    }) : () -> ()
    return
  }
}

module attributes {stable_mosaic.version = 14 : i64} {
  func.func @_idx_body(%arg0: memref<2500x128xi32, #tpu.memory_space<vmem>>, %arg1: memref<2500x128xi32, #tpu.memory_space<vmem>>, %arg2: memref<2500x128xi32, #tpu.memory_space<vmem>>) attributes {dimension_semantics = [], scalar_prefetch = 0 : i64, scratch_operands = 0 : i64, tpu.core_type = #tpu.core_type<tc>} {
    %get3A = arith.constant 0 : index
    %get3A_0 = arith.constant 0 : index
    %get3A_1 = vector.load %arg1[%get3A, %get3A_0] : memref<2500x128xi32, #tpu.memory_space<vmem>>, vector<2500x128xi32>
    %mul3A = arith.constant 10112 : i32
    %mul3A_2 = vector.broadcast %mul3A : i32 to vector<2500x128xi32>
    %mul3A_3 = arith.muli %get3A_1, %mul3A_2 : vector<2500x128xi32>
    %get3A_4 = arith.constant 0 : index
    %get3A_5 = arith.constant 0 : index
    %get3A_6 = vector.load %arg0[%get3A_4, %get3A_5] : memref<2500x128xi32, #tpu.memory_space<vmem>>, vector<2500x128xi32>
    %add3A = arith.addi %mul3A_3, %get3A_6 : vector<2500x128xi32>
    %swap3A = arith.constant 0 : index
    %swap3A_7 = arith.constant 0 : index
    %swap3A_8 = vector.load %arg2[%swap3A, %swap3A_7] : memref<2500x128xi32, #tpu.memory_space<vmem>>, vector<2500x128xi32>
    tpu.vector_store %arg2[%swap3A, %swap3A_7], %add3A {strides = array<i32>} : memref<2500x128xi32, #tpu.memory_space<vmem>>, vector<2500x128xi32>,
    return
  }
}

module attributes {stable_mosaic.version = 14 : i64} {
  func.func @_proj_body(%arg0: i32, %arg1: memref<2528x128xf32, #tpu.memory_space<vmem>>, %arg2: memref<128x1152xf32, #tpu.memory_space<vmem>>, %arg3: memref<9x2528x128xf32, #tpu.memory_space<vmem>>) attributes {dimension_semantics = [#tpu.dimension_semantics<arbitrary>], iteration_bounds = array<i64: 4>, scalar_prefetch = 0 : i64, scratch_operands = 0 : i64, tpu.core_type = #tpu.core_type<tc>, window_params = [{transform_indices = @transform_0, window_bounds = array<i64: 2528, 128>}, {pipeline_mode = #tpu.pipeline_mode<synchronous>, transform_indices = @transform_1, window_bounds = array<i64: 128, 1152>}, {transform_indices = @transform_2, window_bounds = array<i64: 9, 2528, 128>}]} {
    %get3A = arith.constant 0 : index
    %get3A_0 = arith.constant 0 : index
    %get3A_1 = vector.load %arg1[%get3A, %get3A_0] : memref<2528x128xf32, #tpu.memory_space<vmem>>, vector<2528x128xf32>
    %max3A = arith.constant 0.000000e+00 : f32
    %max3A_2 = vector.broadcast %max3A : f32 to vector<2528x128xf32>
    %max3A_3 = arith.maximumf %get3A_1, %max3A_2 : vector<2528x128xf32>
    %get3A_4 = arith.constant 0 : index
    %get3A_5 = arith.constant 0 : index
    %get3A_6 = vector.load %arg2[%get3A_4, %get3A_5] : memref<128x1152xf32, #tpu.memory_space<vmem>>, vector<128x1152xf32>
    %dot_general3A = arith.constant dense<0.000000e+00> : vector<2528x1152xf32>
    %dot_general3A_7 = tpu.matmul %max3A_3, %get3A_6, %dot_general3A {dimension_numbers = #tpu.dot_dimension_numbers<[1], [0], [0], [1], [0, 0, 1, 1], [], []>, transpose_lhs_hint = false} : vector<2528x128xf32>, vector<128x1152xf32>, vector<2528x1152xf32> -> vector<2528x1152xf32>
    %slice3A = vector.extract_strided_slice %dot_general3A_7 {offsets = [0, 0], sizes = [2528, 128], strides = [1, 1]} : vector<2528x1152xf32> to vector<2528x128xf32>
    %swap3A = arith.constant 0 : index
    %swap3A_8 = arith.constant 0 : index
    %swap3A_9 = arith.constant 0 : index
    %swap3A_10 = vector.load %arg3[%swap3A, %swap3A_8, %swap3A_9] : memref<9x2528x128xf32, #tpu.memory_space<vmem>>, vector<1x2528x128xf32>
    %swap3A_11 = vector.shape_cast %swap3A_10 : vector<1x2528x128xf32> to vector<2528x128xf32>
    %swap3A_12 = vector.shape_cast %slice3A : vector<2528x128xf32> to vector<1x2528x128xf32>
    tpu.vector_store %arg3[%swap3A, %swap3A_8, %swap3A_9], %swap3A_12 {strides = array<i32>} : memref<9x2528x128xf32, #tpu.memory_space<vmem>>, vector<1x2528x128xf32>,
    %slice3A_13 = vector.extract_strided_slice %dot_general3A_7 {offsets = [0, 128], sizes = [2528, 128], strides = [1, 1]} : vector<2528x1152xf32> to vector<2528x128xf32>
    %swap3A_14 = arith.constant 1 : index
    %swap3A_15 = arith.constant 0 : index
    %swap3A_16 = arith.constant 0 : index
    %swap3A_17 = vector.load %arg3[%swap3A_14, %swap3A_15, %swap3A_16] : memref<9x2528x128xf32, #tpu.memory_space<vmem>>, vector<1x2528x128xf32>
    %swap3A_18 = vector.shape_cast %swap3A_17 : vector<1x2528x128xf32> to vector<2528x128xf32>
    %swap3A_19 = vector.shape_cast %slice3A_13 : vector<2528x128xf32> to vector<1x2528x128xf32>
    tpu.vector_store %arg3[%swap3A_14, %swap3A_15, %swap3A_16], %swap3A_19 {strides = array<i32>} : memref<9x2528x128xf32, #tpu.memory_space<vmem>>, vector<1x2528x128xf32>,
    %slice3A_20 = vector.extract_strided_slice %dot_general3A_7 {offsets = [0, 256], sizes = [2528, 128], strides = [1, 1]} : vector<2528x1152xf32> to vector<2528x128xf32>
    %swap3A_21 = arith.constant 2 : index
    %swap3A_22 = arith.constant 0 : index
    %swap3A_23 = arith.constant 0 : index
    %swap3A_24 = vector.load %arg3[%swap3A_21, %swap3A_22, %swap3A_23] : memref<9x2528x128xf32, #tpu.memory_space<vmem>>, vector<1x2528x128xf32>
    %swap3A_25 = vector.shape_cast %swap3A_24 : vector<1x2528x128xf32> to vector<2528x128xf32>
    %swap3A_26 = vector.shape_cast %slice3A_20 : vector<2528x128xf32> to vector<1x2528x128xf32>
    tpu.vector_store %arg3[%swap3A_21, %swap3A_22, %swap3A_23], %swap3A_26 {strides = array<i32>} : memref<9x2528x128xf32, #tpu.memory_space<vmem>>, vector<1x2528x128xf32>,
    %slice3A_27 = vector.extract_strided_slice %dot_general3A_7 {offsets = [0, 384], sizes = [2528, 128], strides = [1, 1]} : vector<2528x1152xf32> to vector<2528x128xf32>
    %swap3A_28 = arith.constant 3 : index
    %swap3A_29 = arith.constant 0 : index
    %swap3A_30 = arith.constant 0 : index
    %swap3A_31 = vector.load %arg3[%swap3A_28, %swap3A_29, %swap3A_30] : memref<9x2528x128xf32, #tpu.memory_space<vmem>>, vector<1x2528x128xf32>
    %swap3A_32 = vector.shape_cast %swap3A_31 : vector<1x2528x128xf32> to vector<2528x128xf32>
    %swap3A_33 = vector.shape_cast %slice3A_27 : vector<2528x128xf32> to vector<1x2528x128xf32>
    tpu.vector_store %arg3[%swap3A_28, %swap3A_29, %swap3A_30], %swap3A_33 {strides = array<i32>} : memref<9x2528x128xf32, #tpu.memory_space<vmem>>, vector<1x2528x128xf32>,
    %slice3A_34 = vector.extract_strided_slice %dot_general3A_7 {offsets = [0, 512], sizes = [2528, 128], strides = [1, 1]} : vector<2528x1152xf32> to vector<2528x128xf32>
    %swap3A_35 = arith.constant 4 : index
    %swap3A_36 = arith.constant 0 : index
    %swap3A_37 = arith.constant 0 : index
    %swap3A_38 = vector.load %arg3[%swap3A_35, %swap3A_36, %swap3A_37] : memref<9x2528x128xf32, #tpu.memory_space<vmem>>, vector<1x2528x128xf32>
    %swap3A_39 = vector.shape_cast %swap3A_38 : vector<1x2528x128xf32> to vector<2528x128xf32>
    %swap3A_40 = vector.shape_cast %slice3A_34 : vector<2528x128xf32> to vector<1x2528x128xf32>
    tpu.vector_store %arg3[%swap3A_35, %swap3A_36, %swap3A_37], %swap3A_40 {strides = array<i32>} : memref<9x2528x128xf32, #tpu.memory_space<vmem>>, vector<1x2528x128xf32>,
    %slice3A_41 = vector.extract_strided_slice %dot_general3A_7 {offsets = [0, 640], sizes = [2528, 128], strides = [1, 1]} : vector<2528x1152xf32> to vector<2528x128xf32>
    %swap3A_42 = arith.constant 5 : index
    %swap3A_43 = arith.constant 0 : index
    %swap3A_44 = arith.constant 0 : index
    %swap3A_45 = vector.load %arg3[%swap3A_42, %swap3A_43, %swap3A_44] : memref<9x2528x128xf32, #tpu.memory_space<vmem>>, vector<1x2528x128xf32>
    %swap3A_46 = vector.shape_cast %swap3A_45 : vector<1x2528x128xf32> to vector<2528x128xf32>
    %swap3A_47 = vector.shape_cast %slice3A_41 : vector<2528x128xf32> to vector<1x2528x128xf32>
    tpu.vector_store %arg3[%swap3A_42, %swap3A_43, %swap3A_44], %swap3A_47 {strides = array<i32>} : memref<9x2528x128xf32, #tpu.memory_space<vmem>>, vector<1x2528x128xf32>,
    %slice3A_48 = vector.extract_strided_slice %dot_general3A_7 {offsets = [0, 768], sizes = [2528, 128], strides = [1, 1]} : vector<2528x1152xf32> to vector<2528x128xf32>
    %swap3A_49 = arith.constant 6 : index
    %swap3A_50 = arith.constant 0 : index
    %swap3A_51 = arith.constant 0 : index
    %swap3A_52 = vector.load %arg3[%swap3A_49, %swap3A_50, %swap3A_51] : memref<9x2528x128xf32, #tpu.memory_space<vmem>>, vector<1x2528x128xf32>
    %swap3A_53 = vector.shape_cast %swap3A_52 : vector<1x2528x128xf32> to vector<2528x128xf32>
    %swap3A_54 = vector.shape_cast %slice3A_48 : vector<2528x128xf32> to vector<1x2528x128xf32>
    tpu.vector_store %arg3[%swap3A_49, %swap3A_50, %swap3A_51], %swap3A_54 {strides = array<i32>} : memref<9x2528x128xf32, #tpu.memory_space<vmem>>, vector<1x2528x128xf32>,
    %slice3A_55 = vector.extract_strided_slice %dot_general3A_7 {offsets = [0, 896], sizes = [2528, 128], strides = [1, 1]} : vector<2528x1152xf32> to vector<2528x128xf32>
    %swap3A_56 = arith.constant 7 : index
    %swap3A_57 = arith.constant 0 : index
    %swap3A_58 = arith.constant 0 : index
    %swap3A_59 = vector.load %arg3[%swap3A_56, %swap3A_57, %swap3A_58] : memref<9x2528x128xf32, #tpu.memory_space<vmem>>, vector<1x2528x128xf32>
    %swap3A_60 = vector.shape_cast %swap3A_59 : vector<1x2528x128xf32> to vector<2528x128xf32>
    %swap3A_61 = vector.shape_cast %slice3A_55 : vector<2528x128xf32> to vector<1x2528x128xf32>
    tpu.vector_store %arg3[%swap3A_56, %swap3A_57, %swap3A_58], %swap3A_61 {strides = array<i32>} : memref<9x2528x128xf32, #tpu.memory_space<vmem>>, vector<1x2528x128xf32>,
    %slice3A_62 = vector.extract_strided_slice %dot_general3A_7 {offsets = [0, 1024], sizes = [2528, 128], strides = [1, 1]} : vector<2528x1152xf32> to vector<2528x128xf32>
    %swap3A_63 = arith.constant 8 : index
    %swap3A_64 = arith.constant 0 : index
    %swap3A_65 = arith.constant 0 : index
    %swap3A_66 = vector.load %arg3[%swap3A_63, %swap3A_64, %swap3A_65] : memref<9x2528x128xf32, #tpu.memory_space<vmem>>, vector<1x2528x128xf32>
    %swap3A_67 = vector.shape_cast %swap3A_66 : vector<1x2528x128xf32> to vector<2528x128xf32>
    %swap3A_68 = vector.shape_cast %slice3A_62 : vector<2528x128xf32> to vector<1x2528x128xf32>
    tpu.vector_store %arg3[%swap3A_63, %swap3A_64, %swap3A_65], %swap3A_68 {strides = array<i32>} : memref<9x2528x128xf32, #tpu.memory_space<vmem>>, vector<1x2528x128xf32>,
    return
  }
  func.func @transform_0(%arg0: i32) -> (i32, i32) {
    %c0_i32 = arith.constant 0 : i32
    %c0_i32_0 = arith.constant 0 : i32
    return %arg0, %c0_i32 : i32, i32
  }
  func.func @transform_1(%arg0: i32) -> (i32, i32) {
    %c0_i32 = arith.constant 0 : i32
    %c0_i32_0 = arith.constant 0 : i32
    %c0_i32_1 = arith.constant 0 : i32
    return %c0_i32, %c0_i32_0 : i32, i32
  }
  func.func @transform_2(%arg0: i32) -> (i32, i32, i32) {
    %c0_i32 = arith.constant 0 : i32
    %c0_i32_0 = arith.constant 0 : i32
    %c0_i32_1 = arith.constant 0 : i32
    return %c0_i32, %arg0, %c0_i32_0 : i32, i32, i32
  }
}

module attributes {stable_mosaic.version = 14 : i64} {
  func.func @_final_body(%arg0: i32, %arg1: memref<1000x128xf32, #tpu.memory_space<vmem>>, %arg2: memref<1000x128xf32, #tpu.memory_space<vmem>>) attributes {dimension_semantics = [#tpu.dimension_semantics<arbitrary>], iteration_bounds = array<i64: 10>, scalar_prefetch = 0 : i64, scratch_operands = 0 : i64, tpu.core_type = #tpu.core_type<tc>, window_params = [{transform_indices = @transform_0, window_bounds = array<i64: 1000, 128>}, {transform_indices = @transform_1, window_bounds = array<i64: 1000, 128>}]} {
    %get3A = arith.constant 0 : index
    %get3A_0 = arith.constant 0 : index
    %get3A_1 = vector.load %arg1[%get3A, %get3A_0] : memref<1000x128xf32, #tpu.memory_space<vmem>>, vector<1000x128xf32>
    %max3A = arith.constant 0.000000e+00 : f32
    %max3A_2 = vector.broadcast %max3A : f32 to vector<1000x128xf32>
    %max3A_3 = arith.maximumf %get3A_1, %max3A_2 : vector<1000x128xf32>
    %swap3A = arith.constant 0 : index
    %swap3A_4 = arith.constant 0 : index
    %swap3A_5 = vector.load %arg2[%swap3A, %swap3A_4] : memref<1000x128xf32, #tpu.memory_space<vmem>>, vector<1000x128xf32>
    tpu.vector_store %arg2[%swap3A, %swap3A_4], %max3A_3 {strides = array<i32>} : memref<1000x128xf32, #tpu.memory_space<vmem>>, vector<1000x128xf32>,
    return
  }
  func.func @transform_0(%arg0: i32) -> (i32, i32) {
    %c0_i32 = arith.constant 0 : i32
    %c0_i32_0 = arith.constant 0 : i32
    return %arg0, %c0_i32 : i32, i32
  }
  func.func @transform_1(%arg0: i32) -> (i32, i32) {
    %c0_i32 = arith.constant 0 : i32
    %c0_i32_0 = arith.constant 0 : i32
    return %arg0, %c0_i32 : i32, i32
  }
}

</mosaic_0001>

<sc_bundles>
// kernel: kernel.10.cloned.1.call-start
scs
__scs_entry_jumppad:
0x0: {  	(pc) =	sbr.rel $0x88, $3  }
0x1: {  	(tag) =	ssettag $0x0;
	lr =	simm.s32 $0x1  }
0x2: {  	[smem:$0x3F98] =	sst lr;
	_ =	strace $0xD0000000  }
0x3: {  	_ = 	snop  }
0x4: {  	_ = 	snop  }
0x5: {  	_ = 	snop  }
0x6: {  	_ = 	snop  }
0x7: {  	_ = 	snop  }
__scs_overlays_trampoline_lowered:
0x8: {  	[smem:$0x3FA7] =	sst s0  }
0x9: {  	[smem:$0x3FA8] =	sst s1  }
0xa: {  	[smem:$0x3FA9] =	sst s2  }
0xb: {  	[smem:$0x3FAA] =	sst s3  }
0xc: {  	[smem:$0x3FAB] =	sst s4  }
0xd: {  	[smem:$0x3FAC] =	sst s5  }
0xe: {  	[smem:$0x3FAD] =	sst s6  }
0xf: {  	[smem:$0x3FAE] =	sst s7  }
0x10: {  	[smem:$0x3FAF] =	sst s8  }
0x11: {  	[smem:$0x3FB0] =	sst s9;
	s0 =	simm.s32 @!p0 $0x0  }
0x12: {  	s1 =	sld [smem:$0x3F96];
	s0 =	simm.s32 @p0 $0x1  }
0x13: {  	[smem:$0x3FB1] =	sst s0;
	s0 =	simm.s32 @!p1 $0x0  }
0x14: {  	s2 =	sld [smem:$0x3F95];
	s0 =	simm.s32 @p1 $0x1  }
0x15: {  	[smem:$0x3FB2] =	sst s0;
	s0 =	simm.s32 @!p2 $0x0  }
0x16: {  	s3 =	sld [smem:$0x3FDB];
	s0 =	simm.s32 @p2 $0x1  }
0x17: {  	s4 =	simm.s32 $0x1BF5;
	[smem:$0x3FB4] =	sst s0  }
0x18: {  	s0 =	sld [smem:$0x3F97];
	_ =	swait.ge [sflag:s4], $0x0  }
0x19: {  	s7 =	sld [smem:$0x3F98]  }
0x1a: {  	s8 =	sadd.s32 $0xFFFFE003, lr  }
0x1b: {  	s9 =	sadd.s32 $0xFFFFFEF7, lr;
	s5 =	simm.s32 $0xFFFFFFFF;
	p2 =	slt.u32 s8, $0xFFFFF086  }
0x1c: {  	p1 =	slt.u32 s9, $0xF7A;
	s5 =	simm.s32 @!p2 $0x0  }
0x1d: {  	s5 =	simm.s32 @p1 $0x1;
	p0 =	seq.s32 s7, s2  }
0x1e: {  	s7 =	smul.u32 @!p0 $0xF7A, s2;
	p2 =	seq.s32 @!p0 s5, $0x0  }
0x1f: {  	s9 =	smul.u32 $0xF7A, s1;
	s8 =	simm.s32 @!p0 $0x1BF5;
	p2 =	por !p2, p0  }
0x20: {  	[sflag:s8] =	ssyncset.s32 @!p0 $0xFFFFF086;
	s6 =	sadd.s32 @!p0 s3, s7;
	s7 =	simm.s32 @!p0 $0x108  }
0x21: {  	s3 =	sadd.s32 s3, s9;
	s6 =	sadd.s32 @!p0 $0x88, s6;
	s7 =	simm.s32 @p2 $0x1082  }
0x22: {  	[simem:s7], [sflag:s8] =	dma.local @!p0 [hbm:s6], $0xF7A  }
0x23: {  	s9 =	sor.u32 $0xD0000000, s2;
	s6 =	simm.s32 $0x108;
	_ =	swait.ge @!p0 [sflag:s8], $0x0  }
0x24: {  	s3 =	sadd.s32 $0x88, s3;
	s6 =	simm.s32 @!p1 $0x1082;
	[sflag:s4] =	ssyncset.s32 $0xFFFFF086  }
0x25: {  	[simem:s6], [sflag:s4] =	dma.local [hbm:s3], $0xF7A  }
0x26: {  	[smem:$0x3F98] =	sst s1;
	(tag) =	ssettag s2;
	_ =	strace s9  }
0x27: {  	s1 =	sld [smem:$0x3FA8]  }
0x28: {  	s2 =	sld [smem:$0x3FA9]  }
0x29: {  	s4 =	sld [smem:$0x3FAB]  }
0x2a: {  	p0 =	seq.s32 s5, $0x0;
	s5 =	sld [smem:$0x3FAC]  }
0x2b: {  	s6 =	sld [smem:$0x3FAD]  }
0x2c: {  	s7 =	sld [smem:$0x3FAE]  }
0x2d: {  	s3 =	simm.s32 $0x108;
	s8 =	sld [smem:$0x3FAF]  }
0x2e: {  	s3 =	simm.s32 @!p0 $0x1082;
	s9 =	sld [smem:$0x3FB0]  }
0x2f: {  	lr =	sadd.s32 s0, s3;
	s0 =	sld [smem:$0x3FA7]  }
0x30: {  	s3 =	sld [smem:$0x3FAA]  }
0x31: {  	[smem:$0x3FB3] =	sst s10  }
0x32: {  	s10 =	sld [smem:$0x3FB1];
	_ =	sdelay $0x3  }
0x33: {  	p0 =	seq.s32 s10, $0x1;
	s10 =	sld [smem:$0x3FB3];
	_ =	sdelay $0x3  }
0x34: {  	[smem:$0x3FB3] =	sst s10  }
0x35: {  	s10 =	sld [smem:$0x3FB2];
	_ =	sdelay $0x3  }
0x36: {  	p1 =	seq.s32 s10, $0x1;
	s10 =	sld [smem:$0x3FB3];
	_ =	sdelay $0x3  }
0x37: {  	[smem:$0x3FB3] =	sst s10  }
0x38: {  	s10 =	sld [smem:$0x3FB4]  }
0x39: {  	_ = 	snop;
	(pc) =	sbr.ind lr, $3  }
0x3a: {  	_ = 	snop  }
0x3b: {  	_ = 	snop  }
0x3c: {  	p2 =	seq.s32 s10, $0x1;
	s10 =	sld [smem:$0x3FB3]  }
0x3d: {  	_ =	shalt  }
0x3e: {  	_ =	shalt  }
0x3f: {  	_ =	shalt  }
0x40: {  	_ =	shalt  }
0x41: {  	_ =	shalt  }
0x42: {  	_ =	shalt  }
0x43: {  	_ =	shalt  }
0x44: {  	_ =	shalt  }
0x45: {  	_ =	shalt  }
0x46: {  	_ =	shalt  }
0x47: {  	_ =	shalt  }
0x48: {  	_ =	shalt  }
0x49: {  	_ =	shalt  }
0x4a: {  	_ =	shalt  }
0x4b: {  	_ =	shalt  }
0x4c: {  	_ =	shalt  }
0x4d: {  	_ =	shalt  }
0x4e: {  	_ =	shalt  }
0x4f: {  	_ =	shalt  }
0x50: {  	_ =	shalt  }
0x51: {  	_ =	shalt  }
0x52: {  	_ =	shalt  }
0x53: {  	_ =	shalt  }
0x54: {  	_ =	shalt  }
0x55: {  	_ =	shalt  }
0x56: {  	_ =	shalt  }
0x57: {  	_ =	shalt  }
0x58: {  	_ =	shalt  }
0x59: {  	_ =	shalt  }
0x5a: {  	_ =	shalt  }
0x5b: {  	_ =	shalt  }
0x5c: {  	_ =	shalt  }
0x5d: {  	_ =	shalt  }
0x5e: {  	_ =	shalt  }
0x5f: {  	_ =	shalt  }
0x60: {  	_ =	shalt  }
0x61: {  	_ =	shalt  }
0x62: {  	_ =	shalt  }
0x63: {  	_ =	shalt  }
0x64: {  	_ =	shalt  }
0x65: {  	_ =	shalt  }
0x66: {  	_ =	shalt  }
0x67: {  	_ =	shalt  }
0x68: {  	_ =	shalt  }
0x69: {  	_ =	shalt  }
0x6a: {  	_ =	shalt  }
0x6b: {  	_ =	shalt  }
0x6c: {  	_ =	shalt  }
0x6d: {  	_ =	shalt  }
0x6e: {  	_ =	shalt  }
0x6f: {  	_ =	shalt  }
0x70: {  	_ =	shalt  }
0x71: {  	_ =	shalt  }
0x72: {  	_ =	shalt  }
0x73: {  	_ =	shalt  }
0x74: {  	_ =	shalt  }
0x75: {  	_ =	shalt  }
0x76: {  	_ =	shalt  }
0x77: {  	_ =	shalt  }
0x78: {  	_ =	shalt  }
0x79: {  	_ =	shalt  }
0x7a: {  	_ =	shalt  }
0x7b: {  	_ =	shalt  }
0x7c: {  	_ =	shalt  }
0x7d: {  	_ =	shalt  }
0x7e: {  	_ =	shalt  }
0x7f: {  	_ =	shalt  }
0x80: {  	_ =	shalt  }
0x81: {  	_ =	shalt  }
0x82: {  	_ =	shalt  }
0x83: {  	_ =	shalt  }
0x84: {  	_ =	shalt  }
0x85: {  	_ =	shalt  }
0x86: {  	_ =	shalt  }
0x87: {  	_ =	shalt  }
.Lfunc_end0:
.L_simem_size_0:
called_computation_lowered:
.L_overlay_start_0:
0x88: {  	s0 =	sld [smem:$0x3FD9]  }
0x89: {  	s1 =	sld [smem:$0x3FFE];
	_ =	sdelay $0x3  }
0x8a: {  	s0 =	sadd.s32 s1, s0  }
0x8b: {  	[smem:$0x3FBF] =	sst s0  }
0x8c: {  	_ = 	snop  }
0x8d: {  	s0 =	sld [smem:$0x3FD0];
	(tm) =	ssettm $0x1  }
0x8e: {  	s16 =	sld [smem:$0x3FFB];
	_ =	sdelay $0x3  }
0x8f: {  	_ =	strace s16  }
0x90: {  	s1 =	sld [smem:$0x3FFC];
	_ =	sdelay $0x3  }
0x91: {  	_ =	strace s1  }
0x92: {  	s1 =	sld [smem:$0x3FFD];
	_ =	sdelay $0x3  }
0x93: {  	_ =	strace s1  }
0x94: {  	_ =	strace $0x8FFFFFFF  }
0x95: {  	s17 =	sld [smem:$0x3FDB];
	_ =	sdelay $0x1  }
0x96: {  	s2 =	simm.s32 $_scs_section_size  }
0x97: {  	s3 =	simm.s32 $_size__tile_overlayer_lowered;
	s4 =	simm.s32 $_tile_overlayer_lowered  }
0x98: {  	s20 =	simm.s32 $0x1BFF;
	s19 =	sshll.u32 s4, $0x1;
	s1 =	sadd.s32 s2, s17  }
0x99: {  	s5 =	simm.s32 $0x0;
	s18 =	sshll.u32 s3, $0x1;
	s3 =	sadd.s32 s19, s1  }
0x9a: {  	[timem:s5], [sflag:s20] =	dma.local [hbm:s3], s18  }
0x9b: {  	_ =	swait.ge [sflag:s20], s18  }
0x9c: {  	s2 =	ssub.s32 $0x0, s18;
	[sflag:s20] =	ssyncset.done $0x0  }
0x9d: {  	[sflag:s20] =	ssyncadd.s32 s2;
	_ =	sdelay $0x1  }
0x9e: {  	s21 =	simm.s32 $0x1B8B  }
0x9f: {  	_ =	swait.ge [sflag:s21], $0x1  }
0xa0: {  	[sflag:s21] =	ssyncset.done $0x0  }
0xa1: {  	s23 =	simm.s32 $0x1B8E;
	s22 =	sld [smem:$0x3FFE];
	[sflag:s21] =	ssyncadd.s32 $0xFFFFFFFF  }
0xa2: {  	s24 =	simm.s32 $execute0_lowered;
	[smem:$0x3FD2] =	sst s23  }
0xa3: {  	s3 =	sshll.u32 s24, $0x1;
	_ =	strace $0x80000046;
	[dreg:$0x1] =	wrdreg $0xFFFFFFFF  }
0xa4: {  	s25 =	simm.s32 $_size_execute0_lowered;
	s1 =	sadd.s32 s1, s3;
	[dreg:$0x0] =	wrdreg $0x0  }
0xa5: {  	s3 =	sshll.u32 s25, $0x1;
	[dreg:$0x2] =	wrdreg s1  }
0xa6: {  	[dreg:$0x3] =	wrdreg s3  }
0xa7: {  	[dreg:$0x4] =	wrdreg $0xC0  }
0xa8: {  	_ =	task [dreg:s5], $0x5FFFF  }
0xa9: {  	[dreg:$0x1] =	wrdreg $0xFFFFFFFF  }
0xaa: {  	[dreg:$0x0] =	wrdreg $0x60  }
0xab: {  	[dreg:$0x2] =	wrdreg s22  }
0xac: {  	[dreg:$0x3] =	wrdreg s0  }
0xad: {  	[dreg:$0x4] =	wrdreg $0xC4000  }
0xae: {  	[dreg:$0x5] =	wrdreg $0x9  }
0xaf: {  	_ =	task.clear_ibuf [dreg:s5], $0x6FFFF;
	_ =	strace $0x90000046  }
0xb0: {  	s26 =	simm.s32 $0x9;
	_ =	strace $0x80000048  }
0xb1: {  	_ =	swait.ge [sflag:s26], $0x1  }
0xb2: {  	[sflag:s26] =	ssyncadd.s32 $0xFFFFFFFF  }
0xb3: {  	_ =	strace $0x90000048  }
0xb4: {  	_ =	sfence  }
0xb5: {  	s28 =	sld [smem:$0x0];
	_ =	sdelay $0x1  }
0xb6: {  	s29 =	srdreg.scid  }
0xb7: {  	s30 =	sshll.u32 s29, $0xD;
	s31 =	sshrl.u32 s29, $0x2  }
0xb8: {  	s2 =	sand.u32 $0x4000, s30;
	s1 =	sand.u32 $0x1, s29;
	s0 =	sadd.s32 s31, s28  }
0xb9: {  	s1 =	sor.u32 s2, s1;
	s0 =	sshll.u32 s0, $0x11  }
0xba: {  	s0 =	sor.u32 s0, s1  }
0xbb: {  	s0 =	sadd.s32 $0x8F2B, s0  }
0xbc: {  	[sflag:s0] =	ssyncadd.remote.s32 $0x1  }
0xbd: {  	_ =	sfence.sel $0xFFFF  }
0xbe: {  	[dreg:$0x0] =	wrdreg $0xFFFFFFFF;
	(pc) =	sbr.abs _section_cstart, $3  }
0xbf: {  	[dreg:$0x1] =	wrdreg $0xFFFFFFFF  }
0xc0: {  	_ =	task.clear_ibuf [dreg:s5], $0x2FFFF;
	_ =	strace $0x9FFFFFFF  }
0xc1: {  	(tm) =	ssettm $0x7FFFFFFF  }
tec
execute0_lowered:
.L_overlay_start_1:
0x0: {  	(tag) =	ssettag $0x1  }
0x1: {  	s9 =	rddreg [dreg:$0x0]  }
0x2: {  	s11 =	rddreg [dreg:$0x1];
	s0 =	stileid.u32  }
0x3: {  	s2 =	rddreg [dreg:$0x2];
	s4 =	smul.u32 $0x4F000, s0  }
0x4: {  	s1 =	rddreg [dreg:$0x3];
	s3 =	simm.s32 $0x0;
	s6 =	smul.u32 $0x13C00, s0  }
0x5: {  	s18 =	simm.s32 $0x9;
	[smem:$0x7FF] =	sst s3;
	s7 =	smul.u32 $0x5400, s0  }
0x6: {  	s5 =	sadd.s32 $0xC800, s9;
	_ =	strace $0x80000047;
	s4 =	sshrl.u32 s4, $0x2  }
0x7: {  	s6 =	sshrl.u32 s6, $0x3;
	s7 =	sshrl.u32 s7, $0x3;
	s8 =	sadd.s32 s4, s2  }
0x8: {  	s17 =	sadd.s32 s5, s6;
	s4 =	sshll.u32 s0, $0x6;
	s13 =	sadd.s32 s11, s7  }
0x9: {  	s10 =	sadd.s32 $0x13C000, s17;
	s12 =	sor.u32 $0x1C08, s4;
	s6 =	sshrl.u32 s8, $0x3  }
0xa: {  	[spmem:s6], [sflag:s12] =	dma.local [hbm:s10], $0x2780  }
0xb: {  	[tilespmem:s3], [sflag:$0x9] =	stream.linear.gather [hbm4b:s13+s3], $0x400, $0x38;
	v63 =	vld [tilespmem:$0x0]  }
0xc: {  	_ =	swait.ge [sflag:s18], $0x400  }
0xd: {  	s19 =	sadd.s32 $0x2000, s9;
	[sflag:s18] =	ssyncset.done $0x0  }
0xe: {  	s21 =	simm.s32 $0x800;
	s20 =	sadd.s32 s19, s7;
	[sflag:s18] =	ssyncadd.s32 $0xFFFFFC00  }
0xf: {  	[tilespmem:s21], [sflag:$0x9] =	stream.linear.gather [hbm4b:s20+s3], $0x400, $0x38;
	v63 =	vld [tilespmem:$0x0]  }
0x10: {  	_ =	swait.ge [sflag:s18], $0x400  }
0x11: {  	s22 =	sadd.s32 $0x80, s7;
	[sflag:s18] =	ssyncset.done $0x0  }
0x12: {  	s7 =	simm.s32 $0x400;
	s23 =	sadd.s32 s11, s22;
	[sflag:s18] =	ssyncadd.s32 $0xFFFFFC00  }
0x13: {  	[tilespmem:s7], [sflag:$0x7] =	stream.linear.gather [hbm4b:s23+s3], $0x400, $0x38;
	v63 =	vld [tilespmem:$0x0]  }
0x14: {  	s25 =	simm.s32 $0xC00;
	s24 =	sadd.s32 s19, s22  }
0x15: {  	[tilespmem:s25], [sflag:$0x7] =	stream.linear.gather [hbm4b:s24+s3], $0x400, $0x38;
	v63 =	vld [tilespmem:$0x0]  }
0x16: {  	s26 =	simm.s32 $0x1000;
	s28 =	simm.s32 $0x80;
	s8 =	simm.s32 $0x78  }
0x17: {  	[tilespmem:s26], [sflag:$0x1] =	stream.indirect.gather [hbm4b:s5+s8], $0x80, s3, s8, $0xb8;
	v63 =	vld [tilespmem:$0x0]  }
0x18: {  	s29 =	simm.s32 $0x4C00;
	s30 =	simm.s32 $0x8;
	s31 =	smul.u32 $0xA80, s0  }
0x19: {  	[tilespmem:s29], [sflag:$0x2] =	stream.indirect.gather [hbm4b:s5+s8], $0x80, s28, s8, $0xb8;
	v63 =	vld [tilespmem:$0x0]  }
0x1a: {  	s9 =	sadd.s32 $0x170000, s9;
	_ =	swait.ge [sflag:s30], $0x2780  }
0x1b: {  	s11 =	sadd.s32 s31, s11;
	s10 =	sadd.s32 s31, s19;
	[sflag:s30] =	ssyncset.done $0x0  }
0x1c: {  	s11 =	sadd.s32 $0x80, s11;
	s12 =	simm.s32 $0xFFFFFFF8;
	[sflag:s30] =	ssyncadd.s32 $0xFFFFD880  }
0x1d: {  	s10 =	sadd.s32 $0x80, s10;
	s13 =	simm.s32 $0x7;
	[bflag:$0x0] =	sbarrier.arrive $0xFFFF  }
.LBB2_1:
0x1e: {  	s14 =	sadd.s32 $0x8, s12  }
0x1f: {  	s15 =	smul.u32 $0xAB, s14;
	_ =	sdelay $0x1  }
0x20: {  	s15 =	sshrl.u32 s15, $0x9  }
0x21: {  	s15 =	sand.u32 $0x7F, s15  }
0x22: {  	s15 =	smul.u32 $0x3, s15;
	_ =	sdelay $0x1  }
0x23: {  	s19 =	sand.u32 $0x1000, s3;
	p0 =	seq.s32 s12, $0xFFFFFFF8;
	s15 =	ssub.s32 s14, s15  }
0x24: {  	s16 =	sand.u32 $0x7, s14;
	s19 =	sshrl.u32 s19, $0x2;
	s15 =	sand.u32 $0xFF, s15  }
0x25: {  	s20 =	sshll.u32 s16, $0x7;
	s17 =	smul.u32 $0xF000, s15;
	s18 =	sadd.s32 $0x1, s15  }
.Ltmp0:
0x26: {  	s19 =	sor.u32 s20, s19;
	_ =	swait.ge [sflag:s18], $0x3C00;
	(pc) =	sbr.rel @p0 .LBB2_5-.Ltmp0, $4  }
0x27: {  	s31 =	sor.u32 $0x800, s19;
	s17 =	sshrl.u32 s17, $0x2;
	[sflag:s18] =	ssyncset.done $0x0  }
0x28: {  	s15 =	sor.u32 $0x4, s15;
	s17 =	sadd.s32 $0x1000, s17;
	[sflag:s18] =	ssyncadd.s32 $0xFFFFC400  }
0x29: {  	[spmem:s2] =	stream.indirect.scatter.add.f32 [tilespmem:s17], [sflag:s15], $0x80, s31, s8, $0xb8;
	v63 =	vld [tilespmem:$0x0]  }
0x2a: {  	s15 =	simm.s32 $0x2;
	s17 =	simm.s32 $0x2  }
0x2b: {  	s15 =	sadd.s32 $0x2, s14  }
0x2c: {  	s17 =	sand.u32 $0xFF, s15  }
0x2d: {  	s17 =	smul.u32 $0xAB, s17;
	_ =	sdelay $0x1  }
0x2e: {  	s17 =	sshrl.u32 s17, $0x9  }
0x2f: {  	s17 =	smul.u32 $0x3, s17;
	_ =	sdelay $0x1  }
0x30: {  	s15 =	ssub.s32 s15, s17  }
0x31: {  	s15 =	sor.u32 $0x4, s15  }
0x32: {  	p0 =	sne.s32 s16, $0x0;
	s15 =	sand.u32 $0xFF, s15  }
0x33: {  	p1 =	sgt.u32 @!p0 s12, $0x90;
	_ =	swait.ge [sflag:s15], $0x3C00  }
0x34: {  	p0 =	por p1, p0;
	[sflag:s15] =	ssyncset.done $0x0  }
0x35: {  	s16 =	simm.s32 @!p0 $0x0;
	[sflag:s15] =	ssyncadd.s32 $0xFFFFC400;
	s15 =	sand.u32 @!p0 $0x400, s7  }
0x36: {  	[tilespmem:s15], [sflag:$0x7] =	stream.linear.gather @!p0 [hbm4b:s11+s16], $0x400, $0x38;
	v63 =	vld [tilespmem:$0x0]  }
0x37: {  	s15 =	sor.u32 @!p0 $0x800, s15  }
0x38: {  	[tilespmem:s15], [sflag:$0x7] =	stream.linear.gather @!p0 [hbm4b:s10+s16], $0x400, $0x38;
	v63 =	vld [tilespmem:$0x0]  }
0x39: {  	s15 =	sadd.s32 $0xA, s12  }
0x3a: {  	p0 =	sgt.u32 s14, $0xA5;
	s17 =	sand.u32 $0x7, s15  }
0x3b: {  	p1 =	sne.s32 @!p0 s17, $0x0  }
0x3c: {  	p1 =	por p0, p1  }
.Ltmp1:
0x3d: {  	_ = 	snop;
	(pc) =	sbr.rel @p1 .LBB2_4-.Ltmp1, $1  }
0x3e: {  	_ =	sdelay $0x3  }
0x3f: {  	_ =	swait.ge [sflag:s13], $0x400  }
0x40: {  	[sflag:s13] =	ssyncset.done $0x0  }
0x41: {  	[sflag:s13] =	ssyncadd.s32 $0xFFFFFC00  }
0x42: {  	_ =	swait.ge [sflag:s13], $0x400  }
0x43: {  	[sflag:s13] =	ssyncset.done $0x0  }
0x44: {  	s17 =	simm.s32 $0x0;
	[sflag:s13] =	ssyncadd.s32 $0xFFFFFC00  }
.LBB2_5:
0x45: {  	s14 =	smul.u32 $0xAB, s15;
	_ =	sdelay $0x1  }
0x46: {  	s14 =	sshrl.u32 s14, $0x9  }
0x47: {  	s14 =	sand.u32 $0x7F, s14  }
0x48: {  	s14 =	smul.u32 $0x3, s14;
	_ =	sdelay $0x1  }
0x49: {  	s14 =	ssub.s32 s15, s14  }
0x4a: {  	s14 =	sand.u32 $0xFF, s14  }
0x4b: {  	s16 =	smul.u32 $0xF000, s14  }
0x4c: {  	s31 =	sshll.u32 s15, $0x7  }
0x4d: {  	s17 =	sshll.u32 s17, $0x7;
	s15 =	sand.u32 $0x400, s31;
	s16 =	sshrl.u32 s16, $0x2  }
0x4e: {  	s15 =	sor.u32 s17, s15;
	s14 =	sadd.s32 $0x1, s14;
	s16 =	sadd.s32 $0x1000, s16  }
0x4f: {  	[tilespmem:s16], [sflag:s14] =	stream.indirect.gather [hbm4b:s5+s8], $0x80, s15, s8, $0xb8;
	v63 =	vld [tilespmem:$0x0]  }
.LBB2_6:
0x50: {  	s12 =	sadd.s32 $0x1, s12  }
0x51: {  	p0 =	sne.s32 s12, $0xA0  }
.Ltmp2:
0x52: {  	_ = 	snop;
	(pc) =	sbr.rel @p0 .LBB2_1-.Ltmp2, $4  }
.Ltmp3:
0x53: {  	_ = 	snop;
	(pc) =	sbr.rel @!p0 .LBB2_7-.Ltmp3, $4  }
0x54: {  	_ = 	snop  }
0x55: {  	s10 =	sadd.s32 $0x10, s10  }
0x56: {  	s11 =	sadd.s32 $0x10, s11;
	s7 =	sadd.s32 $0x80, s7;
	s3 =	sadd.s32 $0x200, s3  }
0x57: {  	_ = 	snop  }
.LBB2_4:
.Ltmp4:
0x58: {  	(pc) =	sbr.rel @p0 .LBB2_6-.Ltmp4, $4  }
.Ltmp5:
0x59: {  	(pc) =	sbr.rel @!p0 .LBB2_5-.Ltmp5, $4  }
0x5a: {  	_ = 	snop  }
0x5b: {  	_ = 	snop  }
0x5c: {  	_ = 	snop  }
0x5d: {  	_ = 	snop  }
.LBB2_7:
0x5e: {  	s2 =	simm.s32 $0x6  }
0x5f: {  	_ =	swait.ge [sflag:s2], $0x3C00  }
0x60: {  	s3 =	smul.u32 $0x2780, s0;
	[sflag:s2] =	ssyncset.done $0x0  }
0x61: {  	s30 =	sor.u32 $0x1C09, s4;
	[sflag:s2] =	ssyncadd.s32 $0xFFFFC400  }
0x62: {  	s31 =	simm.s32 $0x9;
	s29 =	sadd.s32 s9, s3;
	[bflag:$0x0] =	sbarrier.arrive $0xFFFF  }
0x63: {  	[hbm:s29], [sflag:s30] =	dma.local [spmem:s6], $0x2780  }
0x64: {  	_ =	swait.ge [sflag:s31], $0x2780  }
0x65: {  	[sflag:s31] =	ssyncset.done $0x0  }
0x66: {  	[sflag:s31] =	ssyncadd.s32 $0xFFFFD880  }
0x67: {  	_ =	sfence.sel $0x180000  }
0x68: {  	[bflag:$0x0] =	sbarrier.arrive $0xFFFF  }
0x69: {  	p0 =	sne.s32 s0, $0x0;
	_ =	strace $0x90000047  }
0x6a: {  	s0 =	sadd.s32 @!p0 $0x100000, s1;
	[bflag:$0x2] =	sbarrier.arrive $0xFFFF  }
0x6b: {  	[sflag:s0] =	ssyncadd.tile.s32 @!p0 $0x1;
	_ =	shalt  }
.Lfunc_end2:
_tile_overlayer_lowered:
.L_overlay_start_2:
0x6c: {  	(tag) =	ssettag $0x2  }
0x6d: {  	s0 =	rddreg [dreg:$0x0];
	s2 =	stileid.u32  }
0x6e: {  	s1 =	rddreg [dreg:$0x1];
	p0 =	sne.s32 s2, $0x0  }
0x6f: {  	s3 =	rddreg [dreg:$0x2];
	[bflag:$0x3] =	sbarrier.arrive $0xFFFF;
	s2 =	simm.s32 @!p0 $0x1C09  }
0x70: {  	[timem:s3], [sflag:s2] =	dma.local @!p0 [hbm:s0], s1  }
0x71: {  	s0 =	simm.s32 @!p0 $0x9  }
0x72: {  	_ =	swait.ge @!p0 [sflag:s0], s1  }
0x73: {  	s1 =	ssub.s32 @!p0 $0x0, s1;
	[sflag:s0] =	ssyncset.done @!p0 $0x0  }
0x74: {  	[sflag:s0] =	ssyncadd.s32 @!p0 s1  }
0x75: {  	[bflag:$0x3] =	sbarrier.arrive $0xFFFF  }
0x76: {  	_ =	shalt  }

// kernel: kernel.13.cloned.1.call-start
scs
__scs_entry_jumppad:
0x0: {  	(pc) =	sbr.rel $0x88, $3  }
0x1: {  	(tag) =	ssettag $0x0;
	lr =	simm.s32 $0x1  }
0x2: {  	[smem:$0x3F98] =	sst lr;
	_ =	strace $0xD0000000  }
0x3: {  	_ = 	snop  }
0x4: {  	_ = 	snop  }
0x5: {  	_ = 	snop  }
0x6: {  	_ = 	snop  }
0x7: {  	_ = 	snop  }
__scs_overlays_trampoline_lowered:
0x8: {  	[smem:$0x3FA7] =	sst s0  }
0x9: {  	[smem:$0x3FA8] =	sst s1  }
0xa: {  	[smem:$0x3FA9] =	sst s2  }
0xb: {  	[smem:$0x3FAA] =	sst s3  }
0xc: {  	[smem:$0x3FAB] =	sst s4  }
0xd: {  	[smem:$0x3FAC] =	sst s5  }
0xe: {  	[smem:$0x3FAD] =	sst s6  }
0xf: {  	[smem:$0x3FAE] =	sst s7  }
0x10: {  	[smem:$0x3FAF] =	sst s8  }
0x11: {  	[smem:$0x3FB0] =	sst s9;
	s0 =	simm.s32 @!p0 $0x0  }
0x12: {  	s1 =	sld [smem:$0x3F96];
	s0 =	simm.s32 @p0 $0x1  }
0x13: {  	[smem:$0x3FB1] =	sst s0;
	s0 =	simm.s32 @!p1 $0x0  }
0x14: {  	s2 =	sld [smem:$0x3F95];
	s0 =	simm.s32 @p1 $0x1  }
0x15: {  	[smem:$0x3FB2] =	sst s0;
	s0 =	simm.s32 @!p2 $0x0  }
0x16: {  	s3 =	sld [smem:$0x3FDB];
	s0 =	simm.s32 @p2 $0x1  }
0x17: {  	s4 =	simm.s32 $0x1BF5;
	[smem:$0x3FB4] =	sst s0  }
0x18: {  	s0 =	sld [smem:$0x3F97];
	_ =	swait.ge [sflag:s4], $0x0  }
0x19: {  	s7 =	sld [smem:$0x3F98]  }
0x1a: {  	s8 =	sadd.s32 $0xFFFFE003, lr  }
0x1b: {  	s9 =	sadd.s32 $0xFFFFFEF7, lr;
	s5 =	simm.s32 $0xFFFFFFFF;
	p2 =	slt.u32 s8, $0xFFFFF086  }
0x1c: {  	p1 =	slt.u32 s9, $0xF7A;
	s5 =	simm.s32 @!p2 $0x0  }
0x1d: {  	s5 =	simm.s32 @p1 $0x1;
	p0 =	seq.s32 s7, s2  }
0x1e: {  	s7 =	smul.u32 @!p0 $0xF7A, s2;
	p2 =	seq.s32 @!p0 s5, $0x0  }
0x1f: {  	s9 =	smul.u32 $0xF7A, s1;
	s8 =	simm.s32 @!p0 $0x1BF5;
	p2 =	por !p2, p0  }
0x20: {  	[sflag:s8] =	ssyncset.s32 @!p0 $0xFFFFF086;
	s6 =	sadd.s32 @!p0 s3, s7;
	s7 =	simm.s32 @!p0 $0x108  }
0x21: {  	s3 =	sadd.s32 s3, s9;
	s6 =	sadd.s32 @!p0 $0x88, s6;
	s7 =	simm.s32 @p2 $0x1082  }
0x22: {  	[simem:s7], [sflag:s8] =	dma.local @!p0 [hbm:s6], $0xF7A  }
0x23: {  	s9 =	sor.u32 $0xD0000000, s2;
	s6 =	simm.s32 $0x108;
	_ =	swait.ge @!p0 [sflag:s8], $0x0  }
0x24: {  	s3 =	sadd.s32 $0x88, s3;
	s6 =	simm.s32 @!p1 $0x1082;
	[sflag:s4] =	ssyncset.s32 $0xFFFFF086  }
0x25: {  	[simem:s6], [sflag:s4] =	dma.local [hbm:s3], $0xF7A  }
0x26: {  	[smem:$0x3F98] =	sst s1;
	(tag) =	ssettag s2;
	_ =	strace s9  }
0x27: {  	s1 =	sld [smem:$0x3FA8]  }
0x28: {  	s2 =	sld [smem:$0x3FA9]  }
0x29: {  	s4 =	sld [smem:$0x3FAB]  }
0x2a: {  	p0 =	seq.s32 s5, $0x0;
	s5 =	sld [smem:$0x3FAC]  }
0x2b: {  	s6 =	sld [smem:$0x3FAD]  }
0x2c: {  	s7 =	sld [smem:$0x3FAE]  }
0x2d: {  	s3 =	simm.s32 $0x108;
	s8 =	sld [smem:$0x3FAF]  }
0x2e: {  	s3 =	simm.s32 @!p0 $0x1082;
	s9 =	sld [smem:$0x3FB0]  }
0x2f: {  	lr =	sadd.s32 s0, s3;
	s0 =	sld [smem:$0x3FA7]  }
0x30: {  	s3 =	sld [smem:$0x3FAA]  }
0x31: {  	[smem:$0x3FB3] =	sst s10  }
0x32: {  	s10 =	sld [smem:$0x3FB1];
	_ =	sdelay $0x3  }
0x33: {  	p0 =	seq.s32 s10, $0x1;
	s10 =	sld [smem:$0x3FB3];
	_ =	sdelay $0x3  }
0x34: {  	[smem:$0x3FB3] =	sst s10  }
0x35: {  	s10 =	sld [smem:$0x3FB2];
	_ =	sdelay $0x3  }
0x36: {  	p1 =	seq.s32 s10, $0x1;
	s10 =	sld [smem:$0x3FB3];
	_ =	sdelay $0x3  }
0x37: {  	[smem:$0x3FB3] =	sst s10  }
0x38: {  	s10 =	sld [smem:$0x3FB4]  }
0x39: {  	_ = 	snop;
	(pc) =	sbr.ind lr, $3  }
0x3a: {  	_ = 	snop  }
0x3b: {  	_ = 	snop  }
0x3c: {  	p2 =	seq.s32 s10, $0x1;
	s10 =	sld [smem:$0x3FB3]  }
0x3d: {  	_ =	shalt  }
0x3e: {  	_ =	shalt  }
0x3f: {  	_ =	shalt  }
0x40: {  	_ =	shalt  }
0x41: {  	_ =	shalt  }
0x42: {  	_ =	shalt  }
0x43: {  	_ =	shalt  }
0x44: {  	_ =	shalt  }
0x45: {  	_ =	shalt  }
0x46: {  	_ =	shalt  }
0x47: {  	_ =	shalt  }
0x48: {  	_ =	shalt  }
0x49: {  	_ =	shalt  }
0x4a: {  	_ =	shalt  }
0x4b: {  	_ =	shalt  }
0x4c: {  	_ =	shalt  }
0x4d: {  	_ =	shalt  }
0x4e: {  	_ =	shalt  }
0x4f: {  	_ =	shalt  }
0x50: {  	_ =	shalt  }
0x51: {  	_ =	shalt  }
0x52: {  	_ =	shalt  }
0x53: {  	_ =	shalt  }
0x54: {  	_ =	shalt  }
0x55: {  	_ =	shalt  }
0x56: {  	_ =	shalt  }
0x57: {  	_ =	shalt  }
0x58: {  	_ =	shalt  }
0x59: {  	_ =	shalt  }
0x5a: {  	_ =	shalt  }
0x5b: {  	_ =	shalt  }
0x5c: {  	_ =	shalt  }
0x5d: {  	_ =	shalt  }
0x5e: {  	_ =	shalt  }
0x5f: {  	_ =	shalt  }
0x60: {  	_ =	shalt  }
0x61: {  	_ =	shalt  }
0x62: {  	_ =	shalt  }
0x63: {  	_ =	shalt  }
0x64: {  	_ =	shalt  }
0x65: {  	_ =	shalt  }
0x66: {  	_ =	shalt  }
0x67: {  	_ =	shalt  }
0x68: {  	_ =	shalt  }
0x69: {  	_ =	shalt  }
0x6a: {  	_ =	shalt  }
0x6b: {  	_ =	shalt  }
0x6c: {  	_ =	shalt  }
0x6d: {  	_ =	shalt  }
0x6e: {  	_ =	shalt  }
0x6f: {  	_ =	shalt  }
0x70: {  	_ =	shalt  }
0x71: {  	_ =	shalt  }
0x72: {  	_ =	shalt  }
0x73: {  	_ =	shalt  }
0x74: {  	_ =	shalt  }
0x75: {  	_ =	shalt  }
0x76: {  	_ =	shalt  }
0x77: {  	_ =	shalt  }
0x78: {  	_ =	shalt  }
0x79: {  	_ =	shalt  }
0x7a: {  	_ =	shalt  }
0x7b: {  	_ =	shalt  }
0x7c: {  	_ =	shalt  }
0x7d: {  	_ =	shalt  }
0x7e: {  	_ =	shalt  }
0x7f: {  	_ =	shalt  }
0x80: {  	_ =	shalt  }
0x81: {  	_ =	shalt  }
0x82: {  	_ =	shalt  }
0x83: {  	_ =	shalt  }
0x84: {  	_ =	shalt  }
0x85: {  	_ =	shalt  }
0x86: {  	_ =	shalt  }
0x87: {  	_ =	shalt  }
.Lfunc_end0:
.L_simem_size_0:
called_computation.1_lowered:
.L_overlay_start_0:
0x88: {  	s0 =	sld [smem:$0x3FD9]  }
0x89: {  	s1 =	sld [smem:$0x3FFE];
	_ =	sdelay $0x3  }
0x8a: {  	s0 =	sadd.s32 s1, s0  }
0x8b: {  	[smem:$0x3FBF] =	sst s0  }
0x8c: {  	_ = 	snop  }
0x8d: {  	s0 =	sld [smem:$0x3FD0];
	(tm) =	ssettm $0x1  }
0x8e: {  	s16 =	sld [smem:$0x3FFB];
	_ =	sdelay $0x3  }
0x8f: {  	_ =	strace s16  }
0x90: {  	s1 =	sld [smem:$0x3FFC];
	_ =	sdelay $0x3  }
0x91: {  	_ =	strace s1  }
0x92: {  	s1 =	sld [smem:$0x3FFD];
	_ =	sdelay $0x3  }
0x93: {  	_ =	strace s1  }
0x94: {  	_ =	strace $0x8FFFFFFF  }
0x95: {  	s17 =	sld [smem:$0x3FDB];
	_ =	sdelay $0x1  }
0x96: {  	s2 =	simm.s32 $_scs_section_size  }
0x97: {  	s3 =	simm.s32 $_size__tile_overlayer_lowered;
	s4 =	simm.s32 $_tile_overlayer_lowered  }
0x98: {  	s20 =	simm.s32 $0x1BFF;
	s19 =	sshll.u32 s4, $0x1;
	s1 =	sadd.s32 s2, s17  }
0x99: {  	s5 =	simm.s32 $0x0;
	s18 =	sshll.u32 s3, $0x1;
	s3 =	sadd.s32 s19, s1  }
0x9a: {  	[timem:s5], [sflag:s20] =	dma.local [hbm:s3], s18  }
0x9b: {  	_ =	swait.ge [sflag:s20], s18  }
0x9c: {  	s2 =	ssub.s32 $0x0, s18;
	[sflag:s20] =	ssyncset.done $0x0  }
0x9d: {  	[sflag:s20] =	ssyncadd.s32 s2;
	_ =	sdelay $0x1  }
0x9e: {  	s21 =	simm.s32 $0x1B8B  }
0x9f: {  	_ =	swait.ge [sflag:s21], $0x1  }
0xa0: {  	[sflag:s21] =	ssyncset.done $0x0  }
0xa1: {  	s23 =	simm.s32 $0x1B8E;
	s22 =	sld [smem:$0x3FFE];
	[sflag:s21] =	ssyncadd.s32 $0xFFFFFFFF  }
0xa2: {  	s24 =	simm.s32 $execute0_lowered;
	[smem:$0x3FD2] =	sst s23  }
0xa3: {  	s3 =	sshll.u32 s24, $0x1;
	_ =	strace $0x80000049;
	[dreg:$0x1] =	wrdreg $0xFFFFFFFF  }
0xa4: {  	s25 =	simm.s32 $_size_execute0_lowered;
	s1 =	sadd.s32 s1, s3;
	[dreg:$0x0] =	wrdreg $0x0  }
0xa5: {  	s3 =	sshll.u32 s25, $0x1;
	[dreg:$0x2] =	wrdreg s1  }
0xa6: {  	[dreg:$0x3] =	wrdreg s3  }
0xa7: {  	[dreg:$0x4] =	wrdreg $0xC0  }
0xa8: {  	_ =	task [dreg:s5], $0x5FFFF  }
0xa9: {  	[dreg:$0x1] =	wrdreg $0xFFFFFFFF  }
0xaa: {  	[dreg:$0x0] =	wrdreg $0x60  }
0xab: {  	[dreg:$0x2] =	wrdreg s22  }
0xac: {  	[dreg:$0x3] =	wrdreg s0  }
0xad: {  	[dreg:$0x4] =	wrdreg $0xC4000  }
0xae: {  	[dreg:$0x5] =	wrdreg $0x9  }
0xaf: {  	_ =	task.clear_ibuf [dreg:s5], $0x6FFFF;
	_ =	strace $0x90000049  }
0xb0: {  	s26 =	simm.s32 $0x9;
	_ =	strace $0x8000004B  }
0xb1: {  	_ =	swait.ge [sflag:s26], $0x1  }
0xb2: {  	[sflag:s26] =	ssyncadd.s32 $0xFFFFFFFF  }
0xb3: {  	_ =	strace $0x9000004B  }
0xb4: {  	_ =	sfence  }
0xb5: {  	s28 =	sld [smem:$0x0];
	_ =	sdelay $0x1  }
0xb6: {  	s29 =	srdreg.scid  }
0xb7: {  	s30 =	sshll.u32 s29, $0xD;
	s31 =	sshrl.u32 s29, $0x2  }
0xb8: {  	s2 =	sand.u32 $0x4000, s30;
	s1 =	sand.u32 $0x1, s29;
	s0 =	sadd.s32 s31, s28  }
0xb9: {  	s1 =	sor.u32 s2, s1;
	s0 =	sshll.u32 s0, $0x11  }
0xba: {  	s0 =	sor.u32 s0, s1  }
0xbb: {  	s0 =	sadd.s32 $0x8F2B, s0  }
0xbc: {  	[sflag:s0] =	ssyncadd.remote.s32 $0x1  }
0xbd: {  	_ =	sfence.sel $0xFFFF  }
0xbe: {  	[dreg:$0x0] =	wrdreg $0xFFFFFFFF;
	(pc) =	sbr.abs _section_cstart, $3  }
0xbf: {  	[dreg:$0x1] =	wrdreg $0xFFFFFFFF  }
0xc0: {  	_ =	task.clear_ibuf [dreg:s5], $0x2FFFF;
	_ =	strace $0x9FFFFFFF  }
0xc1: {  	(tm) =	ssettm $0x7FFFFFFF  }
tec
execute0_lowered:
.L_overlay_start_1:
0x0: {  	(tag) =	ssettag $0x1  }
0x1: {  	s9 =	rddreg [dreg:$0x0]  }
0x2: {  	s11 =	rddreg [dreg:$0x1];
	s0 =	stileid.u32  }
0x3: {  	s2 =	rddreg [dreg:$0x2];
	s4 =	smul.u32 $0x4F000, s0  }
0x4: {  	s1 =	rddreg [dreg:$0x3];
	s3 =	simm.s32 $0x0;
	s6 =	smul.u32 $0x13C00, s0  }
0x5: {  	s18 =	simm.s32 $0x9;
	[smem:$0x7FF] =	sst s3;
	s7 =	smul.u32 $0x5400, s0  }
0x6: {  	s5 =	sadd.s32 $0xC800, s9;
	_ =	strace $0x8000004A;
	s4 =	sshrl.u32 s4, $0x2  }
0x7: {  	s6 =	sshrl.u32 s6, $0x3;
	s7 =	sshrl.u32 s7, $0x3;
	s8 =	sadd.s32 s4, s2  }
0x8: {  	s17 =	sadd.s32 s5, s6;
	s4 =	sshll.u32 s0, $0x6;
	s13 =	sadd.s32 s11, s7  }
0x9: {  	s10 =	sadd.s32 $0x13C000, s17;
	s12 =	sor.u32 $0x1C08, s4;
	s6 =	sshrl.u32 s8, $0x3  }
0xa: {  	[spmem:s6], [sflag:s12] =	dma.local [hbm:s10], $0x2780  }
0xb: {  	[tilespmem:s3], [sflag:$0x9] =	stream.linear.gather [hbm4b:s13+s3], $0x400, $0x38;
	v63 =	vld [tilespmem:$0x0]  }
0xc: {  	_ =	swait.ge [sflag:s18], $0x400  }
0xd: {  	s19 =	sadd.s32 $0x2000, s9;
	[sflag:s18] =	ssyncset.done $0x0  }
0xe: {  	s21 =	simm.s32 $0x800;
	s20 =	sadd.s32 s19, s7;
	[sflag:s18] =	ssyncadd.s32 $0xFFFFFC00  }
0xf: {  	[tilespmem:s21], [sflag:$0x9] =	stream.linear.gather [hbm4b:s20+s3], $0x400, $0x38;
	v63 =	vld [tilespmem:$0x0]  }
0x10: {  	_ =	swait.ge [sflag:s18], $0x400  }
0x11: {  	s22 =	sadd.s32 $0x80, s7;
	[sflag:s18] =	ssyncset.done $0x0  }
0x12: {  	s7 =	simm.s32 $0x400;
	s23 =	sadd.s32 s11, s22;
	[sflag:s18] =	ssyncadd.s32 $0xFFFFFC00  }
0x13: {  	[tilespmem:s7], [sflag:$0x7] =	stream.linear.gather [hbm4b:s23+s3], $0x400, $0x38;
	v63 =	vld [tilespmem:$0x0]  }
0x14: {  	s25 =	simm.s32 $0xC00;
	s24 =	sadd.s32 s19, s22  }
0x15: {  	[tilespmem:s25], [sflag:$0x7] =	stream.linear.gather [hbm4b:s24+s3], $0x400, $0x38;
	v63 =	vld [tilespmem:$0x0]  }
0x16: {  	s26 =	simm.s32 $0x1000;
	s28 =	simm.s32 $0x80;
	s8 =	simm.s32 $0x78  }
0x17: {  	[tilespmem:s26], [sflag:$0x1] =	stream.indirect.gather [hbm4b:s5+s8], $0x80, s3, s8, $0xb8;
	v63 =	vld [tilespmem:$0x0]  }
0x18: {  	s29 =	simm.s32 $0x4C00;
	s30 =	simm.s32 $0x8;
	s31 =	smul.u32 $0xA80, s0  }
0x19: {  	[tilespmem:s29], [sflag:$0x2] =	stream.indirect.gather [hbm4b:s5+s8], $0x80, s28, s8, $0xb8;
	v63 =	vld [tilespmem:$0x0]  }
0x1a: {  	s9 =	sadd.s32 $0x170000, s9;
	_ =	swait.ge [sflag:s30], $0x2780  }
0x1b: {  	s11 =	sadd.s32 s31, s11;
	s10 =	sadd.s32 s31, s19;
	[sflag:s30] =	ssyncset.done $0x0  }
0x1c: {  	s11 =	sadd.s32 $0x80, s11;
	s12 =	simm.s32 $0xFFFFFFF8;
	[sflag:s30] =	ssyncadd.s32 $0xFFFFD880  }
0x1d: {  	s10 =	sadd.s32 $0x80, s10;
	s13 =	simm.s32 $0x7;
	[bflag:$0x0] =	sbarrier.arrive $0xFFFF  }
.LBB2_1:
0x1e: {  	s14 =	sadd.s32 $0x8, s12  }
0x1f: {  	s15 =	smul.u32 $0xAB, s14;
	_ =	sdelay $0x1  }
0x20: {  	s15 =	sshrl.u32 s15, $0x9  }
0x21: {  	s15 =	sand.u32 $0x7F, s15  }
0x22: {  	s15 =	smul.u32 $0x3, s15;
	_ =	sdelay $0x1  }
0x23: {  	s19 =	sand.u32 $0x1000, s3;
	p0 =	seq.s32 s12, $0xFFFFFFF8;
	s15 =	ssub.s32 s14, s15  }
0x24: {  	s16 =	sand.u32 $0x7, s14;
	s19 =	sshrl.u32 s19, $0x2;
	s15 =	sand.u32 $0xFF, s15  }
0x25: {  	s20 =	sshll.u32 s16, $0x7;
	s17 =	smul.u32 $0xF000, s15;
	s18 =	sadd.s32 $0x1, s15  }
.Ltmp0:
0x26: {  	s19 =	sor.u32 s20, s19;
	_ =	swait.ge [sflag:s18], $0x3C00;
	(pc) =	sbr.rel @p0 .LBB2_5-.Ltmp0, $4  }
0x27: {  	s31 =	sor.u32 $0x800, s19;
	s17 =	sshrl.u32 s17, $0x2;
	[sflag:s18] =	ssyncset.done $0x0  }
0x28: {  	s15 =	sor.u32 $0x4, s15;
	s17 =	sadd.s32 $0x1000, s17;
	[sflag:s18] =	ssyncadd.s32 $0xFFFFC400  }
0x29: {  	[spmem:s2] =	stream.indirect.scatter.add.f32 [tilespmem:s17], [sflag:s15], $0x80, s31, s8, $0xb8;
	v63 =	vld [tilespmem:$0x0]  }
0x2a: {  	s15 =	simm.s32 $0x2;
	s17 =	simm.s32 $0x2  }
0x2b: {  	s15 =	sadd.s32 $0x2, s14  }
0x2c: {  	s17 =	sand.u32 $0xFF, s15  }
0x2d: {  	s17 =	smul.u32 $0xAB, s17;
	_ =	sdelay $0x1  }
0x2e: {  	s17 =	sshrl.u32 s17, $0x9  }
0x2f: {  	s17 =	smul.u32 $0x3, s17;
	_ =	sdelay $0x1  }
0x30: {  	s15 =	ssub.s32 s15, s17  }
0x31: {  	s15 =	sor.u32 $0x4, s15  }
0x32: {  	p0 =	sne.s32 s16, $0x0;
	s15 =	sand.u32 $0xFF, s15  }
0x33: {  	p1 =	sgt.u32 @!p0 s12, $0x90;
	_ =	swait.ge [sflag:s15], $0x3C00  }
0x34: {  	p0 =	por p1, p0;
	[sflag:s15] =	ssyncset.done $0x0  }
0x35: {  	s16 =	simm.s32 @!p0 $0x0;
	[sflag:s15] =	ssyncadd.s32 $0xFFFFC400;
	s15 =	sand.u32 @!p0 $0x400, s7  }
0x36: {  	[tilespmem:s15], [sflag:$0x7] =	stream.linear.gather @!p0 [hbm4b:s11+s16], $0x400, $0x38;
	v63 =	vld [tilespmem:$0x0]  }
0x37: {  	s15 =	sor.u32 @!p0 $0x800, s15  }
0x38: {  	[tilespmem:s15], [sflag:$0x7] =	stream.linear.gather @!p0 [hbm4b:s10+s16], $0x400, $0x38;
	v63 =	vld [tilespmem:$0x0]  }
0x39: {  	s15 =	sadd.s32 $0xA, s12  }
0x3a: {  	p0 =	sgt.u32 s14, $0xA5;
	s17 =	sand.u32 $0x7, s15  }
0x3b: {  	p1 =	sne.s32 @!p0 s17, $0x0  }
0x3c: {  	p1 =	por p0, p1  }
.Ltmp1:
0x3d: {  	_ = 	snop;
	(pc) =	sbr.rel @p1 .LBB2_4-.Ltmp1, $1  }
0x3e: {  	_ =	sdelay $0x3  }
0x3f: {  	_ =	swait.ge [sflag:s13], $0x400  }
0x40: {  	[sflag:s13] =	ssyncset.done $0x0  }
0x41: {  	[sflag:s13] =	ssyncadd.s32 $0xFFFFFC00  }
0x42: {  	_ =	swait.ge [sflag:s13], $0x400  }
0x43: {  	[sflag:s13] =	ssyncset.done $0x0  }
0x44: {  	s17 =	simm.s32 $0x0;
	[sflag:s13] =	ssyncadd.s32 $0xFFFFFC00  }
.LBB2_5:
0x45: {  	s14 =	smul.u32 $0xAB, s15;
	_ =	sdelay $0x1  }
0x46: {  	s14 =	sshrl.u32 s14, $0x9  }
0x47: {  	s14 =	sand.u32 $0x7F, s14  }
0x48: {  	s14 =	smul.u32 $0x3, s14;
	_ =	sdelay $0x1  }
0x49: {  	s14 =	ssub.s32 s15, s14  }
0x4a: {  	s14 =	sand.u32 $0xFF, s14  }
0x4b: {  	s16 =	smul.u32 $0xF000, s14  }
0x4c: {  	s31 =	sshll.u32 s15, $0x7  }
0x4d: {  	s17 =	sshll.u32 s17, $0x7;
	s15 =	sand.u32 $0x400, s31;
	s16 =	sshrl.u32 s16, $0x2  }
0x4e: {  	s15 =	sor.u32 s17, s15;
	s14 =	sadd.s32 $0x1, s14;
	s16 =	sadd.s32 $0x1000, s16  }
0x4f: {  	[tilespmem:s16], [sflag:s14] =	stream.indirect.gather [hbm4b:s5+s8], $0x80, s15, s8, $0xb8;
	v63 =	vld [tilespmem:$0x0]  }
.LBB2_6:
0x50: {  	s12 =	sadd.s32 $0x1, s12  }
0x51: {  	p0 =	sne.s32 s12, $0xA0  }
.Ltmp2:
0x52: {  	_ = 	snop;
	(pc) =	sbr.rel @p0 .LBB2_1-.Ltmp2, $4  }
.Ltmp3:
0x53: {  	_ = 	snop;
	(pc) =	sbr.rel @!p0 .LBB2_7-.Ltmp3, $4  }
0x54: {  	_ = 	snop  }
0x55: {  	s10 =	sadd.s32 $0x10, s10  }
0x56: {  	s11 =	sadd.s32 $0x10, s11;
	s7 =	sadd.s32 $0x80, s7;
	s3 =	sadd.s32 $0x200, s3  }
0x57: {  	_ = 	snop  }
.LBB2_4:
.Ltmp4:
0x58: {  	(pc) =	sbr.rel @p0 .LBB2_6-.Ltmp4, $4  }
.Ltmp5:
0x59: {  	(pc) =	sbr.rel @!p0 .LBB2_5-.Ltmp5, $4  }
0x5a: {  	_ = 	snop  }
0x5b: {  	_ = 	snop  }
0x5c: {  	_ = 	snop  }
0x5d: {  	_ = 	snop  }
.LBB2_7:
0x5e: {  	s2 =	simm.s32 $0x6  }
0x5f: {  	_ =	swait.ge [sflag:s2], $0x3C00  }
0x60: {  	s3 =	smul.u32 $0x2780, s0;
	[sflag:s2] =	ssyncset.done $0x0  }
0x61: {  	s30 =	sor.u32 $0x1C09, s4;
	[sflag:s2] =	ssyncadd.s32 $0xFFFFC400  }
0x62: {  	s31 =	simm.s32 $0x9;
	s29 =	sadd.s32 s9, s3;
	[bflag:$0x0] =	sbarrier.arrive $0xFFFF  }
0x63: {  	[hbm:s29], [sflag:s30] =	dma.local [spmem:s6], $0x2780  }
0x64: {  	_ =	swait.ge [sflag:s31], $0x2780  }
0x65: {  	[sflag:s31] =	ssyncset.done $0x0  }
0x66: {  	[sflag:s31] =	ssyncadd.s32 $0xFFFFD880  }
0x67: {  	_ =	sfence.sel $0x180000  }
0x68: {  	[bflag:$0x0] =	sbarrier.arrive $0xFFFF  }
0x69: {  	p0 =	sne.s32 s0, $0x0;
	_ =	strace $0x9000004A  }
0x6a: {  	s0 =	sadd.s32 @!p0 $0x100000, s1;
	[bflag:$0x2] =	sbarrier.arrive $0xFFFF  }
0x6b: {  	[sflag:s0] =	ssyncadd.tile.s32 @!p0 $0x1;
	_ =	shalt  }
.Lfunc_end2:
_tile_overlayer_lowered:
.L_overlay_start_2:
0x6c: {  	(tag) =	ssettag $0x2  }
0x6d: {  	s0 =	rddreg [dreg:$0x0];
	s2 =	stileid.u32  }
0x6e: {  	s1 =	rddreg [dreg:$0x1];
	p0 =	sne.s32 s2, $0x0  }
0x6f: {  	s3 =	rddreg [dreg:$0x2];
	[bflag:$0x3] =	sbarrier.arrive $0xFFFF;
	s2 =	simm.s32 @!p0 $0x1C09  }
0x70: {  	[timem:s3], [sflag:s2] =	dma.local @!p0 [hbm:s0], s1  }
0x71: {  	s0 =	simm.s32 @!p0 $0x9  }
0x72: {  	_ =	swait.ge @!p0 [sflag:s0], s1  }
0x73: {  	s1 =	ssub.s32 @!p0 $0x0, s1;
	[sflag:s0] =	ssyncset.done @!p0 $0x0  }
0x74: {  	[sflag:s0] =	ssyncadd.s32 @!p0 s1  }
0x75: {  	[bflag:$0x3] =	sbarrier.arrive $0xFFFF  }
0x76: {  	_ =	shalt  }

// kernel: kernel.16.cloned.1.call-start
scs
__scs_entry_jumppad:
0x0: {  	(pc) =	sbr.rel $0x88, $3  }
0x1: {  	(tag) =	ssettag $0x0;
	lr =	simm.s32 $0x1  }
0x2: {  	[smem:$0x3F98] =	sst lr;
	_ =	strace $0xD0000000  }
0x3: {  	_ = 	snop  }
0x4: {  	_ = 	snop  }
0x5: {  	_ = 	snop  }
0x6: {  	_ = 	snop  }
0x7: {  	_ = 	snop  }
__scs_overlays_trampoline_lowered:
0x8: {  	[smem:$0x3FA7] =	sst s0  }
0x9: {  	[smem:$0x3FA8] =	sst s1  }
0xa: {  	[smem:$0x3FA9] =	sst s2  }
0xb: {  	[smem:$0x3FAA] =	sst s3  }
0xc: {  	[smem:$0x3FAB] =	sst s4  }
0xd: {  	[smem:$0x3FAC] =	sst s5  }
0xe: {  	[smem:$0x3FAD] =	sst s6  }
0xf: {  	[smem:$0x3FAE] =	sst s7  }
0x10: {  	[smem:$0x3FAF] =	sst s8  }
0x11: {  	[smem:$0x3FB0] =	sst s9;
	s0 =	simm.s32 @!p0 $0x0  }
0x12: {  	s1 =	sld [smem:$0x3F96];
	s0 =	simm.s32 @p0 $0x1  }
0x13: {  	[smem:$0x3FB1] =	sst s0;
	s0 =	simm.s32 @!p1 $0x0  }
0x14: {  	s2 =	sld [smem:$0x3F95];
	s0 =	simm.s32 @p1 $0x1  }
0x15: {  	[smem:$0x3FB2] =	sst s0;
	s0 =	simm.s32 @!p2 $0x0  }
0x16: {  	s3 =	sld [smem:$0x3FDB];
	s0 =	simm.s32 @p2 $0x1  }
0x17: {  	s4 =	simm.s32 $0x1BF5;
	[smem:$0x3FB4] =	sst s0  }
0x18: {  	s0 =	sld [smem:$0x3F97];
	_ =	swait.ge [sflag:s4], $0x0  }
0x19: {  	s7 =	sld [smem:$0x3F98]  }
0x1a: {  	s8 =	sadd.s32 $0xFFFFE003, lr  }
0x1b: {  	s9 =	sadd.s32 $0xFFFFFEF7, lr;
	s5 =	simm.s32 $0xFFFFFFFF;
	p2 =	slt.u32 s8, $0xFFFFF086  }
0x1c: {  	p1 =	slt.u32 s9, $0xF7A;
	s5 =	simm.s32 @!p2 $0x0  }
0x1d: {  	s5 =	simm.s32 @p1 $0x1;
	p0 =	seq.s32 s7, s2  }
0x1e: {  	s7 =	smul.u32 @!p0 $0xF7A, s2;
	p2 =	seq.s32 @!p0 s5, $0x0  }
0x1f: {  	s9 =	smul.u32 $0xF7A, s1;
	s8 =	simm.s32 @!p0 $0x1BF5;
	p2 =	por !p2, p0  }
0x20: {  	[sflag:s8] =	ssyncset.s32 @!p0 $0xFFFFF086;
	s6 =	sadd.s32 @!p0 s3, s7;
	s7 =	simm.s32 @!p0 $0x108  }
0x21: {  	s3 =	sadd.s32 s3, s9;
	s6 =	sadd.s32 @!p0 $0x88, s6;
	s7 =	simm.s32 @p2 $0x1082  }
0x22: {  	[simem:s7], [sflag:s8] =	dma.local @!p0 [hbm:s6], $0xF7A  }
0x23: {  	s9 =	sor.u32 $0xD0000000, s2;
	s6 =	simm.s32 $0x108;
	_ =	swait.ge @!p0 [sflag:s8], $0x0  }
0x24: {  	s3 =	sadd.s32 $0x88, s3;
	s6 =	simm.s32 @!p1 $0x1082;
	[sflag:s4] =	ssyncset.s32 $0xFFFFF086  }
0x25: {  	[simem:s6], [sflag:s4] =	dma.local [hbm:s3], $0xF7A  }
0x26: {  	[smem:$0x3F98] =	sst s1;
	(tag) =	ssettag s2;
	_ =	strace s9  }
0x27: {  	s1 =	sld [smem:$0x3FA8]  }
0x28: {  	s2 =	sld [smem:$0x3FA9]  }
0x29: {  	s4 =	sld [smem:$0x3FAB]  }
0x2a: {  	p0 =	seq.s32 s5, $0x0;
	s5 =	sld [smem:$0x3FAC]  }
0x2b: {  	s6 =	sld [smem:$0x3FAD]  }
0x2c: {  	s7 =	sld [smem:$0x3FAE]  }
0x2d: {  	s3 =	simm.s32 $0x108;
	s8 =	sld [smem:$0x3FAF]  }
0x2e: {  	s3 =	simm.s32 @!p0 $0x1082;
	s9 =	sld [smem:$0x3FB0]  }
0x2f: {  	lr =	sadd.s32 s0, s3;
	s0 =	sld [smem:$0x3FA7]  }
0x30: {  	s3 =	sld [smem:$0x3FAA]  }
0x31: {  	[smem:$0x3FB3] =	sst s10  }
0x32: {  	s10 =	sld [smem:$0x3FB1];
	_ =	sdelay $0x3  }
0x33: {  	p0 =	seq.s32 s10, $0x1;
	s10 =	sld [smem:$0x3FB3];
	_ =	sdelay $0x3  }
0x34: {  	[smem:$0x3FB3] =	sst s10  }
0x35: {  	s10 =	sld [smem:$0x3FB2];
	_ =	sdelay $0x3  }
0x36: {  	p1 =	seq.s32 s10, $0x1;
	s10 =	sld [smem:$0x3FB3];
	_ =	sdelay $0x3  }
0x37: {  	[smem:$0x3FB3] =	sst s10  }
0x38: {  	s10 =	sld [smem:$0x3FB4]  }
0x39: {  	_ = 	snop;
	(pc) =	sbr.ind lr, $3  }
0x3a: {  	_ = 	snop  }
0x3b: {  	_ = 	snop  }
0x3c: {  	p2 =	seq.s32 s10, $0x1;
	s10 =	sld [smem:$0x3FB3]  }
0x3d: {  	_ =	shalt  }
0x3e: {  	_ =	shalt  }
0x3f: {  	_ =	shalt  }
0x40: {  	_ =	shalt  }
0x41: {  	_ =	shalt  }
0x42: {  	_ =	shalt  }
0x43: {  	_ =	shalt  }
0x44: {  	_ =	shalt  }
0x45: {  	_ =	shalt  }
0x46: {  	_ =	shalt  }
0x47: {  	_ =	shalt  }
0x48: {  	_ =	shalt  }
0x49: {  	_ =	shalt  }
0x4a: {  	_ =	shalt  }
0x4b: {  	_ =	shalt  }
0x4c: {  	_ =	shalt  }
0x4d: {  	_ =	shalt  }
0x4e: {  	_ =	shalt  }
0x4f: {  	_ =	shalt  }
0x50: {  	_ =	shalt  }
0x51: {  	_ =	shalt  }
0x52: {  	_ =	shalt  }
0x53: {  	_ =	shalt  }
0x54: {  	_ =	shalt  }
0x55: {  	_ =	shalt  }
0x56: {  	_ =	shalt  }
0x57: {  	_ =	shalt  }
0x58: {  	_ =	shalt  }
0x59: {  	_ =	shalt  }
0x5a: {  	_ =	shalt  }
0x5b: {  	_ =	shalt  }
0x5c: {  	_ =	shalt  }
0x5d: {  	_ =	shalt  }
0x5e: {  	_ =	shalt  }
0x5f: {  	_ =	shalt  }
0x60: {  	_ =	shalt  }
0x61: {  	_ =	shalt  }
0x62: {  	_ =	shalt  }
0x63: {  	_ =	shalt  }
0x64: {  	_ =	shalt  }
0x65: {  	_ =	shalt  }
0x66: {  	_ =	shalt  }
0x67: {  	_ =	shalt  }
0x68: {  	_ =	shalt  }
0x69: {  	_ =	shalt  }
0x6a: {  	_ =	shalt  }
0x6b: {  	_ =	shalt  }
0x6c: {  	_ =	shalt  }
0x6d: {  	_ =	shalt  }
0x6e: {  	_ =	shalt  }
0x6f: {  	_ =	shalt  }
0x70: {  	_ =	shalt  }
0x71: {  	_ =	shalt  }
0x72: {  	_ =	shalt  }
0x73: {  	_ =	shalt  }
0x74: {  	_ =	shalt  }
0x75: {  	_ =	shalt  }
0x76: {  	_ =	shalt  }
0x77: {  	_ =	shalt  }
0x78: {  	_ =	shalt  }
0x79: {  	_ =	shalt  }
0x7a: {  	_ =	shalt  }
0x7b: {  	_ =	shalt  }
0x7c: {  	_ =	shalt  }
0x7d: {  	_ =	shalt  }
0x7e: {  	_ =	shalt  }
0x7f: {  	_ =	shalt  }
0x80: {  	_ =	shalt  }
0x81: {  	_ =	shalt  }
0x82: {  	_ =	shalt  }
0x83: {  	_ =	shalt  }
0x84: {  	_ =	shalt  }
0x85: {  	_ =	shalt  }
0x86: {  	_ =	shalt  }
0x87: {  	_ =	shalt  }
.Lfunc_end0:
.L_simem_size_0:
called_computation.2_lowered:
.L_overlay_start_0:
0x88: {  	s0 =	sld [smem:$0x3FD9]  }
0x89: {  	s1 =	sld [smem:$0x3FFE];
	_ =	sdelay $0x3  }
0x8a: {  	s0 =	sadd.s32 s1, s0  }
0x8b: {  	[smem:$0x3FBF] =	sst s0  }
0x8c: {  	_ = 	snop  }
0x8d: {  	s0 =	sld [smem:$0x3FD0];
	(tm) =	ssettm $0x1  }
0x8e: {  	s16 =	sld [smem:$0x3FFB];
	_ =	sdelay $0x3  }
0x8f: {  	_ =	strace s16  }
0x90: {  	s1 =	sld [smem:$0x3FFC];
	_ =	sdelay $0x3  }
0x91: {  	_ =	strace s1  }
0x92: {  	s1 =	sld [smem:$0x3FFD];
	_ =	sdelay $0x3  }
0x93: {  	_ =	strace s1  }
0x94: {  	_ =	strace $0x8FFFFFFF  }
0x95: {  	s17 =	sld [smem:$0x3FDB];
	_ =	sdelay $0x1  }
0x96: {  	s2 =	simm.s32 $_scs_section_size  }
0x97: {  	s3 =	simm.s32 $_size__tile_overlayer_lowered;
	s4 =	simm.s32 $_tile_overlayer_lowered  }
0x98: {  	s20 =	simm.s32 $0x1BFF;
	s19 =	sshll.u32 s4, $0x1;
	s1 =	sadd.s32 s2, s17  }
0x99: {  	s5 =	simm.s32 $0x0;
	s18 =	sshll.u32 s3, $0x1;
	s3 =	sadd.s32 s19, s1  }
0x9a: {  	[timem:s5], [sflag:s20] =	dma.local [hbm:s3], s18  }
0x9b: {  	_ =	swait.ge [sflag:s20], s18  }
0x9c: {  	s2 =	ssub.s32 $0x0, s18;
	[sflag:s20] =	ssyncset.done $0x0  }
0x9d: {  	[sflag:s20] =	ssyncadd.s32 s2;
	_ =	sdelay $0x1  }
0x9e: {  	s21 =	simm.s32 $0x1B8B  }
0x9f: {  	_ =	swait.ge [sflag:s21], $0x1  }
0xa0: {  	[sflag:s21] =	ssyncset.done $0x0  }
0xa1: {  	s23 =	simm.s32 $0x1B8E;
	s22 =	sld [smem:$0x3FFE];
	[sflag:s21] =	ssyncadd.s32 $0xFFFFFFFF  }
0xa2: {  	s24 =	simm.s32 $execute0_lowered;
	[smem:$0x3FD2] =	sst s23  }
0xa3: {  	s3 =	sshll.u32 s24, $0x1;
	_ =	strace $0x8000004C;
	[dreg:$0x1] =	wrdreg $0xFFFFFFFF  }
0xa4: {  	s25 =	simm.s32 $_size_execute0_lowered;
	s1 =	sadd.s32 s1, s3;
	[dreg:$0x0] =	wrdreg $0x0  }
0xa5: {  	s3 =	sshll.u32 s25, $0x1;
	[dreg:$0x2] =	wrdreg s1  }
0xa6: {  	[dreg:$0x3] =	wrdreg s3  }
0xa7: {  	[dreg:$0x4] =	wrdreg $0xC0  }
0xa8: {  	_ =	task [dreg:s5], $0x5FFFF  }
0xa9: {  	[dreg:$0x1] =	wrdreg $0xFFFFFFFF  }
0xaa: {  	[dreg:$0x0] =	wrdreg $0x60  }
0xab: {  	[dreg:$0x2] =	wrdreg s22  }
0xac: {  	[dreg:$0x3] =	wrdreg s0  }
0xad: {  	[dreg:$0x4] =	wrdreg $0xC4000  }
0xae: {  	[dreg:$0x5] =	wrdreg $0x9  }
0xaf: {  	_ =	task.clear_ibuf [dreg:s5], $0x6FFFF;
	_ =	strace $0x9000004C  }
0xb0: {  	s26 =	simm.s32 $0x9;
	_ =	strace $0x8000004E  }
0xb1: {  	_ =	swait.ge [sflag:s26], $0x1  }
0xb2: {  	[sflag:s26] =	ssyncadd.s32 $0xFFFFFFFF  }
0xb3: {  	_ =	strace $0x9000004E  }
0xb4: {  	_ =	sfence  }
0xb5: {  	s28 =	sld [smem:$0x0];
	_ =	sdelay $0x1  }
0xb6: {  	s29 =	srdreg.scid  }
0xb7: {  	s30 =	sshll.u32 s29, $0xD;
	s31 =	sshrl.u32 s29, $0x2  }
0xb8: {  	s2 =	sand.u32 $0x4000, s30;
	s1 =	sand.u32 $0x1, s29;
	s0 =	sadd.s32 s31, s28  }
0xb9: {  	s1 =	sor.u32 s2, s1;
	s0 =	sshll.u32 s0, $0x11  }
0xba: {  	s0 =	sor.u32 s0, s1  }
0xbb: {  	s0 =	sadd.s32 $0x8F2B, s0  }
0xbc: {  	[sflag:s0] =	ssyncadd.remote.s32 $0x1  }
0xbd: {  	_ =	sfence.sel $0xFFFF  }
0xbe: {  	[dreg:$0x0] =	wrdreg $0xFFFFFFFF;
	(pc) =	sbr.abs _section_cstart, $3  }
0xbf: {  	[dreg:$0x1] =	wrdreg $0xFFFFFFFF  }
0xc0: {  	_ =	task.clear_ibuf [dreg:s5], $0x2FFFF;
	_ =	strace $0x9FFFFFFF  }
0xc1: {  	(tm) =	ssettm $0x7FFFFFFF  }
tec
execute0_lowered:
.L_overlay_start_1:
0x0: {  	(tag) =	ssettag $0x1  }
0x1: {  	s9 =	rddreg [dreg:$0x0]  }
0x2: {  	s11 =	rddreg [dreg:$0x1];
	s0 =	stileid.u32  }
0x3: {  	s2 =	rddreg [dreg:$0x2];
	s4 =	smul.u32 $0x4F000, s0  }
0x4: {  	s1 =	rddreg [dreg:$0x3];
	s3 =	simm.s32 $0x0;
	s6 =	smul.u32 $0x13C00, s0  }
0x5: {  	s18 =	simm.s32 $0x9;
	[smem:$0x7FF] =	sst s3;
	s7 =	smul.u32 $0x5400, s0  }
0x6: {  	s5 =	sadd.s32 $0xC800, s9;
	_ =	strace $0x8000004D;
	s4 =	sshrl.u32 s4, $0x2  }
0x7: {  	s6 =	sshrl.u32 s6, $0x3;
	s7 =	sshrl.u32 s7, $0x3;
	s8 =	sadd.s32 s4, s2  }
0x8: {  	s17 =	sadd.s32 s5, s6;
	s4 =	sshll.u32 s0, $0x6;
	s13 =	sadd.s32 s11, s7  }
0x9: {  	s10 =	sadd.s32 $0x13C000, s17;
	s12 =	sor.u32 $0x1C08, s4;
	s6 =	sshrl.u32 s8, $0x3  }
0xa: {  	[spmem:s6], [sflag:s12] =	dma.local [hbm:s10], $0x2780  }
0xb: {  	[tilespmem:s3], [sflag:$0x9] =	stream.linear.gather [hbm4b:s13+s3], $0x400, $0x38;
	v63 =	vld [tilespmem:$0x0]  }
0xc: {  	_ =	swait.ge [sflag:s18], $0x400  }
0xd: {  	s19 =	sadd.s32 $0x2000, s9;
	[sflag:s18] =	ssyncset.done $0x0  }
0xe: {  	s21 =	simm.s32 $0x800;
	s20 =	sadd.s32 s19, s7;
	[sflag:s18] =	ssyncadd.s32 $0xFFFFFC00  }
0xf: {  	[tilespmem:s21], [sflag:$0x9] =	stream.linear.gather [hbm4b:s20+s3], $0x400, $0x38;
	v63 =	vld [tilespmem:$0x0]  }
0x10: {  	_ =	swait.ge [sflag:s18], $0x400  }
0x11: {  	s22 =	sadd.s32 $0x80, s7;
	[sflag:s18] =	ssyncset.done $0x0  }
0x12: {  	s7 =	simm.s32 $0x400;
	s23 =	sadd.s32 s11, s22;
	[sflag:s18] =	ssyncadd.s32 $0xFFFFFC00  }
0x13: {  	[tilespmem:s7], [sflag:$0x7] =	stream.linear.gather [hbm4b:s23+s3], $0x400, $0x38;
	v63 =	vld [tilespmem:$0x0]  }
0x14: {  	s25 =	simm.s32 $0xC00;
	s24 =	sadd.s32 s19, s22  }
0x15: {  	[tilespmem:s25], [sflag:$0x7] =	stream.linear.gather [hbm4b:s24+s3], $0x400, $0x38;
	v63 =	vld [tilespmem:$0x0]  }
0x16: {  	s26 =	simm.s32 $0x1000;
	s28 =	simm.s32 $0x80;
	s8 =	simm.s32 $0x78  }
0x17: {  	[tilespmem:s26], [sflag:$0x1] =	stream.indirect.gather [hbm4b:s5+s8], $0x80, s3, s8, $0xb8;
	v63 =	vld [tilespmem:$0x0]  }
0x18: {  	s29 =	simm.s32 $0x4C00;
	s30 =	simm.s32 $0x8;
	s31 =	smul.u32 $0xA80, s0  }
0x19: {  	[tilespmem:s29], [sflag:$0x2] =	stream.indirect.gather [hbm4b:s5+s8], $0x80, s28, s8, $0xb8;
	v63 =	vld [tilespmem:$0x0]  }
0x1a: {  	s9 =	sadd.s32 $0x170000, s9;
	_ =	swait.ge [sflag:s30], $0x2780  }
0x1b: {  	s11 =	sadd.s32 s31, s11;
	s10 =	sadd.s32 s31, s19;
	[sflag:s30] =	ssyncset.done $0x0  }
0x1c: {  	s11 =	sadd.s32 $0x80, s11;
	s12 =	simm.s32 $0xFFFFFFF8;
	[sflag:s30] =	ssyncadd.s32 $0xFFFFD880  }
0x1d: {  	s10 =	sadd.s32 $0x80, s10;
	s13 =	simm.s32 $0x7;
	[bflag:$0x0] =	sbarrier.arrive $0xFFFF  }
.LBB2_1:
0x1e: {  	s14 =	sadd.s32 $0x8, s12  }
0x1f: {  	s15 =	smul.u32 $0xAB, s14;
	_ =	sdelay $0x1  }
0x20: {  	s15 =	sshrl.u32 s15, $0x9  }
0x21: {  	s15 =	sand.u32 $0x7F, s15  }
0x22: {  	s15 =	smul.u32 $0x3, s15;
	_ =	sdelay $0x1  }
0x23: {  	s19 =	sand.u32 $0x1000, s3;
	p0 =	seq.s32 s12, $0xFFFFFFF8;
	s15 =	ssub.s32 s14, s15  }
0x24: {  	s16 =	sand.u32 $0x7, s14;
	s19 =	sshrl.u32 s19, $0x2;
	s15 =	sand.u32 $0xFF, s15  }
0x25: {  	s20 =	sshll.u32 s16, $0x7;
	s17 =	smul.u32 $0xF000, s15;
	s18 =	sadd.s32 $0x1, s15  }
.Ltmp0:
0x26: {  	s19 =	sor.u32 s20, s19;
	_ =	swait.ge [sflag:s18], $0x3C00;
	(pc) =	sbr.rel @p0 .LBB2_5-.Ltmp0, $4  }
0x27: {  	s31 =	sor.u32 $0x800, s19;
	s17 =	sshrl.u32 s17, $0x2;
	[sflag:s18] =	ssyncset.done $0x0  }
0x28: {  	s15 =	sor.u32 $0x4, s15;
	s17 =	sadd.s32 $0x1000, s17;
	[sflag:s18] =	ssyncadd.s32 $0xFFFFC400  }
0x29: {  	[spmem:s2] =	stream.indirect.scatter.add.f32 [tilespmem:s17], [sflag:s15], $0x80, s31, s8, $0xb8;
	v63 =	vld [tilespmem:$0x0]  }
0x2a: {  	s15 =	simm.s32 $0x2;
	s17 =	simm.s32 $0x2  }
0x2b: {  	s15 =	sadd.s32 $0x2, s14  }
0x2c: {  	s17 =	sand.u32 $0xFF, s15  }
0x2d: {  	s17 =	smul.u32 $0xAB, s17;
	_ =	sdelay $0x1  }
0x2e: {  	s17 =	sshrl.u32 s17, $0x9  }
0x2f: {  	s17 =	smul.u32 $0x3, s17;
	_ =	sdelay $0x1  }
0x30: {  	s15 =	ssub.s32 s15, s17  }
0x31: {  	s15 =	sor.u32 $0x4, s15  }
0x32: {  	p0 =	sne.s32 s16, $0x0;
	s15 =	sand.u32 $0xFF, s15  }
0x33: {  	p1 =	sgt.u32 @!p0 s12, $0x90;
	_ =	swait.ge [sflag:s15], $0x3C00  }
0x34: {  	p0 =	por p1, p0;
	[sflag:s15] =	ssyncset.done $0x0  }
0x35: {  	s16 =	simm.s32 @!p0 $0x0;
	[sflag:s15] =	ssyncadd.s32 $0xFFFFC400;
	s15 =	sand.u32 @!p0 $0x400, s7  }
0x36: {  	[tilespmem:s15], [sflag:$0x7] =	stream.linear.gather @!p0 [hbm4b:s11+s16], $0x400, $0x38;
	v63 =	vld [tilespmem:$0x0]  }
0x37: {  	s15 =	sor.u32 @!p0 $0x800, s15  }
0x38: {  	[tilespmem:s15], [sflag:$0x7] =	stream.linear.gather @!p0 [hbm4b:s10+s16], $0x400, $0x38;
	v63 =	vld [tilespmem:$0x0]  }
0x39: {  	s15 =	sadd.s32 $0xA, s12  }
0x3a: {  	p0 =	sgt.u32 s14, $0xA5;
	s17 =	sand.u32 $0x7, s15  }
0x3b: {  	p1 =	sne.s32 @!p0 s17, $0x0  }
0x3c: {  	p1 =	por p0, p1  }
.Ltmp1:
0x3d: {  	_ = 	snop;
	(pc) =	sbr.rel @p1 .LBB2_4-.Ltmp1, $1  }
0x3e: {  	_ =	sdelay $0x3  }
0x3f: {  	_ =	swait.ge [sflag:s13], $0x400  }
0x40: {  	[sflag:s13] =	ssyncset.done $0x0  }
0x41: {  	[sflag:s13] =	ssyncadd.s32 $0xFFFFFC00  }
0x42: {  	_ =	swait.ge [sflag:s13], $0x400  }
0x43: {  	[sflag:s13] =	ssyncset.done $0x0  }
0x44: {  	s17 =	simm.s32 $0x0;
	[sflag:s13] =	ssyncadd.s32 $0xFFFFFC00  }
.LBB2_5:
0x45: {  	s14 =	smul.u32 $0xAB, s15;
	_ =	sdelay $0x1  }
0x46: {  	s14 =	sshrl.u32 s14, $0x9  }
0x47: {  	s14 =	sand.u32 $0x7F, s14  }
0x48: {  	s14 =	smul.u32 $0x3, s14;
	_ =	sdelay $0x1  }
0x49: {  	s14 =	ssub.s32 s15, s14  }
0x4a: {  	s14 =	sand.u32 $0xFF, s14  }
0x4b: {  	s16 =	smul.u32 $0xF000, s14  }
0x4c: {  	s31 =	sshll.u32 s15, $0x7  }
0x4d: {  	s17 =	sshll.u32 s17, $0x7;
	s15 =	sand.u32 $0x400, s31;
	s16 =	sshrl.u32 s16, $0x2  }
0x4e: {  	s15 =	sor.u32 s17, s15;
	s14 =	sadd.s32 $0x1, s14;
	s16 =	sadd.s32 $0x1000, s16  }
0x4f: {  	[tilespmem:s16], [sflag:s14] =	stream.indirect.gather [hbm4b:s5+s8], $0x80, s15, s8, $0xb8;
	v63 =	vld [tilespmem:$0x0]  }
.LBB2_6:
0x50: {  	s12 =	sadd.s32 $0x1, s12  }
0x51: {  	p0 =	sne.s32 s12, $0xA0  }
.Ltmp2:
0x52: {  	_ = 	snop;
	(pc) =	sbr.rel @p0 .LBB2_1-.Ltmp2, $4  }
.Ltmp3:
0x53: {  	_ = 	snop;
	(pc) =	sbr.rel @!p0 .LBB2_7-.Ltmp3, $4  }
0x54: {  	_ = 	snop  }
0x55: {  	s10 =	sadd.s32 $0x10, s10  }
0x56: {  	s11 =	sadd.s32 $0x10, s11;
	s7 =	sadd.s32 $0x80, s7;
	s3 =	sadd.s32 $0x200, s3  }
0x57: {  	_ = 	snop  }
.LBB2_4:
.Ltmp4:
0x58: {  	(pc) =	sbr.rel @p0 .LBB2_6-.Ltmp4, $4  }
.Ltmp5:
0x59: {  	(pc) =	sbr.rel @!p0 .LBB2_5-.Ltmp5, $4  }
0x5a: {  	_ = 	snop  }
0x5b: {  	_ = 	snop  }
0x5c: {  	_ = 	snop  }
0x5d: {  	_ = 	snop  }
.LBB2_7:
0x5e: {  	s2 =	simm.s32 $0x6  }
0x5f: {  	_ =	swait.ge [sflag:s2], $0x3C00  }
0x60: {  	s3 =	smul.u32 $0x2780, s0;
	[sflag:s2] =	ssyncset.done $0x0  }
0x61: {  	s30 =	sor.u32 $0x1C09, s4;
	[sflag:s2] =	ssyncadd.s32 $0xFFFFC400  }
0x62: {  	s31 =	simm.s32 $0x9;
	s29 =	sadd.s32 s9, s3;
	[bflag:$0x0] =	sbarrier.arrive $0xFFFF  }
0x63: {  	[hbm:s29], [sflag:s30] =	dma.local [spmem:s6], $0x2780  }
0x64: {  	_ =	swait.ge [sflag:s31], $0x2780  }
0x65: {  	[sflag:s31] =	ssyncset.done $0x0  }
0x66: {  	[sflag:s31] =	ssyncadd.s32 $0xFFFFD880  }
0x67: {  	_ =	sfence.sel $0x180000  }
0x68: {  	[bflag:$0x0] =	sbarrier.arrive $0xFFFF  }
0x69: {  	p0 =	sne.s32 s0, $0x0;
	_ =	strace $0x9000004D  }
0x6a: {  	s0 =	sadd.s32 @!p0 $0x100000, s1;
	[bflag:$0x2] =	sbarrier.arrive $0xFFFF  }
0x6b: {  	[sflag:s0] =	ssyncadd.tile.s32 @!p0 $0x1;
	_ =	shalt  }
.Lfunc_end2:
_tile_overlayer_lowered:
.L_overlay_start_2:
0x6c: {  	(tag) =	ssettag $0x2  }
0x6d: {  	s0 =	rddreg [dreg:$0x0];
	s2 =	stileid.u32  }
0x6e: {  	s1 =	rddreg [dreg:$0x1];
	p0 =	sne.s32 s2, $0x0  }
0x6f: {  	s3 =	rddreg [dreg:$0x2];
	[bflag:$0x3] =	sbarrier.arrive $0xFFFF;
	s2 =	simm.s32 @!p0 $0x1C09  }
0x70: {  	[timem:s3], [sflag:s2] =	dma.local @!p0 [hbm:s0], s1  }
0x71: {  	s0 =	simm.s32 @!p0 $0x9  }
0x72: {  	_ =	swait.ge @!p0 [sflag:s0], s1  }
0x73: {  	s1 =	ssub.s32 @!p0 $0x0, s1;
	[sflag:s0] =	ssyncset.done @!p0 $0x0  }
0x74: {  	[sflag:s0] =	ssyncadd.s32 @!p0 s1  }
0x75: {  	[bflag:$0x3] =	sbarrier.arrive $0xFFFF  }
0x76: {  	_ =	shalt  }

</sc_bundles>
